<compile_context>
chip_gen: v7x
topology: tpu7x:2x2x1
jax: 0.10.2.dev20260603
libtpu: 0.0.44.dev20260713+nightly
codegen_flags: <defaults>
</compile_context>

<pallas_src>
import functools

import numpy as np

import jax
import jax.numpy as jnp
from jax import lax
from jax.experimental import pallas as pl
from jax.experimental.pallas import tpu as pltpu
from jax.experimental.pallas import tpu_sc as plsc

B = 32
P = 16
SG = 1000
NSAMP = 150
GRID = 32
EPS = 1e-12
BIG = 1e4

L = 16
SG_PAD = 1008
NS_PAD = 160
U1 = 7
N_CH1 = SG_PAD // L
N_CH2 = NS_PAD // L
NCELL = GRID * GRID * GRID

OFF_SHAPE = 0
OFF_TRANS = 48
OFF_QUAT = 96
OFF_IU = 160
OFF_PTS = 176
ROW = 3200

f32 = jnp.float32
i32 = jnp.int32


def _np_threefry_uniform(seed, n, lo, hi):
    rot = [np.uint32([13, 15, 26, 6]), np.uint32([17, 29, 16, 24])]

    def rotl(v, r):
        return ((v << np.uint32(r)) | (v >> np.uint32(32 - r))).astype(np.uint32)

    idx = np.arange(n, dtype=np.uint64)
    ks = [np.uint32(0), np.uint32(seed),
          np.uint32(np.uint32(0) ^ np.uint32(seed) ^ np.uint32(0x1BD11BDA))]
    x = [((idx >> np.uint64(32)).astype(np.uint32) + ks[0]).astype(np.uint32),
         ((idx & np.uint64(0xFFFFFFFF)).astype(np.uint32) + ks[1]).astype(np.uint32)]
    for i in range(5):
        for r in rot[i % 2]:
            x[0] = (x[0] + x[1]).astype(np.uint32)
            x[1] = rotl(x[1], r)
            x[1] = (x[1] ^ x[0]).astype(np.uint32)
        x[0] = (x[0] + ks[(i + 1) % 3]).astype(np.uint32)
        x[1] = (x[1] + ks[(i + 2) % 3] + np.uint32(i + 1)).astype(np.uint32)
    bits = x[0] ^ x[1]
    fb = (bits >> np.uint32(9)) | np.uint32(0x3F800000)
    f = fb.view(np.float32) - np.float32(1.0)
    out = f * np.float32(hi - lo) + np.float32(lo)
    return np.maximum(np.float32(lo), out)


def _surf_table():
    u = _np_threefry_uniform(42, NSAMP * 3, -1.0, 1.0).reshape(NSAMP, 3)
    surf = u / np.max(np.abs(u), axis=-1, keepdims=True)
    out = np.zeros((3, NS_PAD), np.float32)
    out[:, :NSAMP] = surf.T
    return out.reshape(-1)


_SURF_T = _surf_table()


def _rsqrt(x):
    i = plsc.bitcast(x, i32)
    y = plsc.bitcast(jnp.int32(0x5F3759DF) - lax.shift_right_logical(i, 1), f32)
    for _ in range(3):
        y = y * (1.5 - 0.5 * x * y * y)
    return y


def _sqrt(x):
    return x * _rsqrt(x)


def _qn_rows(pack_v, qn_v):
    qw = pack_v[pl.ds(OFF_QUAT, L)]
    qx = pack_v[pl.ds(OFF_QUAT + L, L)]
    qy = pack_v[pl.ds(OFF_QUAT + 2 * L, L)]
    qz = pack_v[pl.ds(OFF_QUAT + 3 * L, L)]
    s = qw * qw + qx * qx + qy * qy + qz * qz
    n = s * _rsqrt(s)
    inv = 1.0 / (n + 1e-8)
    qn_v[pl.ds(0, L)] = qw * inv
    qn_v[pl.ds(L, L)] = qx * inv
    qn_v[pl.ds(2 * L, L)] = qy * inv
    qn_v[pl.ds(3 * L, L)] = qz * inv


def _p_consts(pack_v, qn_v, pvec):
    w = plsc.load_gather(qn_v, [pvec])
    x = plsc.load_gather(qn_v, [pvec + L])
    y = plsc.load_gather(qn_v, [pvec + 2 * L])
    z = plsc.load_gather(qn_v, [pvec + 3 * L])
    tx = plsc.load_gather(pack_v, [pvec + OFF_TRANS])
    ty = plsc.load_gather(pack_v, [pvec + (OFF_TRANS + L)])
    tz = plsc.load_gather(pack_v, [pvec + (OFF_TRANS + 2 * L)])
    sx = plsc.load_gather(pack_v, [pvec + OFF_SHAPE])
    sy = plsc.load_gather(pack_v, [pvec + (OFF_SHAPE + L)])
    sz = plsc.load_gather(pack_v, [pvec + (OFF_SHAPE + 2 * L)])
    x2, y2, z2 = x + x, y + y, z + z
    xx, yy, zz = x * x2, y * y2, z * z2
    xy, xz, yz = x * y2, x * z2, y * z2
    wx, wy, wz = w * x2, w * y2, w * z2
    r = ((1.0 - (yy + zz), xy - wz, xz + wy),
         (xy + wz, 1.0 - (xx + zz), yz - wx),
         (xz - wy, yz + wx, 1.0 - (xx + yy)))
    return r, (tx, ty, tz), (sx, sy, sz)


_MESH = plsc.VectorSubcoreMesh(
    core_axis_name="c", subcore_axis_name="s", num_cores=2, num_subcores=16
)

_CPARAMS = pltpu.CompilerParams(needs_layout_passes=False)


@functools.partial(
    pl.kernel,
    out_type=jax.ShapeDtypeStruct((B * 2 * L,), f32),
    mesh=_MESH,
    compiler_params=_CPARAMS,
    scratch_types=[
        pltpu.VMEM((NCELL * 3,), f32),
        pltpu.VMEM((ROW,), f32),
        pltpu.VMEM((SG_PAD,), f32),
        pltpu.VMEM((3 * NS_PAD,), f32),
        pltpu.VMEM((4 * L,), f32),
        pltpu.VMEM((L,), f32),
        pltpu.VMEM((2 * L,), f32),
        pltpu.SemaphoreType.DMA,
    ],
)
def _sc_kernel(pack_hbm, cp_hbm, surf_hbm, out_hbm, cp_v, pack_v, tsdf_v,
               surf_v, qn_v, acc2_v, out_v, cp_sem):
    b = lax.axis_index("s") * 2 + lax.axis_index("c")
    iota = jnp.arange(L, dtype=i32)

    cp_copy = pltpu.async_copy(cp_hbm.at[b], cp_v, cp_sem)
    pltpu.sync_copy(pack_hbm.at[b], pack_v)
    pltpu.sync_copy(surf_hbm, surf_v)
    _qn_rows(pack_v, qn_v)

    big_vec = jnp.full((L,), BIG, f32)

    def init_body(ci, carry):
        for k in range(U1):
            tsdf_v[pl.ds((ci * U1 + k) * L, L)] = big_vec
        return carry

    lax.fori_loop(0, N_CH1 // U1, init_body, 0)

    def p1_body(p, carry):
        pvec = jnp.zeros((L,), i32) + p
        iu = jnp.max(plsc.load_gather(pack_v, [pvec + OFF_IU]))

        @pl.when(iu > 0.0)
        def _():
            r, (tx, ty, tz), (sx, sy, sz) = _p_consts(pack_v, qn_v, pvec)

            def body(ci, c2):
                for k in range(U1):
                    base = (ci * U1 + k) * L
                    vx = pack_v[pl.ds(OFF_PTS + base, L)] - tx
                    vy = pack_v[pl.ds(OFF_PTS + SG + base, L)] - ty
                    vz = pack_v[pl.ds(OFF_PTS + 2 * SG + base, L)] - tz
                    lx = r[0][0] * vx + r[1][0] * vy + r[2][0] * vz
                    ly = r[0][1] * vx + r[1][1] * vy + r[2][1] * vz
                    lz = r[0][2] * vx + r[1][2] * vy + r[2][2] * vz
                    dx = jnp.maximum(jnp.abs(lx) - sx, 0.0)
                    dy = jnp.maximum(jnp.abs(ly) - sy, 0.0)
                    dz = jnp.maximum(jnp.abs(lz) - sz, 0.0)
                    t = dx * dx + dy * dy + dz * dz
                    tsdf_v[pl.ds(base, L)] = jnp.minimum(
                        tsdf_v[pl.ds(base, L)], t)
                return c2

            lax.fori_loop(0, N_CH1 // U1, body, 0)

        return carry

    lax.fori_loop(0, P, p1_body, 0)

    def red_body(ci, acc):
        for k in range(U1):
            base = (ci * U1 + k) * L
            v = tsdf_v[pl.ds(base, L)] + EPS
            sq = _sqrt(v)
            valid = (base + iota) < SG
            acc = acc + jnp.where(valid, sq, 0.0)
        return acc

    acc1 = lax.fori_loop(0, N_CH1 // U1, red_body, jnp.zeros((L,), f32))

    cp_copy.wait()
    acc2_v[:] = jnp.zeros((L,), f32)
    sqrt_eps = _sqrt(jnp.full((L,), EPS, f32))
    onehot0 = jnp.where(iota == 0, 1.0, 0.0).astype(f32)

    def p2_body(p, carry):
        pvec = jnp.zeros((L,), i32) + p
        iu = jnp.max(plsc.load_gather(pack_v, [pvec + OFF_IU]))

        @pl.when(iu > 0.0)
        def _():
            r, (tx, ty, tz), (sx, sy, sz) = _p_consts(pack_v, qn_v, pvec)

            def body(ci, acc):
                for k in range(2):
                    base = (ci * 2 + k) * L
                    plx = surf_v[pl.ds(base, L)] * sx
                    ply = surf_v[pl.ds(NS_PAD + base, L)] * sy
                    plz = surf_v[pl.ds(2 * NS_PAD + base, L)] * sz
                    px = r[0][0] * plx + r[0][1] * ply + r[0][2] * plz + tx
                    py = r[1][0] * plx + r[1][1] * ply + r[1][2] * plz + ty
                    pz = r[2][0] * plx + r[2][1] * ply + r[2][2] * plz + tz
                    gx = jnp.clip(((px + 0.5) * float(GRID)).astype(i32),
                                  0, GRID - 1)
                    gy = jnp.clip(((py + 0.5) * float(GRID)).astype(i32),
                                  0, GRID - 1)
                    gz = jnp.clip(((pz + 0.5) * float(GRID)).astype(i32),
                                  0, GRID - 1)
                    lin = gx * 3072 + gy * 32 + gz
                    cx = plsc.load_gather(cp_v, [lin])
                    cy = plsc.load_gather(cp_v, [lin + 1024])
                    cz = plsc.load_gather(cp_v, [lin + 2048])
                    ex, ey, ez = px - cx, py - cy, pz - cz
                    d2 = ex * ex + ey * ey + ez * ez + EPS
                    dist = _sqrt(d2)
                    valid = (base + iota) < NSAMP
                    acc = acc + jnp.where(valid, dist, 0.0)
                return acc

            acc_p = lax.fori_loop(0, N_CH2 // 2, body, jnp.zeros((L,), f32))
            acc2_v[:] = acc2_v[:] + acc_p

        @pl.when(iu <= 0.0)
        def _():
            acc2_v[:] = acc2_v[:] + onehot0 * (float(NSAMP) * sqrt_eps)

        return carry

    lax.fori_loop(0, P, p2_body, 0)

    out_v[pl.ds(0, L)] = acc1 * (1.0 / (B * SG))
    out_v[pl.ds(L, L)] = acc2_v[:] * (1.0 / (B * P * NSAMP))
    pltpu.sync_copy(out_v, out_hbm.at[pl.ds(b * 2 * L, 2 * L)])


def kernel(shape_rlt, trans_rlt, quat_rlt, CP, batchSamplepoint, inUse):
    pack = jnp.concatenate(
        [
            shape_rlt.transpose(0, 2, 1).reshape(B, 3 * P),
            trans_rlt.transpose(0, 2, 1).reshape(B, 3 * P),
            quat_rlt.transpose(0, 2, 1).reshape(B, 4 * P),
            inUse.astype(f32),
            batchSamplepoint.transpose(0, 2, 1).reshape(B, 3 * SG),
            jnp.zeros((B, ROW - OFF_PTS - 3 * SG), f32),
        ],
        axis=1,
    )
    cp = CP.transpose(0, 1, 4, 2, 3).reshape(B, NCELL * 3)
    out = _sc_kernel(pack, cp, jnp.asarray(_SURF_T))
    return jnp.sum(out)

# --- scband reference (transcript-rebuilt; emitter-appended) ---
"""Pipeline reference for scband-chamfer-distance-32401233281613 (READ-ONLY COPY).

The authoritative reference and input builder live on the scoring server;
editing this copy changes nothing except your own understanding.
"""

import jax, jax.numpy as jnp
import numpy as np

B = 32
P = 16
SG = 1000
NS = 150
GRID = 32
EPS = 1e-12
BIG = 1e4


def _quat_rotate(q, v):
    # q: [..., 4] (w, x, y, z), v: [..., 3]
    w = q[..., :1]
    u = q[..., 1:]
    t = 2.0 * jnp.cross(u, v)
    return v + w * t + jnp.cross(u, t)


def setup_inputs(seed: int = 0) -> dict:
    key = jax.random.key(seed)
    ks = jax.random.split(key, 6)
    shape_rlt = jax.random.uniform(ks[0], (B, P, 3), dtype=jnp.float32, minval=0.02, maxval=0.3)
    trans_rlt = jax.random.uniform(ks[1], (B, P, 3), dtype=jnp.float32, minval=-0.4, maxval=0.4)
    quat_rlt = jax.random.normal(ks[2], (B, P, 4), dtype=jnp.float32)
    CP = jax.random.uniform(ks[3], (B, GRID, GRID, GRID, 3), dtype=jnp.float32, minval=-0.5, maxval=0.5)
    batchSamplepoint = jax.random.uniform(ks[4], (B, SG, 3), dtype=jnp.float32, minval=-0.5, maxval=0.5)
    inUse = jax.random.randint(ks[5], (B, P), 0, 2, dtype=jnp.int32)
    return {"shape_rlt": shape_rlt, "trans_rlt": trans_rlt, "quat_rlt": quat_rlt, "CP": CP, "batchSamplepoint": batchSamplepoint, "inUse": inUse}


def reference(shape_rlt, trans_rlt, quat_rlt, CP, batchSamplepoint, inUse):
    qn = quat_rlt / (jnp.linalg.norm(quat_rlt, axis=-1, keepdims=True) + 1e-8)
    mask = inUse > 0  # [B, P]

    # ---- partComposition: TSDF of GT sample points w.r.t. composed primitives ----
    sp = jax.lax.stop_gradient(batchSamplepoint)  # detached, as in original
    pts = jnp.broadcast_to(sp[:, None, :, :], (B, P, SG, 3))
    qc = jnp.concatenate([qn[..., :1], -qn[..., 1:]], axis=-1)  # conjugate
    local = _quat_rotate(qc[:, :, None, :], pts - trans_rlt[:, :, None, :])
    d = jax.nn.relu(jnp.abs(local) - shape_rlt[:, :, None, :])
    tsdf = jnp.sum(d * d, axis=-1)  # [B, P, SG] squared distance outside each cuboid
    tsdf = jnp.where(mask[:, :, None], tsdf, BIG)
    tsdfOut = jnp.min(tsdf, axis=1)  # composed field, [B, SG]
    tsdfGT = jnp.zeros_like(tsdfOut)
    tsdfOut = jnp.sqrt(tsdfOut + EPS)
    discd2 = jnp.mean(jnp.abs(tsdfOut - tsdfGT))

    # ---- SamplePoint: deterministic surface samples on each cuboid primitive ----
    tkey = jax.random.key(42)
    u = jax.random.uniform(tkey, (NS, 3), dtype=jnp.float32, minval=-1.0, maxval=1.0)
    surf = u / jnp.max(jnp.abs(u), axis=-1, keepdims=True)  # on unit-cube surface
    plocal = surf[None, None, :, :] * shape_rlt[:, :, None, :]
    point = _quat_rotate(qn[:, :, None, :], plocal) + trans_rlt[:, :, None, :]  # [B, P, NS, 3]
    pointList = point.reshape(B, P * NS, 3)

    # ---- closest-point retrieval via the precomputed 32^3 CP grid (index path detached) ----
    pidx = jnp.clip(((jax.lax.stop_gradient(pointList) + 0.5) * float(GRID)).astype(jnp.int32), 0, GRID - 1)
    CPd = jax.lax.stop_gradient(CP)
    cp_sel = jax.vmap(lambda cp, i: cp[i[:, 0], i[:, 1], i[:, 2]])(CPd, pidx)  # [B, P*NS, 3]
    smask = jnp.repeat(mask, NS, axis=1)  # [B, P*NS]
    closest = jnp.where(smask[..., None], cp_sel, jax.lax.stop_gradient(pointList))
    dist = jnp.sqrt(jnp.sum((pointList - closest) ** 2, axis=-1) + EPS)
    discd1 = jnp.mean(dist)  # L1 against zeros == mean distance
    return discd1 + discd2

if __name__ == "__main__":
    import jax
    _d = setup_inputs()
    print(jax.jit(kernel)(*tuple(_d.values())))

</pallas_src>

<mosaic_0001>
#map = affine_map<(d0, d1) -> (0, 0)>
#map1 = affine_map<(d0, d1) -> (0)>
module attributes {stable_mosaic.version = 14 : i64} {
  func.func @_sc_kernel(%arg0: i32, %arg1: i32, %arg2: memref<32x3200xf32, #tpu.memory_space<hbm>>, %arg3: memref<32x98304xf32, #tpu.memory_space<hbm>>, %arg4: memref<480xf32, #tpu.memory_space<hbm>>, %arg5: memref<1024xf32, #tpu.memory_space<hbm>>, %arg6: memref<98304xf32, #tpu.memory_space<vmem>>, %arg7: memref<3200xf32, #tpu.memory_space<vmem>>, %arg8: memref<1008xf32, #tpu.memory_space<vmem>>, %arg9: memref<480xf32, #tpu.memory_space<vmem>>, %arg10: memref<64xf32, #tpu.memory_space<vmem>>, %arg11: memref<16xf32, #tpu.memory_space<vmem>>, %arg12: memref<32xf32, #tpu.memory_space<vmem>>, %arg13: memref<!tpu.dma_semaphore, #tpu.memory_space<semaphore_mem>>) attributes {dimension_semantics = [#tpu.dimension_semantics<core_parallel>, #tpu.dimension_semantics<subcore_parallel>], iteration_bounds = array<i64: 2, 16>, scalar_prefetch = 0 : i64, scratch_operands = 8 : i64, tpu.core_type = #tpu.core_type<sc_vector_subcore>, window_params = [{transform_indices = #map}, {transform_indices = #map}, {transform_indices = #map1}, {transform_indices = #map1}]} {
    %mul3A = arith.constant 2 : i32
    %mul3A_0 = arith.muli %arg1, %mul3A : i32
    %add3A = arith.addi %mul3A_0, %arg0 : i32
    %iota3A = tpu.iota {dimensions = array<i32: 0>} : vector<16xi32>
    %dma_start3A = arith.constant 0 : i32
    %dma_start3A_1 = tpu.memref_slice %arg3[%add3A, %dma_start3A] : memref<32x98304xf32, #tpu.memory_space<hbm>> -> memref<1x98304xf32, #tpu.memory_space<hbm>>
    %dma_start3A_2 = tpu.memref_squeeze %dma_start3A_1 : memref<1x98304xf32, #tpu.memory_space<hbm>> -> memref<98304xf32, #tpu.memory_space<hbm>>
    %dma_start3A_3 = arith.constant 0 : i32
    %dma_start3A_4 = tpu.memref_slice %arg3[%add3A, %dma_start3A_3] : memref<32x98304xf32, #tpu.memory_space<hbm>> -> memref<1x98304xf32, #tpu.memory_space<hbm>>
    %dma_start3A_5 = tpu.memref_squeeze %dma_start3A_4 : memref<1x98304xf32, #tpu.memory_space<hbm>> -> memref<98304xf32, #tpu.memory_space<hbm>>
    tpu.enqueue_dma source(%dma_start3A_5 : memref<98304xf32, #tpu.memory_space<hbm>>) target(%arg6 : memref<98304xf32, #tpu.memory_space<vmem>>) target_semaphore(%arg13 : memref<!tpu.dma_semaphore, #tpu.memory_space<semaphore_mem>>)
    "tpu.region"() ({
      %run_scoped3A = tpu.sem_alloc : memref<!tpu.dma_semaphore, #tpu.memory_space<semaphore_mem>>
      %dma_start3A_163 = arith.constant 0 : i32
      %dma_start3A_164 = tpu.memref_slice %arg2[%add3A, %dma_start3A_163] : memref<32x3200xf32, #tpu.memory_space<hbm>> -> memref<1x3200xf32, #tpu.memory_space<hbm>>
      %dma_start3A_165 = tpu.memref_squeeze %dma_start3A_164 : memref<1x3200xf32, #tpu.memory_space<hbm>> -> memref<3200xf32, #tpu.memory_space<hbm>>
      %dma_start3A_166 = arith.constant 0 : i32
      %dma_start3A_167 = tpu.memref_slice %arg2[%add3A, %dma_start3A_166] : memref<32x3200xf32, #tpu.memory_space<hbm>> -> memref<1x3200xf32, #tpu.memory_space<hbm>>
      %dma_start3A_168 = tpu.memref_squeeze %dma_start3A_167 : memref<1x3200xf32, #tpu.memory_space<hbm>> -> memref<3200xf32, #tpu.memory_space<hbm>>
      tpu.enqueue_dma source(%dma_start3A_168 : memref<3200xf32, #tpu.memory_space<hbm>>) target(%arg7 : memref<3200xf32, #tpu.memory_space<vmem>>) target_semaphore(%run_scoped3A : memref<!tpu.dma_semaphore, #tpu.memory_space<semaphore_mem>>)
      %dma_wait3A_169 = arith.constant 0 : i32
      %dma_wait3A_170 = tpu.memref_slice %arg2[%add3A, %dma_wait3A_169] : memref<32x3200xf32, #tpu.memory_space<hbm>> -> memref<1x3200xf32, #tpu.memory_space<hbm>>
      %dma_wait3A_171 = tpu.memref_squeeze %dma_wait3A_170 : memref<1x3200xf32, #tpu.memory_space<hbm>> -> memref<3200xf32, #tpu.memory_space<hbm>>
      %dma_wait3A_172 = arith.constant 0 : i32
      %dma_wait3A_173 = tpu.memref_slice %arg2[%add3A, %dma_wait3A_172] : memref<32x3200xf32, #tpu.memory_space<hbm>> -> memref<1x3200xf32, #tpu.memory_space<hbm>>
      %dma_wait3A_174 = tpu.memref_squeeze %dma_wait3A_173 : memref<1x3200xf32, #tpu.memory_space<hbm>> -> memref<3200xf32, #tpu.memory_space<hbm>>
      tpu.wait_dma2 semaphore(%run_scoped3A : memref<!tpu.dma_semaphore, #tpu.memory_space<semaphore_mem>>) src(%dma_wait3A_174 : memref<3200xf32, #tpu.memory_space<hbm>>) dst(%arg7 : memref<3200xf32, #tpu.memory_space<vmem>>)
      tpu.yield
    }) : () -> ()
    "tpu.region"() ({
      %run_scoped3A = tpu.sem_alloc : memref<!tpu.dma_semaphore, #tpu.memory_space<semaphore_mem>>
      tpu.enqueue_dma source(%arg4 : memref<480xf32, #tpu.memory_space<hbm>>) target(%arg9 : memref<480xf32, #tpu.memory_space<vmem>>) target_semaphore(%run_scoped3A : memref<!tpu.dma_semaphore, #tpu.memory_space<semaphore_mem>>)
      tpu.wait_dma2 semaphore(%run_scoped3A : memref<!tpu.dma_semaphore, #tpu.memory_space<semaphore_mem>>) src(%arg4 : memref<480xf32, #tpu.memory_space<hbm>>) dst(%arg9 : memref<480xf32, #tpu.memory_space<vmem>>)
      tpu.yield
    }) : () -> ()
    %get3A = arith.constant 96 : index
    %get3A_6 = tpu.vector_load %arg7[%get3A] {strides = array<i32>} : memref<3200xf32, #tpu.memory_space<vmem>>, vector<16xf32>,
    %get3A_7 = arith.constant 112 : index
    %get3A_8 = tpu.vector_load %arg7[%get3A_7] {strides = array<i32>} : memref<3200xf32, #tpu.memory_space<vmem>>, vector<16xf32>,
    %get3A_9 = arith.constant 128 : index
    %get3A_10 = tpu.vector_load %arg7[%get3A_9] {strides = array<i32>} : memref<3200xf32, #tpu.memory_space<vmem>>, vector<16xf32>,
    %get3A_11 = arith.constant 144 : index
    %get3A_12 = tpu.vector_load %arg7[%get3A_11] {strides = array<i32>} : memref<3200xf32, #tpu.memory_space<vmem>>, vector<16xf32>,
    %mul3A_13 = arith.mulf %get3A_6, %get3A_6 : vector<16xf32>
    %mul3A_14 = arith.mulf %get3A_8, %get3A_8 : vector<16xf32>
    %add3A_15 = arith.addf %mul3A_13, %mul3A_14 : vector<16xf32>
    %mul3A_16 = arith.mulf %get3A_10, %get3A_10 : vector<16xf32>
    %add3A_17 = arith.addf %add3A_15, %mul3A_16 : vector<16xf32>
    %mul3A_18 = arith.mulf %get3A_12, %get3A_12 : vector<16xf32>
    %add3A_19 = arith.addf %add3A_17, %mul3A_18 : vector<16xf32>
    %bitcast3A = vector.bitcast %add3A_19 : vector<16xf32> to vector<16xi32>
    %shift_right_logical3A = arith.constant 1 : i32
    %shift_right_logical3A_20 = vector.broadcast %shift_right_logical3A : i32 to vector<16xi32>
    %shift_right_logical3A_21 = arith.shrui %bitcast3A, %shift_right_logical3A_20 : vector<16xi32>
    %sub3A = arith.constant 1597463007 : i32
    %sub3A_22 = vector.broadcast %sub3A : i32 to vector<16xi32>
    %sub3A_23 = arith.subi %sub3A_22, %shift_right_logical3A_21 : vector<16xi32>
    %bitcast3A_24 = vector.bitcast %sub3A_23 : vector<16xi32> to vector<16xf32>
    %mul3A_25 = arith.constant 5.000000e-01 : f32
    %mul3A_26 = vector.broadcast %mul3A_25 : f32 to vector<16xf32>
    %mul3A_27 = arith.mulf %mul3A_26, %add3A_19 : vector<16xf32>
    %mul3A_28 = arith.mulf %mul3A_27, %bitcast3A_24 : vector<16xf32>
    %mul3A_29 = arith.mulf %mul3A_28, %bitcast3A_24 : vector<16xf32>
    %sub3A_30 = arith.constant 1.500000e+00 : f32
    %sub3A_31 = vector.broadcast %sub3A_30 : f32 to vector<16xf32>
    %sub3A_32 = arith.subf %sub3A_31, %mul3A_29 : vector<16xf32>
    %mul3A_33 = arith.mulf %bitcast3A_24, %sub3A_32 : vector<16xf32>
    %mul3A_34 = arith.constant 5.000000e-01 : f32
    %mul3A_35 = vector.broadcast %mul3A_34 : f32 to vector<16xf32>
    %mul3A_36 = arith.mulf %mul3A_35, %add3A_19 : vector<16xf32>
    %mul3A_37 = arith.mulf %mul3A_36, %mul3A_33 : vector<16xf32>
    %mul3A_38 = arith.mulf %mul3A_37, %mul3A_33 : vector<16xf32>
    %sub3A_39 = arith.constant 1.500000e+00 : f32
    %sub3A_40 = vector.broadcast %sub3A_39 : f32 to vector<16xf32>
    %sub3A_41 = arith.subf %sub3A_40, %mul3A_38 : vector<16xf32>
    %mul3A_42 = arith.mulf %mul3A_33, %sub3A_41 : vector<16xf32>
    %mul3A_43 = arith.constant 5.000000e-01 : f32
    %mul3A_44 = vector.broadcast %mul3A_43 : f32 to vector<16xf32>
    %mul3A_45 = arith.mulf %mul3A_44, %add3A_19 : vector<16xf32>
    %mul3A_46 = arith.mulf %mul3A_45, %mul3A_42 : vector<16xf32>
    %mul3A_47 = arith.mulf %mul3A_46, %mul3A_42 : vector<16xf32>
    %sub3A_48 = arith.constant 1.500000e+00 : f32
    %sub3A_49 = vector.broadcast %sub3A_48 : f32 to vector<16xf32>
    %sub3A_50 = arith.subf %sub3A_49, %mul3A_47 : vector<16xf32>
    %mul3A_51 = arith.mulf %mul3A_42, %sub3A_50 : vector<16xf32>
    %mul3A_52 = arith.mulf %add3A_19, %mul3A_51 : vector<16xf32>
    %add3A_53 = arith.constant 9.99999993E-9 : f32
    %add3A_54 = vector.broadcast %add3A_53 : f32 to vector<16xf32>
    %add3A_55 = arith.addf %mul3A_52, %add3A_54 : vector<16xf32>
    %div3A = arith.constant 1.000000e+00 : f32
    %div3A_56 = vector.broadcast %div3A : f32 to vector<16xf32>
    %div3A_57 = arith.divf %div3A_56, %add3A_55 : vector<16xf32>
    %mul3A_58 = arith.mulf %get3A_6, %div3A_57 : vector<16xf32>
    %swap3A = arith.constant 0 : index
    %swap3A_59 = tpu.vector_load %arg10[%swap3A] {strides = array<i32>} : memref<64xf32, #tpu.memory_space<vmem>>, vector<16xf32>,
    tpu.vector_store %arg10[%swap3A], %mul3A_58 {strides = array<i32>} : memref<64xf32, #tpu.memory_space<vmem>>, vector<16xf32>,
    %mul3A_60 = arith.mulf %get3A_8, %div3A_57 : vector<16xf32>
    %swap3A_61 = arith.constant 16 : index
    %swap3A_62 = tpu.vector_load %arg10[%swap3A_61] {strides = array<i32>} : memref<64xf32, #tpu.memory_space<vmem>>, vector<16xf32>,
    tpu.vector_store %arg10[%swap3A_61], %mul3A_60 {strides = array<i32>} : memref<64xf32, #tpu.memory_space<vmem>>, vector<16xf32>,
    %mul3A_63 = arith.mulf %get3A_10, %div3A_57 : vector<16xf32>
    %swap3A_64 = arith.constant 32 : index
    %swap3A_65 = tpu.vector_load %arg10[%swap3A_64] {strides = array<i32>} : memref<64xf32, #tpu.memory_space<vmem>>, vector<16xf32>,
    tpu.vector_store %arg10[%swap3A_64], %mul3A_63 {strides = array<i32>} : memref<64xf32, #tpu.memory_space<vmem>>, vector<16xf32>,
    %mul3A_66 = arith.mulf %get3A_12, %div3A_57 : vector<16xf32>
    %swap3A_67 = arith.constant 48 : index
    %swap3A_68 = tpu.vector_load %arg10[%swap3A_67] {strides = array<i32>} : memref<64xf32, #tpu.memory_space<vmem>>, vector<16xf32>,
    tpu.vector_store %arg10[%swap3A_67], %mul3A_66 {strides = array<i32>} : memref<64xf32, #tpu.memory_space<vmem>>, vector<16xf32>,
    %broadcast_in_dim3A = arith.constant 1.000000e+04 : f32
    %broadcast_in_dim3A_69 = vector.broadcast %broadcast_in_dim3A : f32 to vector<16xf32>
    %scan3A = arith.constant 0 : i32
    %scan3A_70 = arith.constant 0 : i32
    %scan3A_71 = arith.constant 9 : i32
    %scan3A_72 = arith.addi %scan3A_70, %scan3A_71 : i32
    %scan3A_73 = arith.constant 1 : i32
    scf.for %scan3A_163 = %scan3A_70 to %scan3A_72 step %scan3A_73  : i32 {
      %mul3A_164 = arith.constant 7 : i32
      %mul3A_165 = arith.muli %scan3A_163, %mul3A_164 : i32
      %add3A_166 = arith.constant 0 : i32
      %add3A_167 = arith.addi %mul3A_165, %add3A_166 : i32
      %mul3A_168 = arith.constant 16 : i32
      %mul3A_169 = arith.muli %add3A_167, %mul3A_168 : i32
      %swap3A_170 = arith.index_cast %mul3A_169 : i32 to index
      %swap3A_171 = tpu.vector_load %arg8[%swap3A_170] {strides = array<i32>} : memref<1008xf32, #tpu.memory_space<vmem>>, vector<16xf32>,
      tpu.vector_store %arg8[%swap3A_170], %broadcast_in_dim3A_69 {strides = array<i32>} : memref<1008xf32, #tpu.memory_space<vmem>>, vector<16xf32>,
      %mul3A_172 = arith.constant 7 : i32
      %mul3A_173 = arith.muli %scan3A_163, %mul3A_172 : i32
      %add3A_174 = arith.constant 1 : i32
      %add3A_175 = arith.addi %mul3A_173, %add3A_174 : i32
      %mul3A_176 = arith.constant 16 : i32
      %mul3A_177 = arith.muli %add3A_175, %mul3A_176 : i32
      %swap3A_178 = arith.index_cast %mul3A_177 : i32 to index
      %swap3A_179 = tpu.vector_load %arg8[%swap3A_178] {strides = array<i32>} : memref<1008xf32, #tpu.memory_space<vmem>>, vector<16xf32>,
      tpu.vector_store %arg8[%swap3A_178], %broadcast_in_dim3A_69 {strides = array<i32>} : memref<1008xf32, #tpu.memory_space<vmem>>, vector<16xf32>,
      %mul3A_180 = arith.constant 7 : i32
      %mul3A_181 = arith.muli %scan3A_163, %mul3A_180 : i32
      %add3A_182 = arith.constant 2 : i32
      %add3A_183 = arith.addi %mul3A_181, %add3A_182 : i32
      %mul3A_184 = arith.constant 16 : i32
      %mul3A_185 = arith.muli %add3A_183, %mul3A_184 : i32
      %swap3A_186 = arith.index_cast %mul3A_185 : i32 to index
      %swap3A_187 = tpu.vector_load %arg8[%swap3A_186] {strides = array<i32>} : memref<1008xf32, #tpu.memory_space<vmem>>, vector<16xf32>,
      tpu.vector_store %arg8[%swap3A_186], %broadcast_in_dim3A_69 {strides = array<i32>} : memref<1008xf32, #tpu.memory_space<vmem>>, vector<16xf32>,
      %mul3A_188 = arith.constant 7 : i32
      %mul3A_189 = arith.muli %scan3A_163, %mul3A_188 : i32
      %add3A_190 = arith.constant 3 : i32
      %add3A_191 = arith.addi %mul3A_189, %add3A_190 : i32
      %mul3A_192 = arith.constant 16 : i32
      %mul3A_193 = arith.muli %add3A_191, %mul3A_192 : i32
      %swap3A_194 = arith.index_cast %mul3A_193 : i32 to index
      %swap3A_195 = tpu.vector_load %arg8[%swap3A_194] {strides = array<i32>} : memref<1008xf32, #tpu.memory_space<vmem>>, vector<16xf32>,
      tpu.vector_store %arg8[%swap3A_194], %broadcast_in_dim3A_69 {strides = array<i32>} : memref<1008xf32, #tpu.memory_space<vmem>>, vector<16xf32>,
      %mul3A_196 = arith.constant 7 : i32
      %mul3A_197 = arith.muli %scan3A_163, %mul3A_196 : i32
      %add3A_198 = arith.constant 4 : i32
      %add3A_199 = arith.addi %mul3A_197, %add3A_198 : i32
      %mul3A_200 = arith.constant 16 : i32
      %mul3A_201 = arith.muli %add3A_199, %mul3A_200 : i32
      %swap3A_202 = arith.index_cast %mul3A_201 : i32 to index
      %swap3A_203 = tpu.vector_load %arg8[%swap3A_202] {strides = array<i32>} : memref<1008xf32, #tpu.memory_space<vmem>>, vector<16xf32>,
      tpu.vector_store %arg8[%swap3A_202], %broadcast_in_dim3A_69 {strides = array<i32>} : memref<1008xf32, #tpu.memory_space<vmem>>, vector<16xf32>,
      %mul3A_204 = arith.constant 7 : i32
      %mul3A_205 = arith.muli %scan3A_163, %mul3A_204 : i32
      %add3A_206 = arith.constant 5 : i32
      %add3A_207 = arith.addi %mul3A_205, %add3A_206 : i32
      %mul3A_208 = arith.constant 16 : i32
      %mul3A_209 = arith.muli %add3A_207, %mul3A_208 : i32
      %swap3A_210 = arith.index_cast %mul3A_209 : i32 to index
      %swap3A_211 = tpu.vector_load %arg8[%swap3A_210] {strides = array<i32>} : memref<1008xf32, #tpu.memory_space<vmem>>, vector<16xf32>,
      tpu.vector_store %arg8[%swap3A_210], %broadcast_in_dim3A_69 {strides = array<i32>} : memref<1008xf32, #tpu.memory_space<vmem>>, vector<16xf32>,
      %mul3A_212 = arith.constant 7 : i32
      %mul3A_213 = arith.muli %scan3A_163, %mul3A_212 : i32
      %add3A_214 = arith.constant 6 : i32
      %add3A_215 = arith.addi %mul3A_213, %add3A_214 : i32
      %mul3A_216 = arith.constant 16 : i32
      %mul3A_217 = arith.muli %add3A_215, %mul3A_216 : i32
      %swap3A_218 = arith.index_cast %mul3A_217 : i32 to index
      %swap3A_219 = tpu.vector_load %arg8[%swap3A_218] {strides = array<i32>} : memref<1008xf32, #tpu.memory_space<vmem>>, vector<16xf32>,
      tpu.vector_store %arg8[%swap3A_218], %broadcast_in_dim3A_69 {strides = array<i32>} : memref<1008xf32, #tpu.memory_space<vmem>>, vector<16xf32>,
    }
    %scan3A_74 = arith.constant 9 : i32
    %scan3A_75 = arith.constant 0 : i32
    %scan3A_76 = arith.constant 0 : i32
    %scan3A_77 = arith.constant 16 : i32
    %scan3A_78 = arith.addi %scan3A_76, %scan3A_77 : i32
    %scan3A_79 = arith.constant 1 : i32
    scf.for %scan3A_163 = %scan3A_76 to %scan3A_78 step %scan3A_79  : i32 {
      %broadcast_in_dim3A_164 = arith.constant 0 : i32
      %broadcast_in_dim3A_165 = vector.broadcast %broadcast_in_dim3A_164 : i32 to vector<16xi32>
      %add3A_166 = vector.broadcast %scan3A_163 : i32 to vector<16xi32>
      %add3A_167 = arith.addi %broadcast_in_dim3A_165, %add3A_166 : vector<16xi32>
      %add3A_168 = arith.constant 160 : i32
      %add3A_169 = vector.broadcast %add3A_168 : i32 to vector<16xi32>
      %add3A_170 = arith.addi %add3A_167, %add3A_169 : vector<16xi32>
      %gather3A = tpu.vector_load_idx %arg7[%add3A_170] : memref<3200xf32, #tpu.memory_space<vmem>>[vector<16xi32>], vector<16xf32>,
      %reduce_max3A = arith.constant true
      %reduce_max3A_171 = vector.broadcast %reduce_max3A : i1 to vector<16xi1>
      %reduce_max3A_172 = tpu.scan <max>, %gather3A masked %reduce_max3A_171 : vector<16xf32>, vector<16xi1> -> vector<16xf32>
      %reduce_max3A_173 = vector.extract %reduce_max3A_172[15] : f32 from vector<16xf32>
      %gt3A = arith.constant 0.000000e+00 : f32
      %gt3A_174 = arith.cmpf ogt, %reduce_max3A_173, %gt3A : f32
      %convert_element_type3A = arith.extui %gt3A_174 : i1 to i32
      %cond3A = arith.constant 0 : i32
      %cond3A_175 = arith.cmpi ne, %convert_element_type3A, %cond3A : i32
      scf.if %cond3A_175 {
        %gather3A_176 = tpu.vector_load_idx %arg10[%add3A_167] : memref<64xf32, #tpu.memory_space<vmem>>[vector<16xi32>], vector<16xf32>,
        %add3A_177 = arith.constant 16 : i32
        %add3A_178 = vector.broadcast %add3A_177 : i32 to vector<16xi32>
        %add3A_179 = arith.addi %add3A_167, %add3A_178 : vector<16xi32>
        %gather3A_180 = tpu.vector_load_idx %arg10[%add3A_179] : memref<64xf32, #tpu.memory_space<vmem>>[vector<16xi32>], vector<16xf32>,
        %add3A_181 = arith.constant 32 : i32
        %add3A_182 = vector.broadcast %add3A_181 : i32 to vector<16xi32>
        %add3A_183 = arith.addi %add3A_167, %add3A_182 : vector<16xi32>
        %gather3A_184 = tpu.vector_load_idx %arg10[%add3A_183] : memref<64xf32, #tpu.memory_space<vmem>>[vector<16xi32>], vector<16xf32>,
        %add3A_185 = arith.constant 48 : i32
        %add3A_186 = vector.broadcast %add3A_185 : i32 to vector<16xi32>
        %add3A_187 = arith.addi %add3A_167, %add3A_186 : vector<16xi32>
        %gather3A_188 = tpu.vector_load_idx %arg10[%add3A_187] : memref<64xf32, #tpu.memory_space<vmem>>[vector<16xi32>], vector<16xf32>,
        %add3A_189 = arith.constant 48 : i32
        %add3A_190 = vector.broadcast %add3A_189 : i32 to vector<16xi32>
        %add3A_191 = arith.addi %add3A_167, %add3A_190 : vector<16xi32>
        %gather3A_192 = tpu.vector_load_idx %arg7[%add3A_191] : memref<3200xf32, #tpu.memory_space<vmem>>[vector<16xi32>], vector<16xf32>,
        %add3A_193 = arith.constant 64 : i32
        %add3A_194 = vector.broadcast %add3A_193 : i32 to vector<16xi32>
        %add3A_195 = arith.addi %add3A_167, %add3A_194 : vector<16xi32>
        %gather3A_196 = tpu.vector_load_idx %arg7[%add3A_195] : memref<3200xf32, #tpu.memory_space<vmem>>[vector<16xi32>], vector<16xf32>,
        %add3A_197 = arith.constant 80 : i32
        %add3A_198 = vector.broadcast %add3A_197 : i32 to vector<16xi32>
        %add3A_199 = arith.addi %add3A_167, %add3A_198 : vector<16xi32>
        %gather3A_200 = tpu.vector_load_idx %arg7[%add3A_199] : memref<3200xf32, #tpu.memory_space<vmem>>[vector<16xi32>], vector<16xf32>,
        %add3A_201 = arith.constant 0 : i32
        %add3A_202 = vector.broadcast %add3A_201 : i32 to vector<16xi32>
        %add3A_203 = arith.addi %add3A_167, %add3A_202 : vector<16xi32>
        %gather3A_204 = tpu.vector_load_idx %arg7[%add3A_203] : memref<3200xf32, #tpu.memory_space<vmem>>[vector<16xi32>], vector<16xf32>,
        %add3A_205 = arith.constant 16 : i32
        %add3A_206 = vector.broadcast %add3A_205 : i32 to vector<16xi32>
        %add3A_207 = arith.addi %add3A_167, %add3A_206 : vector<16xi32>
        %gather3A_208 = tpu.vector_load_idx %arg7[%add3A_207] : memref<3200xf32, #tpu.memory_space<vmem>>[vector<16xi32>], vector<16xf32>,
        %add3A_209 = arith.constant 32 : i32
        %add3A_210 = vector.broadcast %add3A_209 : i32 to vector<16xi32>
        %add3A_211 = arith.addi %add3A_167, %add3A_210 : vector<16xi32>
        %gather3A_212 = tpu.vector_load_idx %arg7[%add3A_211] : memref<3200xf32, #tpu.memory_space<vmem>>[vector<16xi32>], vector<16xf32>,
        %add3A_213 = arith.addf %gather3A_180, %gather3A_180 : vector<16xf32>
        %add3A_214 = arith.addf %gather3A_184, %gather3A_184 : vector<16xf32>
        %add3A_215 = arith.addf %gather3A_188, %gather3A_188 : vector<16xf32>
        %mul3A_216 = arith.mulf %gather3A_180, %add3A_213 : vector<16xf32>
        %mul3A_217 = arith.mulf %gather3A_184, %add3A_214 : vector<16xf32>
        %mul3A_218 = arith.mulf %gather3A_188, %add3A_215 : vector<16xf32>
        %mul3A_219 = arith.mulf %gather3A_180, %add3A_214 : vector<16xf32>
        %mul3A_220 = arith.mulf %gather3A_180, %add3A_215 : vector<16xf32>
        %mul3A_221 = arith.mulf %gather3A_184, %add3A_215 : vector<16xf32>
        %mul3A_222 = arith.mulf %gather3A_176, %add3A_213 : vector<16xf32>
        %mul3A_223 = arith.mulf %gather3A_176, %add3A_214 : vector<16xf32>
        %mul3A_224 = arith.mulf %gather3A_176, %add3A_215 : vector<16xf32>
        %add3A_225 = arith.addf %mul3A_217, %mul3A_218 : vector<16xf32>
        %sub3A_226 = arith.constant 1.000000e+00 : f32
        %sub3A_227 = vector.broadcast %sub3A_226 : f32 to vector<16xf32>
        %sub3A_228 = arith.subf %sub3A_227, %add3A_225 : vector<16xf32>
        %sub3A_229 = arith.subf %mul3A_219, %mul3A_224 : vector<16xf32>
        %add3A_230 = arith.addf %mul3A_220, %mul3A_223 : vector<16xf32>
        %add3A_231 = arith.addf %mul3A_219, %mul3A_224 : vector<16xf32>
        %add3A_232 = arith.addf %mul3A_216, %mul3A_218 : vector<16xf32>
        %sub3A_233 = arith.constant 1.000000e+00 : f32
        %sub3A_234 = vector.broadcast %sub3A_233 : f32 to vector<16xf32>
        %sub3A_235 = arith.subf %sub3A_234, %add3A_232 : vector<16xf32>
        %sub3A_236 = arith.subf %mul3A_221, %mul3A_222 : vector<16xf32>
        %sub3A_237 = arith.subf %mul3A_220, %mul3A_223 : vector<16xf32>
        %add3A_238 = arith.addf %mul3A_221, %mul3A_222 : vector<16xf32>
        %add3A_239 = arith.addf %mul3A_216, %mul3A_217 : vector<16xf32>
        %sub3A_240 = arith.constant 1.000000e+00 : f32
        %sub3A_241 = vector.broadcast %sub3A_240 : f32 to vector<16xf32>
        %sub3A_242 = arith.subf %sub3A_241, %add3A_239 : vector<16xf32>
        %scan3A_243 = arith.constant 0 : i32
        %scan3A_244 = arith.constant 0 : i32
        %scan3A_245 = arith.constant 9 : i32
        %scan3A_246 = arith.addi %scan3A_244, %scan3A_245 : i32
        %scan3A_247 = arith.constant 1 : i32
        scf.for %scan3A_249 = %scan3A_244 to %scan3A_246 step %scan3A_247  : i32 {
          %mul3A_250 = arith.constant 7 : i32
          %mul3A_251 = arith.muli %scan3A_249, %mul3A_250 : i32
          %add3A_252 = arith.constant 0 : i32
          %add3A_253 = arith.addi %mul3A_251, %add3A_252 : i32
          %mul3A_254 = arith.constant 16 : i32
          %mul3A_255 = arith.muli %add3A_253, %mul3A_254 : i32
          %add3A_256 = arith.constant 176 : i32
          %add3A_257 = arith.addi %add3A_256, %mul3A_255 : i32
          %get3A_258 = arith.index_cast %add3A_257 : i32 to index
          %get3A_259 = tpu.vector_load %arg7[%get3A_258] {strides = array<i32>} : memref<3200xf32, #tpu.memory_space<vmem>>, vector<16xf32>,
          %sub3A_260 = arith.subf %get3A_259, %gather3A_192 : vector<16xf32>
          %add3A_261 = arith.constant 1176 : i32
          %add3A_262 = arith.addi %add3A_261, %mul3A_255 : i32
          %get3A_263 = arith.index_cast %add3A_262 : i32 to index
          %get3A_264 = tpu.vector_load %arg7[%get3A_263] {strides = array<i32>} : memref<3200xf32, #tpu.memory_space<vmem>>, vector<16xf32>,
          %sub3A_265 = arith.subf %get3A_264, %gather3A_196 : vector<16xf32>
          %add3A_266 = arith.constant 2176 : i32
          %add3A_267 = arith.addi %add3A_266, %mul3A_255 : i32
          %get3A_268 = arith.index_cast %add3A_267 : i32 to index
          %get3A_269 = tpu.vector_load %arg7[%get3A_268] {strides = array<i32>} : memref<3200xf32, #tpu.memory_space<vmem>>, vector<16xf32>,
          %sub3A_270 = arith.subf %get3A_269, %gather3A_200 : vector<16xf32>
          %mul3A_271 = arith.mulf %sub3A_228, %sub3A_260 : vector<16xf32>
          %mul3A_272 = arith.mulf %add3A_231, %sub3A_265 : vector<16xf32>
          %add3A_273 = arith.addf %mul3A_271, %mul3A_272 : vector<16xf32>
          %mul3A_274 = arith.mulf %sub3A_237, %sub3A_270 : vector<16xf32>
          %add3A_275 = arith.addf %add3A_273, %mul3A_274 : vector<16xf32>
          %mul3A_276 = arith.mulf %sub3A_229, %sub3A_260 : vector<16xf32>
          %mul3A_277 = arith.mulf %sub3A_235, %sub3A_265 : vector<16xf32>
          %add3A_278 = arith.addf %mul3A_276, %mul3A_277 : vector<16xf32>
          %mul3A_279 = arith.mulf %add3A_238, %sub3A_270 : vector<16xf32>
          %add3A_280 = arith.addf %add3A_278, %mul3A_279 : vector<16xf32>
          %mul3A_281 = arith.mulf %add3A_230, %sub3A_260 : vector<16xf32>
          %mul3A_282 = arith.mulf %sub3A_236, %sub3A_265 : vector<16xf32>
          %add3A_283 = arith.addf %mul3A_281, %mul3A_282 : vector<16xf32>
          %mul3A_284 = arith.mulf %sub3A_242, %sub3A_270 : vector<16xf32>
          %add3A_285 = arith.addf %add3A_283, %mul3A_284 : vector<16xf32>
          %abs3A = math.absf %add3A_275 : vector<16xf32>
          %sub3A_286 = arith.subf %abs3A, %gather3A_204 : vector<16xf32>
          %max3A = arith.constant 0.000000e+00 : f32
          %max3A_287 = vector.broadcast %max3A : f32 to vector<16xf32>
          %max3A_288 = arith.maximumf %sub3A_286, %max3A_287 : vector<16xf32>
          %abs3A_289 = math.absf %add3A_280 : vector<16xf32>
          %sub3A_290 = arith.subf %abs3A_289, %gather3A_208 : vector<16xf32>
          %max3A_291 = arith.constant 0.000000e+00 : f32
          %max3A_292 = vector.broadcast %max3A_291 : f32 to vector<16xf32>
          %max3A_293 = arith.maximumf %sub3A_290, %max3A_292 : vector<16xf32>
          %abs3A_294 = math.absf %add3A_285 : vector<16xf32>
          %sub3A_295 = arith.subf %abs3A_294, %gather3A_212 : vector<16xf32>
          %max3A_296 = arith.constant 0.000000e+00 : f32
          %max3A_297 = vector.broadcast %max3A_296 : f32 to vector<16xf32>
          %max3A_298 = arith.maximumf %sub3A_295, %max3A_297 : vector<16xf32>
          %mul3A_299 = arith.mulf %max3A_288, %max3A_288 : vector<16xf32>
          %mul3A_300 = arith.mulf %max3A_293, %max3A_293 : vector<16xf32>
          %add3A_301 = arith.addf %mul3A_299, %mul3A_300 : vector<16xf32>
          %mul3A_302 = arith.mulf %max3A_298, %max3A_298 : vector<16xf32>
          %add3A_303 = arith.addf %add3A_301, %mul3A_302 : vector<16xf32>
          %get3A_304 = arith.index_cast %mul3A_255 : i32 to index
          %get3A_305 = tpu.vector_load %arg8[%get3A_304] {strides = array<i32>} : memref<1008xf32, #tpu.memory_space<vmem>>, vector<16xf32>,
          %min3A = arith.minimumf %get3A_305, %add3A_303 : vector<16xf32>
          %swap3A_306 = arith.index_cast %mul3A_255 : i32 to index
          %swap3A_307 = tpu.vector_load %arg8[%swap3A_306] {strides = array<i32>} : memref<1008xf32, #tpu.memory_space<vmem>>, vector<16xf32>,
          tpu.vector_store %arg8[%swap3A_306], %min3A {strides = array<i32>} : memref<1008xf32, #tpu.memory_space<vmem>>, vector<16xf32>,
          %mul3A_308 = arith.constant 7 : i32
          %mul3A_309 = arith.muli %scan3A_249, %mul3A_308 : i32
          %add3A_310 = arith.constant 1 : i32
          %add3A_311 = arith.addi %mul3A_309, %add3A_310 : i32
          %mul3A_312 = arith.constant 16 : i32
          %mul3A_313 = arith.muli %add3A_311, %mul3A_312 : i32
          %add3A_314 = arith.constant 176 : i32
          %add3A_315 = arith.addi %add3A_314, %mul3A_313 : i32
          %get3A_316 = arith.index_cast %add3A_315 : i32 to index
          %get3A_317 = tpu.vector_load %arg7[%get3A_316] {strides = array<i32>} : memref<3200xf32, #tpu.memory_space<vmem>>, vector<16xf32>,
          %sub3A_318 = arith.subf %get3A_317, %gather3A_192 : vector<16xf32>
          %add3A_319 = arith.constant 1176 : i32
          %add3A_320 = arith.addi %add3A_319, %mul3A_313 : i32
          %get3A_321 = arith.index_cast %add3A_320 : i32 to index
          %get3A_322 = tpu.vector_load %arg7[%get3A_321] {strides = array<i32>} : memref<3200xf32, #tpu.memory_space<vmem>>, vector<16xf32>,
          %sub3A_323 = arith.subf %get3A_322, %gather3A_196 : vector<16xf32>
          %add3A_324 = arith.constant 2176 : i32
          %add3A_325 = arith.addi %add3A_324, %mul3A_313 : i32
          %get3A_326 = arith.index_cast %add3A_325 : i32 to index
          %get3A_327 = tpu.vector_load %arg7[%get3A_326] {strides = array<i32>} : memref<3200xf32, #tpu.memory_space<vmem>>, vector<16xf32>,
          %sub3A_328 = arith.subf %get3A_327, %gather3A_200 : vector<16xf32>
          %mul3A_329 = arith.mulf %sub3A_228, %sub3A_318 : vector<16xf32>
          %mul3A_330 = arith.mulf %add3A_231, %sub3A_323 : vector<16xf32>
          %add3A_331 = arith.addf %mul3A_329, %mul3A_330 : vector<16xf32>
          %mul3A_332 = arith.mulf %sub3A_237, %sub3A_328 : vector<16xf32>
          %add3A_333 = arith.addf %add3A_331, %mul3A_332 : vector<16xf32>
          %mul3A_334 = arith.mulf %sub3A_229, %sub3A_318 : vector<16xf32>
          %mul3A_335 = arith.mulf %sub3A_235, %sub3A_323 : vector<16xf32>
          %add3A_336 = arith.addf %mul3A_334, %mul3A_335 : vector<16xf32>
          %mul3A_337 = arith.mulf %add3A_238, %sub3A_328 : vector<16xf32>
          %add3A_338 = arith.addf %add3A_336, %mul3A_337 : vector<16xf32>
          %mul3A_339 = arith.mulf %add3A_230, %sub3A_318 : vector<16xf32>
          %mul3A_340 = arith.mulf %sub3A_236, %sub3A_323 : vector<16xf32>
          %add3A_341 = arith.addf %mul3A_339, %mul3A_340 : vector<16xf32>
          %mul3A_342 = arith.mulf %sub3A_242, %sub3A_328 : vector<16xf32>
          %add3A_343 = arith.addf %add3A_341, %mul3A_342 : vector<16xf32>
          %abs3A_344 = math.absf %add3A_333 : vector<16xf32>
          %sub3A_345 = arith.subf %abs3A_344, %gather3A_204 : vector<16xf32>
          %max3A_346 = arith.constant 0.000000e+00 : f32
          %max3A_347 = vector.broadcast %max3A_346 : f32 to vector<16xf32>
          %max3A_348 = arith.maximumf %sub3A_345, %max3A_347 : vector<16xf32>
          %abs3A_349 = math.absf %add3A_338 : vector<16xf32>
          %sub3A_350 = arith.subf %abs3A_349, %gather3A_208 : vector<16xf32>
          %max3A_351 = arith.constant 0.000000e+00 : f32
          %max3A_352 = vector.broadcast %max3A_351 : f32 to vector<16xf32>
          %max3A_353 = arith.maximumf %sub3A_350, %max3A_352 : vector<16xf32>
          %abs3A_354 = math.absf %add3A_343 : vector<16xf32>
          %sub3A_355 = arith.subf %abs3A_354, %gather3A_212 : vector<16xf32>
          %max3A_356 = arith.constant 0.000000e+00 : f32
          %max3A_357 = vector.broadcast %max3A_356 : f32 to vector<16xf32>
          %max3A_358 = arith.maximumf %sub3A_355, %max3A_357 : vector<16xf32>
          %mul3A_359 = arith.mulf %max3A_348, %max3A_348 : vector<16xf32>
          %mul3A_360 = arith.mulf %max3A_353, %max3A_353 : vector<16xf32>
          %add3A_361 = arith.addf %mul3A_359, %mul3A_360 : vector<16xf32>
          %mul3A_362 = arith.mulf %max3A_358, %max3A_358 : vector<16xf32>
          %add3A_363 = arith.addf %add3A_361, %mul3A_362 : vector<16xf32>
          %get3A_364 = arith.index_cast %mul3A_313 : i32 to index
          %get3A_365 = tpu.vector_load %arg8[%get3A_364] {strides = array<i32>} : memref<1008xf32, #tpu.memory_space<vmem>>, vector<16xf32>,
          %min3A_366 = arith.minimumf %get3A_365, %add3A_363 : vector<16xf32>
          %swap3A_367 = arith.index_cast %mul3A_313 : i32 to index
          %swap3A_368 = tpu.vector_load %arg8[%swap3A_367] {strides = array<i32>} : memref<1008xf32, #tpu.memory_space<vmem>>, vector<16xf32>,
          tpu.vector_store %arg8[%swap3A_367], %min3A_366 {strides = array<i32>} : memref<1008xf32, #tpu.memory_space<vmem>>, vector<16xf32>,
          %mul3A_369 = arith.constant 7 : i32
          %mul3A_370 = arith.muli %scan3A_249, %mul3A_369 : i32
          %add3A_371 = arith.constant 2 : i32
          %add3A_372 = arith.addi %mul3A_370, %add3A_371 : i32
          %mul3A_373 = arith.constant 16 : i32
          %mul3A_374 = arith.muli %add3A_372, %mul3A_373 : i32
          %add3A_375 = arith.constant 176 : i32
          %add3A_376 = arith.addi %add3A_375, %mul3A_374 : i32
          %get3A_377 = arith.index_cast %add3A_376 : i32 to index
          %get3A_378 = tpu.vector_load %arg7[%get3A_377] {strides = array<i32>} : memref<3200xf32, #tpu.memory_space<vmem>>, vector<16xf32>,
          %sub3A_379 = arith.subf %get3A_378, %gather3A_192 : vector<16xf32>
          %add3A_380 = arith.constant 1176 : i32
          %add3A_381 = arith.addi %add3A_380, %mul3A_374 : i32
          %get3A_382 = arith.index_cast %add3A_381 : i32 to index
          %get3A_383 = tpu.vector_load %arg7[%get3A_382] {strides = array<i32>} : memref<3200xf32, #tpu.memory_space<vmem>>, vector<16xf32>,
          %sub3A_384 = arith.subf %get3A_383, %gather3A_196 : vector<16xf32>
          %add3A_385 = arith.constant 2176 : i32
          %add3A_386 = arith.addi %add3A_385, %mul3A_374 : i32
          %get3A_387 = arith.index_cast %add3A_386 : i32 to index
          %get3A_388 = tpu.vector_load %arg7[%get3A_387] {strides = array<i32>} : memref<3200xf32, #tpu.memory_space<vmem>>, vector<16xf32>,
          %sub3A_389 = arith.subf %get3A_388, %gather3A_200 : vector<16xf32>
          %mul3A_390 = arith.mulf %sub3A_228, %sub3A_379 : vector<16xf32>
          %mul3A_391 = arith.mulf %add3A_231, %sub3A_384 : vector<16xf32>
          %add3A_392 = arith.addf %mul3A_390, %mul3A_391 : vector<16xf32>
          %mul3A_393 = arith.mulf %sub3A_237, %sub3A_389 : vector<16xf32>
          %add3A_394 = arith.addf %add3A_392, %mul3A_393 : vector<16xf32>
          %mul3A_395 = arith.mulf %sub3A_229, %sub3A_379 : vector<16xf32>
          %mul3A_396 = arith.mulf %sub3A_235, %sub3A_384 : vector<16xf32>
          %add3A_397 = arith.addf %mul3A_395, %mul3A_396 : vector<16xf32>
          %mul3A_398 = arith.mulf %add3A_238, %sub3A_389 : vector<16xf32>
          %add3A_399 = arith.addf %add3A_397, %mul3A_398 : vector<16xf32>
          %mul3A_400 = arith.mulf %add3A_230, %sub3A_379 : vector<16xf32>
          %mul3A_401 = arith.mulf %sub3A_236, %sub3A_384 : vector<16xf32>
          %add3A_402 = arith.addf %mul3A_400, %mul3A_401 : vector<16xf32>
          %mul3A_403 = arith.mulf %sub3A_242, %sub3A_389 : vector<16xf32>
          %add3A_404 = arith.addf %add3A_402, %mul3A_403 : vector<16xf32>
          %abs3A_405 = math.absf %add3A_394 : vector<16xf32>
          %sub3A_406 = arith.subf %abs3A_405, %gather3A_204 : vector<16xf32>
          %max3A_407 = arith.constant 0.000000e+00 : f32
          %max3A_408 = vector.broadcast %max3A_407 : f32 to vector<16xf32>
          %max3A_409 = arith.maximumf %sub3A_406, %max3A_408 : vector<16xf32>
          %abs3A_410 = math.absf %add3A_399 : vector<16xf32>
          %sub3A_411 = arith.subf %abs3A_410, %gather3A_208 : vector<16xf32>
          %max3A_412 = arith.constant 0.000000e+00 : f32
          %max3A_413 = vector.broadcast %max3A_412 : f32 to vector<16xf32>
          %max3A_414 = arith.maximumf %sub3A_411, %max3A_413 : vector<16xf32>
          %abs3A_415 = math.absf %add3A_404 : vector<16xf32>
          %sub3A_416 = arith.subf %abs3A_415, %gather3A_212 : vector<16xf32>
          %max3A_417 = arith.constant 0.000000e+00 : f32
          %max3A_418 = vector.broadcast %max3A_417 : f32 to vector<16xf32>
          %max3A_419 = arith.maximumf %sub3A_416, %max3A_418 : vector<16xf32>
          %mul3A_420 = arith.mulf %max3A_409, %max3A_409 : vector<16xf32>
          %mul3A_421 = arith.mulf %max3A_414, %max3A_414 : vector<16xf32>
          %add3A_422 = arith.addf %mul3A_420, %mul3A_421 : vector<16xf32>
          %mul3A_423 = arith.mulf %max3A_419, %max3A_419 : vector<16xf32>
          %add3A_424 = arith.addf %add3A_422, %mul3A_423 : vector<16xf32>
          %get3A_425 = arith.index_cast %mul3A_374 : i32 to index
          %get3A_426 = tpu.vector_load %arg8[%get3A_425] {strides = array<i32>} : memref<1008xf32, #tpu.memory_space<vmem>>, vector<16xf32>,
          %min3A_427 = arith.minimumf %get3A_426, %add3A_424 : vector<16xf32>
          %swap3A_428 = arith.index_cast %mul3A_374 : i32 to index
          %swap3A_429 = tpu.vector_load %arg8[%swap3A_428] {strides = array<i32>} : memref<1008xf32, #tpu.memory_space<vmem>>, vector<16xf32>,
          tpu.vector_store %arg8[%swap3A_428], %min3A_427 {strides = array<i32>} : memref<1008xf32, #tpu.memory_space<vmem>>, vector<16xf32>,
          %mul3A_430 = arith.constant 7 : i32
          %mul3A_431 = arith.muli %scan3A_249, %mul3A_430 : i32
          %add3A_432 = arith.constant 3 : i32
          %add3A_433 = arith.addi %mul3A_431, %add3A_432 : i32
          %mul3A_434 = arith.constant 16 : i32
          %mul3A_435 = arith.muli %add3A_433, %mul3A_434 : i32
          %add3A_436 = arith.constant 176 : i32
          %add3A_437 = arith.addi %add3A_436, %mul3A_435 : i32
          %get3A_438 = arith.index_cast %add3A_437 : i32 to index
          %get3A_439 = tpu.vector_load %arg7[%get3A_438] {strides = array<i32>} : memref<3200xf32, #tpu.memory_space<vmem>>, vector<16xf32>,
          %sub3A_440 = arith.subf %get3A_439, %gather3A_192 : vector<16xf32>
          %add3A_441 = arith.constant 1176 : i32
          %add3A_442 = arith.addi %add3A_441, %mul3A_435 : i32
          %get3A_443 = arith.index_cast %add3A_442 : i32 to index
          %get3A_444 = tpu.vector_load %arg7[%get3A_443] {strides = array<i32>} : memref<3200xf32, #tpu.memory_space<vmem>>, vector<16xf32>,
          %sub3A_445 = arith.subf %get3A_444, %gather3A_196 : vector<16xf32>
          %add3A_446 = arith.constant 2176 : i32
          %add3A_447 = arith.addi %add3A_446, %mul3A_435 : i32
          %get3A_448 = arith.index_cast %add3A_447 : i32 to index
          %get3A_449 = tpu.vector_load %arg7[%get3A_448] {strides = array<i32>} : memref<3200xf32, #tpu.memory_space<vmem>>, vector<16xf32>,
          %sub3A_450 = arith.subf %get3A_449, %gather3A_200 : vector<16xf32>
          %mul3A_451 = arith.mulf %sub3A_228, %sub3A_440 : vector<16xf32>
          %mul3A_452 = arith.mulf %add3A_231, %sub3A_445 : vector<16xf32>
          %add3A_453 = arith.addf %mul3A_451, %mul3A_452 : vector<16xf32>
          %mul3A_454 = arith.mulf %sub3A_237, %sub3A_450 : vector<16xf32>
          %add3A_455 = arith.addf %add3A_453, %mul3A_454 : vector<16xf32>
          %mul3A_456 = arith.mulf %sub3A_229, %sub3A_440 : vector<16xf32>
          %mul3A_457 = arith.mulf %sub3A_235, %sub3A_445 : vector<16xf32>
          %add3A_458 = arith.addf %mul3A_456, %mul3A_457 : vector<16xf32>
          %mul3A_459 = arith.mulf %add3A_238, %sub3A_450 : vector<16xf32>
          %add3A_460 = arith.addf %add3A_458, %mul3A_459 : vector<16xf32>
          %mul3A_461 = arith.mulf %add3A_230, %sub3A_440 : vector<16xf32>
          %mul3A_462 = arith.mulf %sub3A_236, %sub3A_445 : vector<16xf32>
          %add3A_463 = arith.addf %mul3A_461, %mul3A_462 : vector<16xf32>
          %mul3A_464 = arith.mulf %sub3A_242, %sub3A_450 : vector<16xf32>
          %add3A_465 = arith.addf %add3A_463, %mul3A_464 : vector<16xf32>
          %abs3A_466 = math.absf %add3A_455 : vector<16xf32>
          %sub3A_467 = arith.subf %abs3A_466, %gather3A_204 : vector<16xf32>
          %max3A_468 = arith.constant 0.000000e+00 : f32
          %max3A_469 = vector.broadcast %max3A_468 : f32 to vector<16xf32>
          %max3A_470 = arith.maximumf %sub3A_467, %max3A_469 : vector<16xf32>
          %abs3A_471 = math.absf %add3A_460 : vector<16xf32>
          %sub3A_472 = arith.subf %abs3A_471, %gather3A_208 : vector<16xf32>
          %max3A_473 = arith.constant 0.000000e+00 : f32
          %max3A_474 = vector.broadcast %max3A_473 : f32 to vector<16xf32>
          %max3A_475 = arith.maximumf %sub3A_472, %max3A_474 : vector<16xf32>
          %abs3A_476 = math.absf %add3A_465 : vector<16xf32>
          %sub3A_477 = arith.subf %abs3A_476, %gather3A_212 : vector<16xf32>
          %max3A_478 = arith.constant 0.000000e+00 : f32
          %max3A_479 = vector.broadcast %max3A_478 : f32 to vector<16xf32>
          %max3A_480 = arith.maximumf %sub3A_477, %max3A_479 : vector<16xf32>
          %mul3A_481 = arith.mulf %max3A_470, %max3A_470 : vector<16xf32>
          %mul3A_482 = arith.mulf %max3A_475, %max3A_475 : vector<16xf32>
          %add3A_483 = arith.addf %mul3A_481, %mul3A_482 : vector<16xf32>
          %mul3A_484 = arith.mulf %max3A_480, %max3A_480 : vector<16xf32>
          %add3A_485 = arith.addf %add3A_483, %mul3A_484 : vector<16xf32>
          %get3A_486 = arith.index_cast %mul3A_435 : i32 to index
          %get3A_487 = tpu.vector_load %arg8[%get3A_486] {strides = array<i32>} : memref<1008xf32, #tpu.memory_space<vmem>>, vector<16xf32>,
          %min3A_488 = arith.minimumf %get3A_487, %add3A_485 : vector<16xf32>
          %swap3A_489 = arith.index_cast %mul3A_435 : i32 to index
          %swap3A_490 = tpu.vector_load %arg8[%swap3A_489] {strides = array<i32>} : memref<1008xf32, #tpu.memory_space<vmem>>, vector<16xf32>,
          tpu.vector_store %arg8[%swap3A_489], %min3A_488 {strides = array<i32>} : memref<1008xf32, #tpu.memory_space<vmem>>, vector<16xf32>,
          %mul3A_491 = arith.constant 7 : i32
          %mul3A_492 = arith.muli %scan3A_249, %mul3A_491 : i32
          %add3A_493 = arith.constant 4 : i32
          %add3A_494 = arith.addi %mul3A_492, %add3A_493 : i32
          %mul3A_495 = arith.constant 16 : i32
          %mul3A_496 = arith.muli %add3A_494, %mul3A_495 : i32
          %add3A_497 = arith.constant 176 : i32
          %add3A_498 = arith.addi %add3A_497, %mul3A_496 : i32
          %get3A_499 = arith.index_cast %add3A_498 : i32 to index
          %get3A_500 = tpu.vector_load %arg7[%get3A_499] {strides = array<i32>} : memref<3200xf32, #tpu.memory_space<vmem>>, vector<16xf32>,
          %sub3A_501 = arith.subf %get3A_500, %gather3A_192 : vector<16xf32>
          %add3A_502 = arith.constant 1176 : i32
          %add3A_503 = arith.addi %add3A_502, %mul3A_496 : i32
          %get3A_504 = arith.index_cast %add3A_503 : i32 to index
          %get3A_505 = tpu.vector_load %arg7[%get3A_504] {strides = array<i32>} : memref<3200xf32, #tpu.memory_space<vmem>>, vector<16xf32>,
          %sub3A_506 = arith.subf %get3A_505, %gather3A_196 : vector<16xf32>
          %add3A_507 = arith.constant 2176 : i32
          %add3A_508 = arith.addi %add3A_507, %mul3A_496 : i32
          %get3A_509 = arith.index_cast %add3A_508 : i32 to index
          %get3A_510 = tpu.vector_load %arg7[%get3A_509] {strides = array<i32>} : memref<3200xf32, #tpu.memory_space<vmem>>, vector<16xf32>,
          %sub3A_511 = arith.subf %get3A_510, %gather3A_200 : vector<16xf32>
          %mul3A_512 = arith.mulf %sub3A_228, %sub3A_501 : vector<16xf32>
          %mul3A_513 = arith.mulf %add3A_231, %sub3A_506 : vector<16xf32>
          %add3A_514 = arith.addf %mul3A_512, %mul3A_513 : vector<16xf32>
          %mul3A_515 = arith.mulf %sub3A_237, %sub3A_511 : vector<16xf32>
          %add3A_516 = arith.addf %add3A_514, %mul3A_515 : vector<16xf32>
          %mul3A_517 = arith.mulf %sub3A_229, %sub3A_501 : vector<16xf32>
          %mul3A_518 = arith.mulf %sub3A_235, %sub3A_506 : vector<16xf32>
          %add3A_519 = arith.addf %mul3A_517, %mul3A_518 : vector<16xf32>
          %mul3A_520 = arith.mulf %add3A_238, %sub3A_511 : vector<16xf32>
          %add3A_521 = arith.addf %add3A_519, %mul3A_520 : vector<16xf32>
          %mul3A_522 = arith.mulf %add3A_230, %sub3A_501 : vector<16xf32>
          %mul3A_523 = arith.mulf %sub3A_236, %sub3A_506 : vector<16xf32>
          %add3A_524 = arith.addf %mul3A_522, %mul3A_523 : vector<16xf32>
          %mul3A_525 = arith.mulf %sub3A_242, %sub3A_511 : vector<16xf32>
          %add3A_526 = arith.addf %add3A_524, %mul3A_525 : vector<16xf32>
          %abs3A_527 = math.absf %add3A_516 : vector<16xf32>
          %sub3A_528 = arith.subf %abs3A_527, %gather3A_204 : vector<16xf32>
          %max3A_529 = arith.constant 0.000000e+00 : f32
          %max3A_530 = vector.broadcast %max3A_529 : f32 to vector<16xf32>
          %max3A_531 = arith.maximumf %sub3A_528, %max3A_530 : vector<16xf32>
          %abs3A_532 = math.absf %add3A_521 : vector<16xf32>
          %sub3A_533 = arith.subf %abs3A_532, %gather3A_208 : vector<16xf32>
          %max3A_534 = arith.constant 0.000000e+00 : f32
          %max3A_535 = vector.broadcast %max3A_534 : f32 to vector<16xf32>
          %max3A_536 = arith.maximumf %sub3A_533, %max3A_535 : vector<16xf32>
          %abs3A_537 = math.absf %add3A_526 : vector<16xf32>
          %sub3A_538 = arith.subf %abs3A_537, %gather3A_212 : vector<16xf32>
          %max3A_539 = arith.constant 0.000000e+00 : f32
          %max3A_540 = vector.broadcast %max3A_539 : f32 to vector<16xf32>
          %max3A_541 = arith.maximumf %sub3A_538, %max3A_540 : vector<16xf32>
          %mul3A_542 = arith.mulf %max3A_531, %max3A_531 : vector<16xf32>
          %mul3A_543 = arith.mulf %max3A_536, %max3A_536 : vector<16xf32>
          %add3A_544 = arith.addf %mul3A_542, %mul3A_543 : vector<16xf32>
          %mul3A_545 = arith.mulf %max3A_541, %max3A_541 : vector<16xf32>
          %add3A_546 = arith.addf %add3A_544, %mul3A_545 : vector<16xf32>
          %get3A_547 = arith.index_cast %mul3A_496 : i32 to index
          %get3A_548 = tpu.vector_load %arg8[%get3A_547] {strides = array<i32>} : memref<1008xf32, #tpu.memory_space<vmem>>, vector<16xf32>,
          %min3A_549 = arith.minimumf %get3A_548, %add3A_546 : vector<16xf32>
          %swap3A_550 = arith.index_cast %mul3A_496 : i32 to index
          %swap3A_551 = tpu.vector_load %arg8[%swap3A_550] {strides = array<i32>} : memref<1008xf32, #tpu.memory_space<vmem>>, vector<16xf32>,
          tpu.vector_store %arg8[%swap3A_550], %min3A_549 {strides = array<i32>} : memref<1008xf32, #tpu.memory_space<vmem>>, vector<16xf32>,
          %mul3A_552 = arith.constant 7 : i32
          %mul3A_553 = arith.muli %scan3A_249, %mul3A_552 : i32
          %add3A_554 = arith.constant 5 : i32
          %add3A_555 = arith.addi %mul3A_553, %add3A_554 : i32
          %mul3A_556 = arith.constant 16 : i32
          %mul3A_557 = arith.muli %add3A_555, %mul3A_556 : i32
          %add3A_558 = arith.constant 176 : i32
          %add3A_559 = arith.addi %add3A_558, %mul3A_557 : i32
          %get3A_560 = arith.index_cast %add3A_559 : i32 to index
          %get3A_561 = tpu.vector_load %arg7[%get3A_560] {strides = array<i32>} : memref<3200xf32, #tpu.memory_space<vmem>>, vector<16xf32>,
          %sub3A_562 = arith.subf %get3A_561, %gather3A_192 : vector<16xf32>
          %add3A_563 = arith.constant 1176 : i32
          %add3A_564 = arith.addi %add3A_563, %mul3A_557 : i32
          %get3A_565 = arith.index_cast %add3A_564 : i32 to index
          %get3A_566 = tpu.vector_load %arg7[%get3A_565] {strides = array<i32>} : memref<3200xf32, #tpu.memory_space<vmem>>, vector<16xf32>,
          %sub3A_567 = arith.subf %get3A_566, %gather3A_196 : vector<16xf32>
          %add3A_568 = arith.constant 2176 : i32
          %add3A_569 = arith.addi %add3A_568, %mul3A_557 : i32
          %get3A_570 = arith.index_cast %add3A_569 : i32 to index
          %get3A_571 = tpu.vector_load %arg7[%get3A_570] {strides = array<i32>} : memref<3200xf32, #tpu.memory_space<vmem>>, vector<16xf32>,
          %sub3A_572 = arith.subf %get3A_571, %gather3A_200 : vector<16xf32>
          %mul3A_573 = arith.mulf %sub3A_228, %sub3A_562 : vector<16xf32>
          %mul3A_574 = arith.mulf %add3A_231, %sub3A_567 : vector<16xf32>
          %add3A_575 = arith.addf %mul3A_573, %mul3A_574 : vector<16xf32>
          %mul3A_576 = arith.mulf %sub3A_237, %sub3A_572 : vector<16xf32>
          %add3A_577 = arith.addf %add3A_575, %mul3A_576 : vector<16xf32>
          %mul3A_578 = arith.mulf %sub3A_229, %sub3A_562 : vector<16xf32>
          %mul3A_579 = arith.mulf %sub3A_235, %sub3A_567 : vector<16xf32>
          %add3A_580 = arith.addf %mul3A_578, %mul3A_579 : vector<16xf32>
          %mul3A_581 = arith.mulf %add3A_238, %sub3A_572 : vector<16xf32>
          %add3A_582 = arith.addf %add3A_580, %mul3A_581 : vector<16xf32>
          %mul3A_583 = arith.mulf %add3A_230, %sub3A_562 : vector<16xf32>
          %mul3A_584 = arith.mulf %sub3A_236, %sub3A_567 : vector<16xf32>
          %add3A_585 = arith.addf %mul3A_583, %mul3A_584 : vector<16xf32>
          %mul3A_586 = arith.mulf %sub3A_242, %sub3A_572 : vector<16xf32>
          %add3A_587 = arith.addf %add3A_585, %mul3A_586 : vector<16xf32>
          %abs3A_588 = math.absf %add3A_577 : vector<16xf32>
          %sub3A_589 = arith.subf %abs3A_588, %gather3A_204 : vector<16xf32>
          %max3A_590 = arith.constant 0.000000e+00 : f32
          %max3A_591 = vector.broadcast %max3A_590 : f32 to vector<16xf32>
          %max3A_592 = arith.maximumf %sub3A_589, %max3A_591 : vector<16xf32>
          %abs3A_593 = math.absf %add3A_582 : vector<16xf32>
          %sub3A_594 = arith.subf %abs3A_593, %gather3A_208 : vector<16xf32>
          %max3A_595 = arith.constant 0.000000e+00 : f32
          %max3A_596 = vector.broadcast %max3A_595 : f32 to vector<16xf32>
          %max3A_597 = arith.maximumf %sub3A_594, %max3A_596 : vector<16xf32>
          %abs3A_598 = math.absf %add3A_587 : vector<16xf32>
          %sub3A_599 = arith.subf %abs3A_598, %gather3A_212 : vector<16xf32>
          %max3A_600 = arith.constant 0.000000e+00 : f32
          %max3A_601 = vector.broadcast %max3A_600 : f32 to vector<16xf32>
          %max3A_602 = arith.maximumf %sub3A_599, %max3A_601 : vector<16xf32>
          %mul3A_603 = arith.mulf %max3A_592, %max3A_592 : vector<16xf32>
          %mul3A_604 = arith.mulf %max3A_597, %max3A_597 : vector<16xf32>
          %add3A_605 = arith.addf %mul3A_603, %mul3A_604 : vector<16xf32>
          %mul3A_606 = arith.mulf %max3A_602, %max3A_602 : vector<16xf32>
          %add3A_607 = arith.addf %add3A_605, %mul3A_606 : vector<16xf32>
          %get3A_608 = arith.index_cast %mul3A_557 : i32 to index
          %get3A_609 = tpu.vector_load %arg8[%get3A_608] {strides = array<i32>} : memref<1008xf32, #tpu.memory_space<vmem>>, vector<16xf32>,
          %min3A_610 = arith.minimumf %get3A_609, %add3A_607 : vector<16xf32>
          %swap3A_611 = arith.index_cast %mul3A_557 : i32 to index
          %swap3A_612 = tpu.vector_load %arg8[%swap3A_611] {strides = array<i32>} : memref<1008xf32, #tpu.memory_space<vmem>>, vector<16xf32>,
          tpu.vector_store %arg8[%swap3A_611], %min3A_610 {strides = array<i32>} : memref<1008xf32, #tpu.memory_space<vmem>>, vector<16xf32>,
          %mul3A_613 = arith.constant 7 : i32
          %mul3A_614 = arith.muli %scan3A_249, %mul3A_613 : i32
          %add3A_615 = arith.constant 6 : i32
          %add3A_616 = arith.addi %mul3A_614, %add3A_615 : i32
          %mul3A_617 = arith.constant 16 : i32
          %mul3A_618 = arith.muli %add3A_616, %mul3A_617 : i32
          %add3A_619 = arith.constant 176 : i32
          %add3A_620 = arith.addi %add3A_619, %mul3A_618 : i32
          %get3A_621 = arith.index_cast %add3A_620 : i32 to index
          %get3A_622 = tpu.vector_load %arg7[%get3A_621] {strides = array<i32>} : memref<3200xf32, #tpu.memory_space<vmem>>, vector<16xf32>,
          %sub3A_623 = arith.subf %get3A_622, %gather3A_192 : vector<16xf32>
          %add3A_624 = arith.constant 1176 : i32
          %add3A_625 = arith.addi %add3A_624, %mul3A_618 : i32
          %get3A_626 = arith.index_cast %add3A_625 : i32 to index
          %get3A_627 = tpu.vector_load %arg7[%get3A_626] {strides = array<i32>} : memref<3200xf32, #tpu.memory_space<vmem>>, vector<16xf32>,
          %sub3A_628 = arith.subf %get3A_627, %gather3A_196 : vector<16xf32>
          %add3A_629 = arith.constant 2176 : i32
          %add3A_630 = arith.addi %add3A_629, %mul3A_618 : i32
          %get3A_631 = arith.index_cast %add3A_630 : i32 to index
          %get3A_632 = tpu.vector_load %arg7[%get3A_631] {strides = array<i32>} : memref<3200xf32, #tpu.memory_space<vmem>>, vector<16xf32>,
          %sub3A_633 = arith.subf %get3A_632, %gather3A_200 : vector<16xf32>
          %mul3A_634 = arith.mulf %sub3A_228, %sub3A_623 : vector<16xf32>
          %mul3A_635 = arith.mulf %add3A_231, %sub3A_628 : vector<16xf32>
          %add3A_636 = arith.addf %mul3A_634, %mul3A_635 : vector<16xf32>
          %mul3A_637 = arith.mulf %sub3A_237, %sub3A_633 : vector<16xf32>
          %add3A_638 = arith.addf %add3A_636, %mul3A_637 : vector<16xf32>
          %mul3A_639 = arith.mulf %sub3A_229, %sub3A_623 : vector<16xf32>
          %mul3A_640 = arith.mulf %sub3A_235, %sub3A_628 : vector<16xf32>
          %add3A_641 = arith.addf %mul3A_639, %mul3A_640 : vector<16xf32>
          %mul3A_642 = arith.mulf %add3A_238, %sub3A_633 : vector<16xf32>
          %add3A_643 = arith.addf %add3A_641, %mul3A_642 : vector<16xf32>
          %mul3A_644 = arith.mulf %add3A_230, %sub3A_623 : vector<16xf32>
          %mul3A_645 = arith.mulf %sub3A_236, %sub3A_628 : vector<16xf32>
          %add3A_646 = arith.addf %mul3A_644, %mul3A_645 : vector<16xf32>
          %mul3A_647 = arith.mulf %sub3A_242, %sub3A_633 : vector<16xf32>
          %add3A_648 = arith.addf %add3A_646, %mul3A_647 : vector<16xf32>
          %abs3A_649 = math.absf %add3A_638 : vector<16xf32>
          %sub3A_650 = arith.subf %abs3A_649, %gather3A_204 : vector<16xf32>
          %max3A_651 = arith.constant 0.000000e+00 : f32
          %max3A_652 = vector.broadcast %max3A_651 : f32 to vector<16xf32>
          %max3A_653 = arith.maximumf %sub3A_650, %max3A_652 : vector<16xf32>
          %abs3A_654 = math.absf %add3A_643 : vector<16xf32>
          %sub3A_655 = arith.subf %abs3A_654, %gather3A_208 : vector<16xf32>
          %max3A_656 = arith.constant 0.000000e+00 : f32
          %max3A_657 = vector.broadcast %max3A_656 : f32 to vector<16xf32>
          %max3A_658 = arith.maximumf %sub3A_655, %max3A_657 : vector<16xf32>
          %abs3A_659 = math.absf %add3A_648 : vector<16xf32>
          %sub3A_660 = arith.subf %abs3A_659, %gather3A_212 : vector<16xf32>
          %max3A_661 = arith.constant 0.000000e+00 : f32
          %max3A_662 = vector.broadcast %max3A_661 : f32 to vector<16xf32>
          %max3A_663 = arith.maximumf %sub3A_660, %max3A_662 : vector<16xf32>
          %mul3A_664 = arith.mulf %max3A_653, %max3A_653 : vector<16xf32>
          %mul3A_665 = arith.mulf %max3A_658, %max3A_658 : vector<16xf32>
          %add3A_666 = arith.addf %mul3A_664, %mul3A_665 : vector<16xf32>
          %mul3A_667 = arith.mulf %max3A_663, %max3A_663 : vector<16xf32>
          %add3A_668 = arith.addf %add3A_666, %mul3A_667 : vector<16xf32>
          %get3A_669 = arith.index_cast %mul3A_618 : i32 to index
          %get3A_670 = tpu.vector_load %arg8[%get3A_669] {strides = array<i32>} : memref<1008xf32, #tpu.memory_space<vmem>>, vector<16xf32>,
          %min3A_671 = arith.minimumf %get3A_670, %add3A_668 : vector<16xf32>
          %swap3A_672 = arith.index_cast %mul3A_618 : i32 to index
          %swap3A_673 = tpu.vector_load %arg8[%swap3A_672] {strides = array<i32>} : memref<1008xf32, #tpu.memory_space<vmem>>, vector<16xf32>,
          tpu.vector_store %arg8[%swap3A_672], %min3A_671 {strides = array<i32>} : memref<1008xf32, #tpu.memory_space<vmem>>, vector<16xf32>,
        }
        %scan3A_248 = arith.constant 9 : i32
      } else {
      }
    }
    %scan3A_80 = arith.constant 16 : i32
    %broadcast_in_dim3A_81 = arith.constant 0.000000e+00 : f32
    %broadcast_in_dim3A_82 = vector.broadcast %broadcast_in_dim3A_81 : f32 to vector<16xf32>
    %scan3A_83 = arith.constant 0 : i32
    %scan3A_84 = arith.constant 9 : i32
    %scan3A_85 = arith.addi %scan3A_83, %scan3A_84 : i32
    %scan3A_86 = arith.constant 1 : i32
    %scan3A_87 = scf.for %scan3A_163 = %scan3A_83 to %scan3A_85 step %scan3A_86 iter_args(%scan3A_164 = %broadcast_in_dim3A_82) -> (vector<16xf32>)  : i32 {
      %mul3A_165 = arith.constant 7 : i32
      %mul3A_166 = arith.muli %scan3A_163, %mul3A_165 : i32
      %add3A_167 = arith.constant 0 : i32
      %add3A_168 = arith.addi %mul3A_166, %add3A_167 : i32
      %mul3A_169 = arith.constant 16 : i32
      %mul3A_170 = arith.muli %add3A_168, %mul3A_169 : i32
      %get3A_171 = arith.index_cast %mul3A_170 : i32 to index
      %get3A_172 = tpu.vector_load %arg8[%get3A_171] {strides = array<i32>} : memref<1008xf32, #tpu.memory_space<vmem>>, vector<16xf32>,
      %add3A_173 = arith.constant 9.99999996E-13 : f32
      %add3A_174 = vector.broadcast %add3A_173 : f32 to vector<16xf32>
      %add3A_175 = arith.addf %get3A_172, %add3A_174 : vector<16xf32>
      %bitcast3A_176 = vector.bitcast %add3A_175 : vector<16xf32> to vector<16xi32>
      %shift_right_logical3A_177 = arith.constant 1 : i32
      %shift_right_logical3A_178 = vector.broadcast %shift_right_logical3A_177 : i32 to vector<16xi32>
      %shift_right_logical3A_179 = arith.shrui %bitcast3A_176, %shift_right_logical3A_178 : vector<16xi32>
      %sub3A_180 = arith.constant 1597463007 : i32
      %sub3A_181 = vector.broadcast %sub3A_180 : i32 to vector<16xi32>
      %sub3A_182 = arith.subi %sub3A_181, %shift_right_logical3A_179 : vector<16xi32>
      %bitcast3A_183 = vector.bitcast %sub3A_182 : vector<16xi32> to vector<16xf32>
      %mul3A_184 = arith.constant 5.000000e-01 : f32
      %mul3A_185 = vector.broadcast %mul3A_184 : f32 to vector<16xf32>
      %mul3A_186 = arith.mulf %mul3A_185, %add3A_175 : vector<16xf32>
      %mul3A_187 = arith.mulf %mul3A_186, %bitcast3A_183 : vector<16xf32>
      %mul3A_188 = arith.mulf %mul3A_187, %bitcast3A_183 : vector<16xf32>
      %sub3A_189 = arith.constant 1.500000e+00 : f32
      %sub3A_190 = vector.broadcast %sub3A_189 : f32 to vector<16xf32>
      %sub3A_191 = arith.subf %sub3A_190, %mul3A_188 : vector<16xf32>
      %mul3A_192 = arith.mulf %bitcast3A_183, %sub3A_191 : vector<16xf32>
      %mul3A_193 = arith.constant 5.000000e-01 : f32
      %mul3A_194 = vector.broadcast %mul3A_193 : f32 to vector<16xf32>
      %mul3A_195 = arith.mulf %mul3A_194, %add3A_175 : vector<16xf32>
      %mul3A_196 = arith.mulf %mul3A_195, %mul3A_192 : vector<16xf32>
      %mul3A_197 = arith.mulf %mul3A_196, %mul3A_192 : vector<16xf32>
      %sub3A_198 = arith.constant 1.500000e+00 : f32
      %sub3A_199 = vector.broadcast %sub3A_198 : f32 to vector<16xf32>
      %sub3A_200 = arith.subf %sub3A_199, %mul3A_197 : vector<16xf32>
      %mul3A_201 = arith.mulf %mul3A_192, %sub3A_200 : vector<16xf32>
      %mul3A_202 = arith.constant 5.000000e-01 : f32
      %mul3A_203 = vector.broadcast %mul3A_202 : f32 to vector<16xf32>
      %mul3A_204 = arith.mulf %mul3A_203, %add3A_175 : vector<16xf32>
      %mul3A_205 = arith.mulf %mul3A_204, %mul3A_201 : vector<16xf32>
      %mul3A_206 = arith.mulf %mul3A_205, %mul3A_201 : vector<16xf32>
      %sub3A_207 = arith.constant 1.500000e+00 : f32
      %sub3A_208 = vector.broadcast %sub3A_207 : f32 to vector<16xf32>
      %sub3A_209 = arith.subf %sub3A_208, %mul3A_206 : vector<16xf32>
      %mul3A_210 = arith.mulf %mul3A_201, %sub3A_209 : vector<16xf32>
      %mul3A_211 = arith.mulf %add3A_175, %mul3A_210 : vector<16xf32>
      %add3A_212 = vector.broadcast %mul3A_170 : i32 to vector<16xi32>
      %add3A_213 = arith.addi %add3A_212, %iota3A : vector<16xi32>
      %lt3A = arith.constant 1000 : i32
      %lt3A_214 = vector.broadcast %lt3A : i32 to vector<16xi32>
      %lt3A_215 = arith.cmpi slt, %add3A_213, %lt3A_214 : vector<16xi32>
      %jit3A_216 = arith.constant 0.000000e+00 : f32
      %broadcast_in_dim3A_217 = vector.broadcast %jit3A_216 : f32 to vector<16xf32>
      %select_n3A_218 = arith.select %lt3A_215, %mul3A_211, %broadcast_in_dim3A_217 : vector<16xi1>, vector<16xf32>
      %add3A_219 = arith.addf %scan3A_164, %select_n3A_218 : vector<16xf32>
      %mul3A_220 = arith.constant 7 : i32
      %mul3A_221 = arith.muli %scan3A_163, %mul3A_220 : i32
      %add3A_222 = arith.constant 1 : i32
      %add3A_223 = arith.addi %mul3A_221, %add3A_222 : i32
      %mul3A_224 = arith.constant 16 : i32
      %mul3A_225 = arith.muli %add3A_223, %mul3A_224 : i32
      %get3A_226 = arith.index_cast %mul3A_225 : i32 to index
      %get3A_227 = tpu.vector_load %arg8[%get3A_226] {strides = array<i32>} : memref<1008xf32, #tpu.memory_space<vmem>>, vector<16xf32>,
      %add3A_228 = arith.constant 9.99999996E-13 : f32
      %add3A_229 = vector.broadcast %add3A_228 : f32 to vector<16xf32>
      %add3A_230 = arith.addf %get3A_227, %add3A_229 : vector<16xf32>
      %bitcast3A_231 = vector.bitcast %add3A_230 : vector<16xf32> to vector<16xi32>
      %shift_right_logical3A_232 = arith.constant 1 : i32
      %shift_right_logical3A_233 = vector.broadcast %shift_right_logical3A_232 : i32 to vector<16xi32>
      %shift_right_logical3A_234 = arith.shrui %bitcast3A_231, %shift_right_logical3A_233 : vector<16xi32>
      %sub3A_235 = arith.constant 1597463007 : i32
      %sub3A_236 = vector.broadcast %sub3A_235 : i32 to vector<16xi32>
      %sub3A_237 = arith.subi %sub3A_236, %shift_right_logical3A_234 : vector<16xi32>
      %bitcast3A_238 = vector.bitcast %sub3A_237 : vector<16xi32> to vector<16xf32>
      %mul3A_239 = arith.constant 5.000000e-01 : f32
      %mul3A_240 = vector.broadcast %mul3A_239 : f32 to vector<16xf32>
      %mul3A_241 = arith.mulf %mul3A_240, %add3A_230 : vector<16xf32>
      %mul3A_242 = arith.mulf %mul3A_241, %bitcast3A_238 : vector<16xf32>
      %mul3A_243 = arith.mulf %mul3A_242, %bitcast3A_238 : vector<16xf32>
      %sub3A_244 = arith.constant 1.500000e+00 : f32
      %sub3A_245 = vector.broadcast %sub3A_244 : f32 to vector<16xf32>
      %sub3A_246 = arith.subf %sub3A_245, %mul3A_243 : vector<16xf32>
      %mul3A_247 = arith.mulf %bitcast3A_238, %sub3A_246 : vector<16xf32>
      %mul3A_248 = arith.constant 5.000000e-01 : f32
      %mul3A_249 = vector.broadcast %mul3A_248 : f32 to vector<16xf32>
      %mul3A_250 = arith.mulf %mul3A_249, %add3A_230 : vector<16xf32>
      %mul3A_251 = arith.mulf %mul3A_250, %mul3A_247 : vector<16xf32>
      %mul3A_252 = arith.mulf %mul3A_251, %mul3A_247 : vector<16xf32>
      %sub3A_253 = arith.constant 1.500000e+00 : f32
      %sub3A_254 = vector.broadcast %sub3A_253 : f32 to vector<16xf32>
      %sub3A_255 = arith.subf %sub3A_254, %mul3A_252 : vector<16xf32>
      %mul3A_256 = arith.mulf %mul3A_247, %sub3A_255 : vector<16xf32>
      %mul3A_257 = arith.constant 5.000000e-01 : f32
      %mul3A_258 = vector.broadcast %mul3A_257 : f32 to vector<16xf32>
      %mul3A_259 = arith.mulf %mul3A_258, %add3A_230 : vector<16xf32>
      %mul3A_260 = arith.mulf %mul3A_259, %mul3A_256 : vector<16xf32>
      %mul3A_261 = arith.mulf %mul3A_260, %mul3A_256 : vector<16xf32>
      %sub3A_262 = arith.constant 1.500000e+00 : f32
      %sub3A_263 = vector.broadcast %sub3A_262 : f32 to vector<16xf32>
      %sub3A_264 = arith.subf %sub3A_263, %mul3A_261 : vector<16xf32>
      %mul3A_265 = arith.mulf %mul3A_256, %sub3A_264 : vector<16xf32>
      %mul3A_266 = arith.mulf %add3A_230, %mul3A_265 : vector<16xf32>
      %add3A_267 = vector.broadcast %mul3A_225 : i32 to vector<16xi32>
      %add3A_268 = arith.addi %add3A_267, %iota3A : vector<16xi32>
      %lt3A_269 = arith.constant 1000 : i32
      %lt3A_270 = vector.broadcast %lt3A_269 : i32 to vector<16xi32>
      %lt3A_271 = arith.cmpi slt, %add3A_268, %lt3A_270 : vector<16xi32>
      %jit3A_272 = arith.constant 0.000000e+00 : f32
      %broadcast_in_dim3A_273 = vector.broadcast %jit3A_272 : f32 to vector<16xf32>
      %select_n3A_274 = arith.select %lt3A_271, %mul3A_266, %broadcast_in_dim3A_273 : vector<16xi1>, vector<16xf32>
      %add3A_275 = arith.addf %add3A_219, %select_n3A_274 : vector<16xf32>
      %mul3A_276 = arith.constant 7 : i32
      %mul3A_277 = arith.muli %scan3A_163, %mul3A_276 : i32
      %add3A_278 = arith.constant 2 : i32
      %add3A_279 = arith.addi %mul3A_277, %add3A_278 : i32
      %mul3A_280 = arith.constant 16 : i32
      %mul3A_281 = arith.muli %add3A_279, %mul3A_280 : i32
      %get3A_282 = arith.index_cast %mul3A_281 : i32 to index
      %get3A_283 = tpu.vector_load %arg8[%get3A_282] {strides = array<i32>} : memref<1008xf32, #tpu.memory_space<vmem>>, vector<16xf32>,
      %add3A_284 = arith.constant 9.99999996E-13 : f32
      %add3A_285 = vector.broadcast %add3A_284 : f32 to vector<16xf32>
      %add3A_286 = arith.addf %get3A_283, %add3A_285 : vector<16xf32>
      %bitcast3A_287 = vector.bitcast %add3A_286 : vector<16xf32> to vector<16xi32>
      %shift_right_logical3A_288 = arith.constant 1 : i32
      %shift_right_logical3A_289 = vector.broadcast %shift_right_logical3A_288 : i32 to vector<16xi32>
      %shift_right_logical3A_290 = arith.shrui %bitcast3A_287, %shift_right_logical3A_289 : vector<16xi32>
      %sub3A_291 = arith.constant 1597463007 : i32
      %sub3A_292 = vector.broadcast %sub3A_291 : i32 to vector<16xi32>
      %sub3A_293 = arith.subi %sub3A_292, %shift_right_logical3A_290 : vector<16xi32>
      %bitcast3A_294 = vector.bitcast %sub3A_293 : vector<16xi32> to vector<16xf32>
      %mul3A_295 = arith.constant 5.000000e-01 : f32
      %mul3A_296 = vector.broadcast %mul3A_295 : f32 to vector<16xf32>
      %mul3A_297 = arith.mulf %mul3A_296, %add3A_286 : vector<16xf32>
      %mul3A_298 = arith.mulf %mul3A_297, %bitcast3A_294 : vector<16xf32>
      %mul3A_299 = arith.mulf %mul3A_298, %bitcast3A_294 : vector<16xf32>
      %sub3A_300 = arith.constant 1.500000e+00 : f32
      %sub3A_301 = vector.broadcast %sub3A_300 : f32 to vector<16xf32>
      %sub3A_302 = arith.subf %sub3A_301, %mul3A_299 : vector<16xf32>
      %mul3A_303 = arith.mulf %bitcast3A_294, %sub3A_302 : vector<16xf32>
      %mul3A_304 = arith.constant 5.000000e-01 : f32
      %mul3A_305 = vector.broadcast %mul3A_304 : f32 to vector<16xf32>
      %mul3A_306 = arith.mulf %mul3A_305, %add3A_286 : vector<16xf32>
      %mul3A_307 = arith.mulf %mul3A_306, %mul3A_303 : vector<16xf32>
      %mul3A_308 = arith.mulf %mul3A_307, %mul3A_303 : vector<16xf32>
      %sub3A_309 = arith.constant 1.500000e+00 : f32
      %sub3A_310 = vector.broadcast %sub3A_309 : f32 to vector<16xf32>
      %sub3A_311 = arith.subf %sub3A_310, %mul3A_308 : vector<16xf32>
      %mul3A_312 = arith.mulf %mul3A_303, %sub3A_311 : vector<16xf32>
      %mul3A_313 = arith.constant 5.000000e-01 : f32
      %mul3A_314 = vector.broadcast %mul3A_313 : f32 to vector<16xf32>
      %mul3A_315 = arith.mulf %mul3A_314, %add3A_286 : vector<16xf32>
      %mul3A_316 = arith.mulf %mul3A_315, %mul3A_312 : vector<16xf32>
      %mul3A_317 = arith.mulf %mul3A_316, %mul3A_312 : vector<16xf32>
      %sub3A_318 = arith.constant 1.500000e+00 : f32
      %sub3A_319 = vector.broadcast %sub3A_318 : f32 to vector<16xf32>
      %sub3A_320 = arith.subf %sub3A_319, %mul3A_317 : vector<16xf32>
      %mul3A_321 = arith.mulf %mul3A_312, %sub3A_320 : vector<16xf32>
      %mul3A_322 = arith.mulf %add3A_286, %mul3A_321 : vector<16xf32>
      %add3A_323 = vector.broadcast %mul3A_281 : i32 to vector<16xi32>
      %add3A_324 = arith.addi %add3A_323, %iota3A : vector<16xi32>
      %lt3A_325 = arith.constant 1000 : i32
      %lt3A_326 = vector.broadcast %lt3A_325 : i32 to vector<16xi32>
      %lt3A_327 = arith.cmpi slt, %add3A_324, %lt3A_326 : vector<16xi32>
      %jit3A_328 = arith.constant 0.000000e+00 : f32
      %broadcast_in_dim3A_329 = vector.broadcast %jit3A_328 : f32 to vector<16xf32>
      %select_n3A_330 = arith.select %lt3A_327, %mul3A_322, %broadcast_in_dim3A_329 : vector<16xi1>, vector<16xf32>
      %add3A_331 = arith.addf %add3A_275, %select_n3A_330 : vector<16xf32>
      %mul3A_332 = arith.constant 7 : i32
      %mul3A_333 = arith.muli %scan3A_163, %mul3A_332 : i32
      %add3A_334 = arith.constant 3 : i32
      %add3A_335 = arith.addi %mul3A_333, %add3A_334 : i32
      %mul3A_336 = arith.constant 16 : i32
      %mul3A_337 = arith.muli %add3A_335, %mul3A_336 : i32
      %get3A_338 = arith.index_cast %mul3A_337 : i32 to index
      %get3A_339 = tpu.vector_load %arg8[%get3A_338] {strides = array<i32>} : memref<1008xf32, #tpu.memory_space<vmem>>, vector<16xf32>,
      %add3A_340 = arith.constant 9.99999996E-13 : f32
      %add3A_341 = vector.broadcast %add3A_340 : f32 to vector<16xf32>
      %add3A_342 = arith.addf %get3A_339, %add3A_341 : vector<16xf32>
      %bitcast3A_343 = vector.bitcast %add3A_342 : vector<16xf32> to vector<16xi32>
      %shift_right_logical3A_344 = arith.constant 1 : i32
      %shift_right_logical3A_345 = vector.broadcast %shift_right_logical3A_344 : i32 to vector<16xi32>
      %shift_right_logical3A_346 = arith.shrui %bitcast3A_343, %shift_right_logical3A_345 : vector<16xi32>
      %sub3A_347 = arith.constant 1597463007 : i32
      %sub3A_348 = vector.broadcast %sub3A_347 : i32 to vector<16xi32>
      %sub3A_349 = arith.subi %sub3A_348, %shift_right_logical3A_346 : vector<16xi32>
      %bitcast3A_350 = vector.bitcast %sub3A_349 : vector<16xi32> to vector<16xf32>
      %mul3A_351 = arith.constant 5.000000e-01 : f32
      %mul3A_352 = vector.broadcast %mul3A_351 : f32 to vector<16xf32>
      %mul3A_353 = arith.mulf %mul3A_352, %add3A_342 : vector<16xf32>
      %mul3A_354 = arith.mulf %mul3A_353, %bitcast3A_350 : vector<16xf32>
      %mul3A_355 = arith.mulf %mul3A_354, %bitcast3A_350 : vector<16xf32>
      %sub3A_356 = arith.constant 1.500000e+00 : f32
      %sub3A_357 = vector.broadcast %sub3A_356 : f32 to vector<16xf32>
      %sub3A_358 = arith.subf %sub3A_357, %mul3A_355 : vector<16xf32>
      %mul3A_359 = arith.mulf %bitcast3A_350, %sub3A_358 : vector<16xf32>
      %mul3A_360 = arith.constant 5.000000e-01 : f32
      %mul3A_361 = vector.broadcast %mul3A_360 : f32 to vector<16xf32>
      %mul3A_362 = arith.mulf %mul3A_361, %add3A_342 : vector<16xf32>
      %mul3A_363 = arith.mulf %mul3A_362, %mul3A_359 : vector<16xf32>
      %mul3A_364 = arith.mulf %mul3A_363, %mul3A_359 : vector<16xf32>
      %sub3A_365 = arith.constant 1.500000e+00 : f32
      %sub3A_366 = vector.broadcast %sub3A_365 : f32 to vector<16xf32>
      %sub3A_367 = arith.subf %sub3A_366, %mul3A_364 : vector<16xf32>
      %mul3A_368 = arith.mulf %mul3A_359, %sub3A_367 : vector<16xf32>
      %mul3A_369 = arith.constant 5.000000e-01 : f32
      %mul3A_370 = vector.broadcast %mul3A_369 : f32 to vector<16xf32>
      %mul3A_371 = arith.mulf %mul3A_370, %add3A_342 : vector<16xf32>
      %mul3A_372 = arith.mulf %mul3A_371, %mul3A_368 : vector<16xf32>
      %mul3A_373 = arith.mulf %mul3A_372, %mul3A_368 : vector<16xf32>
      %sub3A_374 = arith.constant 1.500000e+00 : f32
      %sub3A_375 = vector.broadcast %sub3A_374 : f32 to vector<16xf32>
      %sub3A_376 = arith.subf %sub3A_375, %mul3A_373 : vector<16xf32>
      %mul3A_377 = arith.mulf %mul3A_368, %sub3A_376 : vector<16xf32>
      %mul3A_378 = arith.mulf %add3A_342, %mul3A_377 : vector<16xf32>
      %add3A_379 = vector.broadcast %mul3A_337 : i32 to vector<16xi32>
      %add3A_380 = arith.addi %add3A_379, %iota3A : vector<16xi32>
      %lt3A_381 = arith.constant 1000 : i32
      %lt3A_382 = vector.broadcast %lt3A_381 : i32 to vector<16xi32>
      %lt3A_383 = arith.cmpi slt, %add3A_380, %lt3A_382 : vector<16xi32>
      %jit3A_384 = arith.constant 0.000000e+00 : f32
      %broadcast_in_dim3A_385 = vector.broadcast %jit3A_384 : f32 to vector<16xf32>
      %select_n3A_386 = arith.select %lt3A_383, %mul3A_378, %broadcast_in_dim3A_385 : vector<16xi1>, vector<16xf32>
      %add3A_387 = arith.addf %add3A_331, %select_n3A_386 : vector<16xf32>
      %mul3A_388 = arith.constant 7 : i32
      %mul3A_389 = arith.muli %scan3A_163, %mul3A_388 : i32
      %add3A_390 = arith.constant 4 : i32
      %add3A_391 = arith.addi %mul3A_389, %add3A_390 : i32
      %mul3A_392 = arith.constant 16 : i32
      %mul3A_393 = arith.muli %add3A_391, %mul3A_392 : i32
      %get3A_394 = arith.index_cast %mul3A_393 : i32 to index
      %get3A_395 = tpu.vector_load %arg8[%get3A_394] {strides = array<i32>} : memref<1008xf32, #tpu.memory_space<vmem>>, vector<16xf32>,
      %add3A_396 = arith.constant 9.99999996E-13 : f32
      %add3A_397 = vector.broadcast %add3A_396 : f32 to vector<16xf32>
      %add3A_398 = arith.addf %get3A_395, %add3A_397 : vector<16xf32>
      %bitcast3A_399 = vector.bitcast %add3A_398 : vector<16xf32> to vector<16xi32>
      %shift_right_logical3A_400 = arith.constant 1 : i32
      %shift_right_logical3A_401 = vector.broadcast %shift_right_logical3A_400 : i32 to vector<16xi32>
      %shift_right_logical3A_402 = arith.shrui %bitcast3A_399, %shift_right_logical3A_401 : vector<16xi32>
      %sub3A_403 = arith.constant 1597463007 : i32
      %sub3A_404 = vector.broadcast %sub3A_403 : i32 to vector<16xi32>
      %sub3A_405 = arith.subi %sub3A_404, %shift_right_logical3A_402 : vector<16xi32>
      %bitcast3A_406 = vector.bitcast %sub3A_405 : vector<16xi32> to vector<16xf32>
      %mul3A_407 = arith.constant 5.000000e-01 : f32
      %mul3A_408 = vector.broadcast %mul3A_407 : f32 to vector<16xf32>
      %mul3A_409 = arith.mulf %mul3A_408, %add3A_398 : vector<16xf32>
      %mul3A_410 = arith.mulf %mul3A_409, %bitcast3A_406 : vector<16xf32>
      %mul3A_411 = arith.mulf %mul3A_410, %bitcast3A_406 : vector<16xf32>
      %sub3A_412 = arith.constant 1.500000e+00 : f32
      %sub3A_413 = vector.broadcast %sub3A_412 : f32 to vector<16xf32>
      %sub3A_414 = arith.subf %sub3A_413, %mul3A_411 : vector<16xf32>
      %mul3A_415 = arith.mulf %bitcast3A_406, %sub3A_414 : vector<16xf32>
      %mul3A_416 = arith.constant 5.000000e-01 : f32
      %mul3A_417 = vector.broadcast %mul3A_416 : f32 to vector<16xf32>
      %mul3A_418 = arith.mulf %mul3A_417, %add3A_398 : vector<16xf32>
      %mul3A_419 = arith.mulf %mul3A_418, %mul3A_415 : vector<16xf32>
      %mul3A_420 = arith.mulf %mul3A_419, %mul3A_415 : vector<16xf32>
      %sub3A_421 = arith.constant 1.500000e+00 : f32
      %sub3A_422 = vector.broadcast %sub3A_421 : f32 to vector<16xf32>
      %sub3A_423 = arith.subf %sub3A_422, %mul3A_420 : vector<16xf32>
      %mul3A_424 = arith.mulf %mul3A_415, %sub3A_423 : vector<16xf32>
      %mul3A_425 = arith.constant 5.000000e-01 : f32
      %mul3A_426 = vector.broadcast %mul3A_425 : f32 to vector<16xf32>
      %mul3A_427 = arith.mulf %mul3A_426, %add3A_398 : vector<16xf32>
      %mul3A_428 = arith.mulf %mul3A_427, %mul3A_424 : vector<16xf32>
      %mul3A_429 = arith.mulf %mul3A_428, %mul3A_424 : vector<16xf32>
      %sub3A_430 = arith.constant 1.500000e+00 : f32
      %sub3A_431 = vector.broadcast %sub3A_430 : f32 to vector<16xf32>
      %sub3A_432 = arith.subf %sub3A_431, %mul3A_429 : vector<16xf32>
      %mul3A_433 = arith.mulf %mul3A_424, %sub3A_432 : vector<16xf32>
      %mul3A_434 = arith.mulf %add3A_398, %mul3A_433 : vector<16xf32>
      %add3A_435 = vector.broadcast %mul3A_393 : i32 to vector<16xi32>
      %add3A_436 = arith.addi %add3A_435, %iota3A : vector<16xi32>
      %lt3A_437 = arith.constant 1000 : i32
      %lt3A_438 = vector.broadcast %lt3A_437 : i32 to vector<16xi32>
      %lt3A_439 = arith.cmpi slt, %add3A_436, %lt3A_438 : vector<16xi32>
      %jit3A_440 = arith.constant 0.000000e+00 : f32
      %broadcast_in_dim3A_441 = vector.broadcast %jit3A_440 : f32 to vector<16xf32>
      %select_n3A_442 = arith.select %lt3A_439, %mul3A_434, %broadcast_in_dim3A_441 : vector<16xi1>, vector<16xf32>
      %add3A_443 = arith.addf %add3A_387, %select_n3A_442 : vector<16xf32>
      %mul3A_444 = arith.constant 7 : i32
      %mul3A_445 = arith.muli %scan3A_163, %mul3A_444 : i32
      %add3A_446 = arith.constant 5 : i32
      %add3A_447 = arith.addi %mul3A_445, %add3A_446 : i32
      %mul3A_448 = arith.constant 16 : i32
      %mul3A_449 = arith.muli %add3A_447, %mul3A_448 : i32
      %get3A_450 = arith.index_cast %mul3A_449 : i32 to index
      %get3A_451 = tpu.vector_load %arg8[%get3A_450] {strides = array<i32>} : memref<1008xf32, #tpu.memory_space<vmem>>, vector<16xf32>,
      %add3A_452 = arith.constant 9.99999996E-13 : f32
      %add3A_453 = vector.broadcast %add3A_452 : f32 to vector<16xf32>
      %add3A_454 = arith.addf %get3A_451, %add3A_453 : vector<16xf32>
      %bitcast3A_455 = vector.bitcast %add3A_454 : vector<16xf32> to vector<16xi32>
      %shift_right_logical3A_456 = arith.constant 1 : i32
      %shift_right_logical3A_457 = vector.broadcast %shift_right_logical3A_456 : i32 to vector<16xi32>
      %shift_right_logical3A_458 = arith.shrui %bitcast3A_455, %shift_right_logical3A_457 : vector<16xi32>
      %sub3A_459 = arith.constant 1597463007 : i32
      %sub3A_460 = vector.broadcast %sub3A_459 : i32 to vector<16xi32>
      %sub3A_461 = arith.subi %sub3A_460, %shift_right_logical3A_458 : vector<16xi32>
      %bitcast3A_462 = vector.bitcast %sub3A_461 : vector<16xi32> to vector<16xf32>
      %mul3A_463 = arith.constant 5.000000e-01 : f32
      %mul3A_464 = vector.broadcast %mul3A_463 : f32 to vector<16xf32>
      %mul3A_465 = arith.mulf %mul3A_464, %add3A_454 : vector<16xf32>
      %mul3A_466 = arith.mulf %mul3A_465, %bitcast3A_462 : vector<16xf32>
      %mul3A_467 = arith.mulf %mul3A_466, %bitcast3A_462 : vector<16xf32>
      %sub3A_468 = arith.constant 1.500000e+00 : f32
      %sub3A_469 = vector.broadcast %sub3A_468 : f32 to vector<16xf32>
      %sub3A_470 = arith.subf %sub3A_469, %mul3A_467 : vector<16xf32>
      %mul3A_471 = arith.mulf %bitcast3A_462, %sub3A_470 : vector<16xf32>
      %mul3A_472 = arith.constant 5.000000e-01 : f32
      %mul3A_473 = vector.broadcast %mul3A_472 : f32 to vector<16xf32>
      %mul3A_474 = arith.mulf %mul3A_473, %add3A_454 : vector<16xf32>
      %mul3A_475 = arith.mulf %mul3A_474, %mul3A_471 : vector<16xf32>
      %mul3A_476 = arith.mulf %mul3A_475, %mul3A_471 : vector<16xf32>
      %sub3A_477 = arith.constant 1.500000e+00 : f32
      %sub3A_478 = vector.broadcast %sub3A_477 : f32 to vector<16xf32>
      %sub3A_479 = arith.subf %sub3A_478, %mul3A_476 : vector<16xf32>
      %mul3A_480 = arith.mulf %mul3A_471, %sub3A_479 : vector<16xf32>
      %mul3A_481 = arith.constant 5.000000e-01 : f32
      %mul3A_482 = vector.broadcast %mul3A_481 : f32 to vector<16xf32>
      %mul3A_483 = arith.mulf %mul3A_482, %add3A_454 : vector<16xf32>
      %mul3A_484 = arith.mulf %mul3A_483, %mul3A_480 : vector<16xf32>
      %mul3A_485 = arith.mulf %mul3A_484, %mul3A_480 : vector<16xf32>
      %sub3A_486 = arith.constant 1.500000e+00 : f32
      %sub3A_487 = vector.broadcast %sub3A_486 : f32 to vector<16xf32>
      %sub3A_488 = arith.subf %sub3A_487, %mul3A_485 : vector<16xf32>
      %mul3A_489 = arith.mulf %mul3A_480, %sub3A_488 : vector<16xf32>
      %mul3A_490 = arith.mulf %add3A_454, %mul3A_489 : vector<16xf32>
      %add3A_491 = vector.broadcast %mul3A_449 : i32 to vector<16xi32>
      %add3A_492 = arith.addi %add3A_491, %iota3A : vector<16xi32>
      %lt3A_493 = arith.constant 1000 : i32
      %lt3A_494 = vector.broadcast %lt3A_493 : i32 to vector<16xi32>
      %lt3A_495 = arith.cmpi slt, %add3A_492, %lt3A_494 : vector<16xi32>
      %jit3A_496 = arith.constant 0.000000e+00 : f32
      %broadcast_in_dim3A_497 = vector.broadcast %jit3A_496 : f32 to vector<16xf32>
      %select_n3A_498 = arith.select %lt3A_495, %mul3A_490, %broadcast_in_dim3A_497 : vector<16xi1>, vector<16xf32>
      %add3A_499 = arith.addf %add3A_443, %select_n3A_498 : vector<16xf32>
      %mul3A_500 = arith.constant 7 : i32
      %mul3A_501 = arith.muli %scan3A_163, %mul3A_500 : i32
      %add3A_502 = arith.constant 6 : i32
      %add3A_503 = arith.addi %mul3A_501, %add3A_502 : i32
      %mul3A_504 = arith.constant 16 : i32
      %mul3A_505 = arith.muli %add3A_503, %mul3A_504 : i32
      %get3A_506 = arith.index_cast %mul3A_505 : i32 to index
      %get3A_507 = tpu.vector_load %arg8[%get3A_506] {strides = array<i32>} : memref<1008xf32, #tpu.memory_space<vmem>>, vector<16xf32>,
      %add3A_508 = arith.constant 9.99999996E-13 : f32
      %add3A_509 = vector.broadcast %add3A_508 : f32 to vector<16xf32>
      %add3A_510 = arith.addf %get3A_507, %add3A_509 : vector<16xf32>
      %bitcast3A_511 = vector.bitcast %add3A_510 : vector<16xf32> to vector<16xi32>
      %shift_right_logical3A_512 = arith.constant 1 : i32
      %shift_right_logical3A_513 = vector.broadcast %shift_right_logical3A_512 : i32 to vector<16xi32>
      %shift_right_logical3A_514 = arith.shrui %bitcast3A_511, %shift_right_logical3A_513 : vector<16xi32>
      %sub3A_515 = arith.constant 1597463007 : i32
      %sub3A_516 = vector.broadcast %sub3A_515 : i32 to vector<16xi32>
      %sub3A_517 = arith.subi %sub3A_516, %shift_right_logical3A_514 : vector<16xi32>
      %bitcast3A_518 = vector.bitcast %sub3A_517 : vector<16xi32> to vector<16xf32>
      %mul3A_519 = arith.constant 5.000000e-01 : f32
      %mul3A_520 = vector.broadcast %mul3A_519 : f32 to vector<16xf32>
      %mul3A_521 = arith.mulf %mul3A_520, %add3A_510 : vector<16xf32>
      %mul3A_522 = arith.mulf %mul3A_521, %bitcast3A_518 : vector<16xf32>
      %mul3A_523 = arith.mulf %mul3A_522, %bitcast3A_518 : vector<16xf32>
      %sub3A_524 = arith.constant 1.500000e+00 : f32
      %sub3A_525 = vector.broadcast %sub3A_524 : f32 to vector<16xf32>
      %sub3A_526 = arith.subf %sub3A_525, %mul3A_523 : vector<16xf32>
      %mul3A_527 = arith.mulf %bitcast3A_518, %sub3A_526 : vector<16xf32>
      %mul3A_528 = arith.constant 5.000000e-01 : f32
      %mul3A_529 = vector.broadcast %mul3A_528 : f32 to vector<16xf32>
      %mul3A_530 = arith.mulf %mul3A_529, %add3A_510 : vector<16xf32>
      %mul3A_531 = arith.mulf %mul3A_530, %mul3A_527 : vector<16xf32>
      %mul3A_532 = arith.mulf %mul3A_531, %mul3A_527 : vector<16xf32>
      %sub3A_533 = arith.constant 1.500000e+00 : f32
      %sub3A_534 = vector.broadcast %sub3A_533 : f32 to vector<16xf32>
      %sub3A_535 = arith.subf %sub3A_534, %mul3A_532 : vector<16xf32>
      %mul3A_536 = arith.mulf %mul3A_527, %sub3A_535 : vector<16xf32>
      %mul3A_537 = arith.constant 5.000000e-01 : f32
      %mul3A_538 = vector.broadcast %mul3A_537 : f32 to vector<16xf32>
      %mul3A_539 = arith.mulf %mul3A_538, %add3A_510 : vector<16xf32>
      %mul3A_540 = arith.mulf %mul3A_539, %mul3A_536 : vector<16xf32>
      %mul3A_541 = arith.mulf %mul3A_540, %mul3A_536 : vector<16xf32>
      %sub3A_542 = arith.constant 1.500000e+00 : f32
      %sub3A_543 = vector.broadcast %sub3A_542 : f32 to vector<16xf32>
      %sub3A_544 = arith.subf %sub3A_543, %mul3A_541 : vector<16xf32>
      %mul3A_545 = arith.mulf %mul3A_536, %sub3A_544 : vector<16xf32>
      %mul3A_546 = arith.mulf %add3A_510, %mul3A_545 : vector<16xf32>
      %add3A_547 = vector.broadcast %mul3A_505 : i32 to vector<16xi32>
      %add3A_548 = arith.addi %add3A_547, %iota3A : vector<16xi32>
      %lt3A_549 = arith.constant 1000 : i32
      %lt3A_550 = vector.broadcast %lt3A_549 : i32 to vector<16xi32>
      %lt3A_551 = arith.cmpi slt, %add3A_548, %lt3A_550 : vector<16xi32>
      %jit3A_552 = arith.constant 0.000000e+00 : f32
      %broadcast_in_dim3A_553 = vector.broadcast %jit3A_552 : f32 to vector<16xf32>
      %select_n3A_554 = arith.select %lt3A_551, %mul3A_546, %broadcast_in_dim3A_553 : vector<16xi1>, vector<16xf32>
      %add3A_555 = arith.addf %add3A_499, %select_n3A_554 : vector<16xf32>
      scf.yield %add3A_555 : vector<16xf32>
    }
    %scan3A_88 = arith.constant 9 : i32
    %dma_wait3A = arith.constant 0 : i32
    %dma_wait3A_89 = tpu.memref_slice %arg3[%add3A, %dma_wait3A] : memref<32x98304xf32, #tpu.memory_space<hbm>> -> memref<1x98304xf32, #tpu.memory_space<hbm>>
    %dma_wait3A_90 = tpu.memref_squeeze %dma_wait3A_89 : memref<1x98304xf32, #tpu.memory_space<hbm>> -> memref<98304xf32, #tpu.memory_space<hbm>>
    %dma_wait3A_91 = arith.constant 0 : i32
    %dma_wait3A_92 = tpu.memref_slice %arg3[%add3A, %dma_wait3A_91] : memref<32x98304xf32, #tpu.memory_space<hbm>> -> memref<1x98304xf32, #tpu.memory_space<hbm>>
    %dma_wait3A_93 = tpu.memref_squeeze %dma_wait3A_92 : memref<1x98304xf32, #tpu.memory_space<hbm>> -> memref<98304xf32, #tpu.memory_space<hbm>>
    tpu.wait_dma2 semaphore(%arg13 : memref<!tpu.dma_semaphore, #tpu.memory_space<semaphore_mem>>) src(%dma_wait3A_93 : memref<98304xf32, #tpu.memory_space<hbm>>) dst(%arg6 : memref<98304xf32, #tpu.memory_space<vmem>>)
    %broadcast_in_dim3A_94 = arith.constant 0.000000e+00 : f32
    %broadcast_in_dim3A_95 = vector.broadcast %broadcast_in_dim3A_94 : f32 to vector<16xf32>
    %swap3A_96 = arith.constant 0 : index
    %swap3A_97 = tpu.vector_load %arg11[%swap3A_96] {strides = array<i32>} : memref<16xf32, #tpu.memory_space<vmem>>, vector<16xf32>,
    tpu.vector_store %arg11[%swap3A_96], %broadcast_in_dim3A_95 {strides = array<i32>} : memref<16xf32, #tpu.memory_space<vmem>>, vector<16xf32>,
    %broadcast_in_dim3A_98 = arith.constant 9.99999996E-13 : f32
    %broadcast_in_dim3A_99 = vector.broadcast %broadcast_in_dim3A_98 : f32 to vector<16xf32>
    %bitcast3A_100 = vector.bitcast %broadcast_in_dim3A_99 : vector<16xf32> to vector<16xi32>
    %shift_right_logical3A_101 = arith.constant 1 : i32
    %shift_right_logical3A_102 = vector.broadcast %shift_right_logical3A_101 : i32 to vector<16xi32>
    %shift_right_logical3A_103 = arith.shrui %bitcast3A_100, %shift_right_logical3A_102 : vector<16xi32>
    %sub3A_104 = arith.constant 1597463007 : i32
    %sub3A_105 = vector.broadcast %sub3A_104 : i32 to vector<16xi32>
    %sub3A_106 = arith.subi %sub3A_105, %shift_right_logical3A_103 : vector<16xi32>
    %bitcast3A_107 = vector.bitcast %sub3A_106 : vector<16xi32> to vector<16xf32>
    %mul3A_108 = arith.constant 5.000000e-01 : f32
    %mul3A_109 = vector.broadcast %mul3A_108 : f32 to vector<16xf32>
    %mul3A_110 = arith.mulf %mul3A_109, %broadcast_in_dim3A_99 : vector<16xf32>
    %mul3A_111 = arith.mulf %mul3A_110, %bitcast3A_107 : vector<16xf32>
    %mul3A_112 = arith.mulf %mul3A_111, %bitcast3A_107 : vector<16xf32>
    %sub3A_113 = arith.constant 1.500000e+00 : f32
    %sub3A_114 = vector.broadcast %sub3A_113 : f32 to vector<16xf32>
    %sub3A_115 = arith.subf %sub3A_114, %mul3A_112 : vector<16xf32>
    %mul3A_116 = arith.mulf %bitcast3A_107, %sub3A_115 : vector<16xf32>
    %mul3A_117 = arith.constant 5.000000e-01 : f32
    %mul3A_118 = vector.broadcast %mul3A_117 : f32 to vector<16xf32>
    %mul3A_119 = arith.mulf %mul3A_118, %broadcast_in_dim3A_99 : vector<16xf32>
    %mul3A_120 = arith.mulf %mul3A_119, %mul3A_116 : vector<16xf32>
    %mul3A_121 = arith.mulf %mul3A_120, %mul3A_116 : vector<16xf32>
    %sub3A_122 = arith.constant 1.500000e+00 : f32
    %sub3A_123 = vector.broadcast %sub3A_122 : f32 to vector<16xf32>
    %sub3A_124 = arith.subf %sub3A_123, %mul3A_121 : vector<16xf32>
    %mul3A_125 = arith.mulf %mul3A_116, %sub3A_124 : vector<16xf32>
    %mul3A_126 = arith.constant 5.000000e-01 : f32
    %mul3A_127 = vector.broadcast %mul3A_126 : f32 to vector<16xf32>
    %mul3A_128 = arith.mulf %mul3A_127, %broadcast_in_dim3A_99 : vector<16xf32>
    %mul3A_129 = arith.mulf %mul3A_128, %mul3A_125 : vector<16xf32>
    %mul3A_130 = arith.mulf %mul3A_129, %mul3A_125 : vector<16xf32>
    %sub3A_131 = arith.constant 1.500000e+00 : f32
    %sub3A_132 = vector.broadcast %sub3A_131 : f32 to vector<16xf32>
    %sub3A_133 = arith.subf %sub3A_132, %mul3A_130 : vector<16xf32>
    %mul3A_134 = arith.mulf %mul3A_125, %sub3A_133 : vector<16xf32>
    %mul3A_135 = arith.mulf %broadcast_in_dim3A_99, %mul3A_134 : vector<16xf32>
    %eq3A = arith.constant 0 : i32
    %eq3A_136 = vector.broadcast %eq3A : i32 to vector<16xi32>
    %eq3A_137 = arith.cmpi eq, %iota3A, %eq3A_136 : vector<16xi32>
    %jit3A = arith.constant 1.000000e+00 : f32
    %jit3A_138 = arith.constant 0.000000e+00 : f32
    %broadcast_in_dim3A_139 = vector.broadcast %jit3A : f32 to vector<16xf32>
    %broadcast_in_dim3A_140 = vector.broadcast %jit3A_138 : f32 to vector<16xf32>
    %select_n3A = arith.select %eq3A_137, %broadcast_in_dim3A_139, %broadcast_in_dim3A_140 : vector<16xi1>, vector<16xf32>
    %scan3A_141 = arith.constant 0 : i32
    %scan3A_142 = arith.constant 0 : i32
    %scan3A_143 = arith.constant 16 : i32
    %scan3A_144 = arith.addi %scan3A_142, %scan3A_143 : i32
    %scan3A_145 = arith.constant 1 : i32
    scf.for %scan3A_163 = %scan3A_142 to %scan3A_144 step %scan3A_145  : i32 {
      %broadcast_in_dim3A_164 = arith.constant 0 : i32
      %broadcast_in_dim3A_165 = vector.broadcast %broadcast_in_dim3A_164 : i32 to vector<16xi32>
      %add3A_166 = vector.broadcast %scan3A_163 : i32 to vector<16xi32>
      %add3A_167 = arith.addi %broadcast_in_dim3A_165, %add3A_166 : vector<16xi32>
      %add3A_168 = arith.constant 160 : i32
      %add3A_169 = vector.broadcast %add3A_168 : i32 to vector<16xi32>
      %add3A_170 = arith.addi %add3A_167, %add3A_169 : vector<16xi32>
      %gather3A = tpu.vector_load_idx %arg7[%add3A_170] : memref<3200xf32, #tpu.memory_space<vmem>>[vector<16xi32>], vector<16xf32>,
      %reduce_max3A = arith.constant true
      %reduce_max3A_171 = vector.broadcast %reduce_max3A : i1 to vector<16xi1>
      %reduce_max3A_172 = tpu.scan <max>, %gather3A masked %reduce_max3A_171 : vector<16xf32>, vector<16xi1> -> vector<16xf32>
      %reduce_max3A_173 = vector.extract %reduce_max3A_172[15] : f32 from vector<16xf32>
      %gt3A = arith.constant 0.000000e+00 : f32
      %gt3A_174 = arith.cmpf ogt, %reduce_max3A_173, %gt3A : f32
      %convert_element_type3A = arith.extui %gt3A_174 : i1 to i32
      %cond3A = arith.constant 0 : i32
      %cond3A_175 = arith.cmpi ne, %convert_element_type3A, %cond3A : i32
      scf.if %cond3A_175 {
        %gather3A_180 = tpu.vector_load_idx %arg10[%add3A_167] : memref<64xf32, #tpu.memory_space<vmem>>[vector<16xi32>], vector<16xf32>,
        %add3A_181 = arith.constant 16 : i32
        %add3A_182 = vector.broadcast %add3A_181 : i32 to vector<16xi32>
        %add3A_183 = arith.addi %add3A_167, %add3A_182 : vector<16xi32>
        %gather3A_184 = tpu.vector_load_idx %arg10[%add3A_183] : memref<64xf32, #tpu.memory_space<vmem>>[vector<16xi32>], vector<16xf32>,
        %add3A_185 = arith.constant 32 : i32
        %add3A_186 = vector.broadcast %add3A_185 : i32 to vector<16xi32>
        %add3A_187 = arith.addi %add3A_167, %add3A_186 : vector<16xi32>
        %gather3A_188 = tpu.vector_load_idx %arg10[%add3A_187] : memref<64xf32, #tpu.memory_space<vmem>>[vector<16xi32>], vector<16xf32>,
        %add3A_189 = arith.constant 48 : i32
        %add3A_190 = vector.broadcast %add3A_189 : i32 to vector<16xi32>
        %add3A_191 = arith.addi %add3A_167, %add3A_190 : vector<16xi32>
        %gather3A_192 = tpu.vector_load_idx %arg10[%add3A_191] : memref<64xf32, #tpu.memory_space<vmem>>[vector<16xi32>], vector<16xf32>,
        %add3A_193 = arith.constant 48 : i32
        %add3A_194 = vector.broadcast %add3A_193 : i32 to vector<16xi32>
        %add3A_195 = arith.addi %add3A_167, %add3A_194 : vector<16xi32>
        %gather3A_196 = tpu.vector_load_idx %arg7[%add3A_195] : memref<3200xf32, #tpu.memory_space<vmem>>[vector<16xi32>], vector<16xf32>,
        %add3A_197 = arith.constant 64 : i32
        %add3A_198 = vector.broadcast %add3A_197 : i32 to vector<16xi32>
        %add3A_199 = arith.addi %add3A_167, %add3A_198 : vector<16xi32>
        %gather3A_200 = tpu.vector_load_idx %arg7[%add3A_199] : memref<3200xf32, #tpu.memory_space<vmem>>[vector<16xi32>], vector<16xf32>,
        %add3A_201 = arith.constant 80 : i32
        %add3A_202 = vector.broadcast %add3A_201 : i32 to vector<16xi32>
        %add3A_203 = arith.addi %add3A_167, %add3A_202 : vector<16xi32>
        %gather3A_204 = tpu.vector_load_idx %arg7[%add3A_203] : memref<3200xf32, #tpu.memory_space<vmem>>[vector<16xi32>], vector<16xf32>,
        %add3A_205 = arith.constant 0 : i32
        %add3A_206 = vector.broadcast %add3A_205 : i32 to vector<16xi32>
        %add3A_207 = arith.addi %add3A_167, %add3A_206 : vector<16xi32>
        %gather3A_208 = tpu.vector_load_idx %arg7[%add3A_207] : memref<3200xf32, #tpu.memory_space<vmem>>[vector<16xi32>], vector<16xf32>,
        %add3A_209 = arith.constant 16 : i32
        %add3A_210 = vector.broadcast %add3A_209 : i32 to vector<16xi32>
        %add3A_211 = arith.addi %add3A_167, %add3A_210 : vector<16xi32>
        %gather3A_212 = tpu.vector_load_idx %arg7[%add3A_211] : memref<3200xf32, #tpu.memory_space<vmem>>[vector<16xi32>], vector<16xf32>,
        %add3A_213 = arith.constant 32 : i32
        %add3A_214 = vector.broadcast %add3A_213 : i32 to vector<16xi32>
        %add3A_215 = arith.addi %add3A_167, %add3A_214 : vector<16xi32>
        %gather3A_216 = tpu.vector_load_idx %arg7[%add3A_215] : memref<3200xf32, #tpu.memory_space<vmem>>[vector<16xi32>], vector<16xf32>,
        %add3A_217 = arith.addf %gather3A_184, %gather3A_184 : vector<16xf32>
        %add3A_218 = arith.addf %gather3A_188, %gather3A_188 : vector<16xf32>
        %add3A_219 = arith.addf %gather3A_192, %gather3A_192 : vector<16xf32>
        %mul3A_220 = arith.mulf %gather3A_184, %add3A_217 : vector<16xf32>
        %mul3A_221 = arith.mulf %gather3A_188, %add3A_218 : vector<16xf32>
        %mul3A_222 = arith.mulf %gather3A_192, %add3A_219 : vector<16xf32>
        %mul3A_223 = arith.mulf %gather3A_184, %add3A_218 : vector<16xf32>
        %mul3A_224 = arith.mulf %gather3A_184, %add3A_219 : vector<16xf32>
        %mul3A_225 = arith.mulf %gather3A_188, %add3A_219 : vector<16xf32>
        %mul3A_226 = arith.mulf %gather3A_180, %add3A_217 : vector<16xf32>
        %mul3A_227 = arith.mulf %gather3A_180, %add3A_218 : vector<16xf32>
        %mul3A_228 = arith.mulf %gather3A_180, %add3A_219 : vector<16xf32>
        %add3A_229 = arith.addf %mul3A_221, %mul3A_222 : vector<16xf32>
        %sub3A_230 = arith.constant 1.000000e+00 : f32
        %sub3A_231 = vector.broadcast %sub3A_230 : f32 to vector<16xf32>
        %sub3A_232 = arith.subf %sub3A_231, %add3A_229 : vector<16xf32>
        %sub3A_233 = arith.subf %mul3A_223, %mul3A_228 : vector<16xf32>
        %add3A_234 = arith.addf %mul3A_224, %mul3A_227 : vector<16xf32>
        %add3A_235 = arith.addf %mul3A_223, %mul3A_228 : vector<16xf32>
        %add3A_236 = arith.addf %mul3A_220, %mul3A_222 : vector<16xf32>
        %sub3A_237 = arith.constant 1.000000e+00 : f32
        %sub3A_238 = vector.broadcast %sub3A_237 : f32 to vector<16xf32>
        %sub3A_239 = arith.subf %sub3A_238, %add3A_236 : vector<16xf32>
        %sub3A_240 = arith.subf %mul3A_225, %mul3A_226 : vector<16xf32>
        %sub3A_241 = arith.subf %mul3A_224, %mul3A_227 : vector<16xf32>
        %add3A_242 = arith.addf %mul3A_225, %mul3A_226 : vector<16xf32>
        %add3A_243 = arith.addf %mul3A_220, %mul3A_221 : vector<16xf32>
        %sub3A_244 = arith.constant 1.000000e+00 : f32
        %sub3A_245 = vector.broadcast %sub3A_244 : f32 to vector<16xf32>
        %sub3A_246 = arith.subf %sub3A_245, %add3A_243 : vector<16xf32>
        %broadcast_in_dim3A_247 = arith.constant 0.000000e+00 : f32
        %broadcast_in_dim3A_248 = vector.broadcast %broadcast_in_dim3A_247 : f32 to vector<16xf32>
        %scan3A_249 = arith.constant 0 : i32
        %scan3A_250 = arith.constant 5 : i32
        %scan3A_251 = arith.addi %scan3A_249, %scan3A_250 : i32
        %scan3A_252 = arith.constant 1 : i32
        %scan3A_253 = scf.for %scan3A_260 = %scan3A_249 to %scan3A_251 step %scan3A_252 iter_args(%scan3A_261 = %broadcast_in_dim3A_248) -> (vector<16xf32>)  : i32 {
          %mul3A_262 = arith.constant 2 : i32
          %mul3A_263 = arith.muli %scan3A_260, %mul3A_262 : i32
          %add3A_264 = arith.constant 0 : i32
          %add3A_265 = arith.addi %mul3A_263, %add3A_264 : i32
          %mul3A_266 = arith.constant 16 : i32
          %mul3A_267 = arith.muli %add3A_265, %mul3A_266 : i32
          %get3A_268 = arith.index_cast %mul3A_267 : i32 to index
          %get3A_269 = tpu.vector_load %arg9[%get3A_268] {strides = array<i32>} : memref<480xf32, #tpu.memory_space<vmem>>, vector<16xf32>,
          %mul3A_270 = arith.mulf %get3A_269, %gather3A_208 : vector<16xf32>
          %add3A_271 = arith.constant 160 : i32
          %add3A_272 = arith.addi %add3A_271, %mul3A_267 : i32
          %get3A_273 = arith.index_cast %add3A_272 : i32 to index
          %get3A_274 = tpu.vector_load %arg9[%get3A_273] {strides = array<i32>} : memref<480xf32, #tpu.memory_space<vmem>>, vector<16xf32>,
          %mul3A_275 = arith.mulf %get3A_274, %gather3A_212 : vector<16xf32>
          %add3A_276 = arith.constant 320 : i32
          %add3A_277 = arith.addi %add3A_276, %mul3A_267 : i32
          %get3A_278 = arith.index_cast %add3A_277 : i32 to index
          %get3A_279 = tpu.vector_load %arg9[%get3A_278] {strides = array<i32>} : memref<480xf32, #tpu.memory_space<vmem>>, vector<16xf32>,
          %mul3A_280 = arith.mulf %get3A_279, %gather3A_216 : vector<16xf32>
          %mul3A_281 = arith.mulf %sub3A_232, %mul3A_270 : vector<16xf32>
          %mul3A_282 = arith.mulf %sub3A_233, %mul3A_275 : vector<16xf32>
          %add3A_283 = arith.addf %mul3A_281, %mul3A_282 : vector<16xf32>
          %mul3A_284 = arith.mulf %add3A_234, %mul3A_280 : vector<16xf32>
          %add3A_285 = arith.addf %add3A_283, %mul3A_284 : vector<16xf32>
          %add3A_286 = arith.addf %add3A_285, %gather3A_196 : vector<16xf32>
          %mul3A_287 = arith.mulf %add3A_235, %mul3A_270 : vector<16xf32>
          %mul3A_288 = arith.mulf %sub3A_239, %mul3A_275 : vector<16xf32>
          %add3A_289 = arith.addf %mul3A_287, %mul3A_288 : vector<16xf32>
          %mul3A_290 = arith.mulf %sub3A_240, %mul3A_280 : vector<16xf32>
          %add3A_291 = arith.addf %add3A_289, %mul3A_290 : vector<16xf32>
          %add3A_292 = arith.addf %add3A_291, %gather3A_200 : vector<16xf32>
          %mul3A_293 = arith.mulf %sub3A_241, %mul3A_270 : vector<16xf32>
          %mul3A_294 = arith.mulf %add3A_242, %mul3A_275 : vector<16xf32>
          %add3A_295 = arith.addf %mul3A_293, %mul3A_294 : vector<16xf32>
          %mul3A_296 = arith.mulf %sub3A_246, %mul3A_280 : vector<16xf32>
          %add3A_297 = arith.addf %add3A_295, %mul3A_296 : vector<16xf32>
          %add3A_298 = arith.addf %add3A_297, %gather3A_204 : vector<16xf32>
          %add3A_299 = arith.constant 5.000000e-01 : f32
          %add3A_300 = vector.broadcast %add3A_299 : f32 to vector<16xf32>
          %add3A_301 = arith.addf %add3A_286, %add3A_300 : vector<16xf32>
          %mul3A_302 = arith.constant 3.200000e+01 : f32
          %mul3A_303 = vector.broadcast %mul3A_302 : f32 to vector<16xf32>
          %mul3A_304 = arith.mulf %add3A_301, %mul3A_303 : vector<16xf32>
          %convert_element_type3A_305 = arith.fptosi %mul3A_304 : vector<16xf32> to vector<16xi32>
          %jit3A_306 = arith.constant 0 : i32
          %jit3A_307 = arith.constant 31 : i32
          %max3A = vector.broadcast %jit3A_306 : i32 to vector<16xi32>
          %max3A_308 = arith.maxsi %max3A, %convert_element_type3A_305 : vector<16xi32>
          %min3A = vector.broadcast %jit3A_307 : i32 to vector<16xi32>
          %min3A_309 = arith.minsi %min3A, %max3A_308 : vector<16xi32>
          %add3A_310 = arith.constant 5.000000e-01 : f32
          %add3A_311 = vector.broadcast %add3A_310 : f32 to vector<16xf32>
          %add3A_312 = arith.addf %add3A_292, %add3A_311 : vector<16xf32>
          %mul3A_313 = arith.constant 3.200000e+01 : f32
          %mul3A_314 = vector.broadcast %mul3A_313 : f32 to vector<16xf32>
          %mul3A_315 = arith.mulf %add3A_312, %mul3A_314 : vector<16xf32>
          %convert_element_type3A_316 = arith.fptosi %mul3A_315 : vector<16xf32> to vector<16xi32>
          %jit3A_317 = arith.constant 0 : i32
          %jit3A_318 = arith.constant 31 : i32
          %max3A_319 = vector.broadcast %jit3A_317 : i32 to vector<16xi32>
          %max3A_320 = arith.maxsi %max3A_319, %convert_element_type3A_316 : vector<16xi32>
          %min3A_321 = vector.broadcast %jit3A_318 : i32 to vector<16xi32>
          %min3A_322 = arith.minsi %min3A_321, %max3A_320 : vector<16xi32>
          %add3A_323 = arith.constant 5.000000e-01 : f32
          %add3A_324 = vector.broadcast %add3A_323 : f32 to vector<16xf32>
          %add3A_325 = arith.addf %add3A_298, %add3A_324 : vector<16xf32>
          %mul3A_326 = arith.constant 3.200000e+01 : f32
          %mul3A_327 = vector.broadcast %mul3A_326 : f32 to vector<16xf32>
          %mul3A_328 = arith.mulf %add3A_325, %mul3A_327 : vector<16xf32>
          %convert_element_type3A_329 = arith.fptosi %mul3A_328 : vector<16xf32> to vector<16xi32>
          %jit3A_330 = arith.constant 0 : i32
          %jit3A_331 = arith.constant 31 : i32
          %max3A_332 = vector.broadcast %jit3A_330 : i32 to vector<16xi32>
          %max3A_333 = arith.maxsi %max3A_332, %convert_element_type3A_329 : vector<16xi32>
          %min3A_334 = vector.broadcast %jit3A_331 : i32 to vector<16xi32>
          %min3A_335 = arith.minsi %min3A_334, %max3A_333 : vector<16xi32>
          %mul3A_336 = arith.constant 3072 : i32
          %mul3A_337 = vector.broadcast %mul3A_336 : i32 to vector<16xi32>
          %mul3A_338 = arith.muli %min3A_309, %mul3A_337 : vector<16xi32>
          %mul3A_339 = arith.constant 32 : i32
          %mul3A_340 = vector.broadcast %mul3A_339 : i32 to vector<16xi32>
          %mul3A_341 = arith.muli %min3A_322, %mul3A_340 : vector<16xi32>
          %add3A_342 = arith.addi %mul3A_338, %mul3A_341 : vector<16xi32>
          %add3A_343 = arith.addi %add3A_342, %min3A_335 : vector<16xi32>
          %gather3A_344 = tpu.vector_load_idx %arg6[%add3A_343] : memref<98304xf32, #tpu.memory_space<vmem>>[vector<16xi32>], vector<16xf32>,
          %add3A_345 = arith.constant 1024 : i32
          %add3A_346 = vector.broadcast %add3A_345 : i32 to vector<16xi32>
          %add3A_347 = arith.addi %add3A_343, %add3A_346 : vector<16xi32>
          %gather3A_348 = tpu.vector_load_idx %arg6[%add3A_347] : memref<98304xf32, #tpu.memory_space<vmem>>[vector<16xi32>], vector<16xf32>,
          %add3A_349 = arith.constant 2048 : i32
          %add3A_350 = vector.broadcast %add3A_349 : i32 to vector<16xi32>
          %add3A_351 = arith.addi %add3A_343, %add3A_350 : vector<16xi32>
          %gather3A_352 = tpu.vector_load_idx %arg6[%add3A_351] : memref<98304xf32, #tpu.memory_space<vmem>>[vector<16xi32>], vector<16xf32>,
          %sub3A_353 = arith.subf %add3A_286, %gather3A_344 : vector<16xf32>
          %sub3A_354 = arith.subf %add3A_292, %gather3A_348 : vector<16xf32>
          %sub3A_355 = arith.subf %add3A_298, %gather3A_352 : vector<16xf32>
          %mul3A_356 = arith.mulf %sub3A_353, %sub3A_353 : vector<16xf32>
          %mul3A_357 = arith.mulf %sub3A_354, %sub3A_354 : vector<16xf32>
          %add3A_358 = arith.addf %mul3A_356, %mul3A_357 : vector<16xf32>
          %mul3A_359 = arith.mulf %sub3A_355, %sub3A_355 : vector<16xf32>
          %add3A_360 = arith.addf %add3A_358, %mul3A_359 : vector<16xf32>
          %add3A_361 = arith.constant 9.99999996E-13 : f32
          %add3A_362 = vector.broadcast %add3A_361 : f32 to vector<16xf32>
          %add3A_363 = arith.addf %add3A_360, %add3A_362 : vector<16xf32>
          %bitcast3A_364 = vector.bitcast %add3A_363 : vector<16xf32> to vector<16xi32>
          %shift_right_logical3A_365 = arith.constant 1 : i32
          %shift_right_logical3A_366 = vector.broadcast %shift_right_logical3A_365 : i32 to vector<16xi32>
          %shift_right_logical3A_367 = arith.shrui %bitcast3A_364, %shift_right_logical3A_366 : vector<16xi32>
          %sub3A_368 = arith.constant 1597463007 : i32
          %sub3A_369 = vector.broadcast %sub3A_368 : i32 to vector<16xi32>
          %sub3A_370 = arith.subi %sub3A_369, %shift_right_logical3A_367 : vector<16xi32>
          %bitcast3A_371 = vector.bitcast %sub3A_370 : vector<16xi32> to vector<16xf32>
          %mul3A_372 = arith.constant 5.000000e-01 : f32
          %mul3A_373 = vector.broadcast %mul3A_372 : f32 to vector<16xf32>
          %mul3A_374 = arith.mulf %mul3A_373, %add3A_363 : vector<16xf32>
          %mul3A_375 = arith.mulf %mul3A_374, %bitcast3A_371 : vector<16xf32>
          %mul3A_376 = arith.mulf %mul3A_375, %bitcast3A_371 : vector<16xf32>
          %sub3A_377 = arith.constant 1.500000e+00 : f32
          %sub3A_378 = vector.broadcast %sub3A_377 : f32 to vector<16xf32>
          %sub3A_379 = arith.subf %sub3A_378, %mul3A_376 : vector<16xf32>
          %mul3A_380 = arith.mulf %bitcast3A_371, %sub3A_379 : vector<16xf32>
          %mul3A_381 = arith.constant 5.000000e-01 : f32
          %mul3A_382 = vector.broadcast %mul3A_381 : f32 to vector<16xf32>
          %mul3A_383 = arith.mulf %mul3A_382, %add3A_363 : vector<16xf32>
          %mul3A_384 = arith.mulf %mul3A_383, %mul3A_380 : vector<16xf32>
          %mul3A_385 = arith.mulf %mul3A_384, %mul3A_380 : vector<16xf32>
          %sub3A_386 = arith.constant 1.500000e+00 : f32
          %sub3A_387 = vector.broadcast %sub3A_386 : f32 to vector<16xf32>
          %sub3A_388 = arith.subf %sub3A_387, %mul3A_385 : vector<16xf32>
          %mul3A_389 = arith.mulf %mul3A_380, %sub3A_388 : vector<16xf32>
          %mul3A_390 = arith.constant 5.000000e-01 : f32
          %mul3A_391 = vector.broadcast %mul3A_390 : f32 to vector<16xf32>
          %mul3A_392 = arith.mulf %mul3A_391, %add3A_363 : vector<16xf32>
          %mul3A_393 = arith.mulf %mul3A_392, %mul3A_389 : vector<16xf32>
          %mul3A_394 = arith.mulf %mul3A_393, %mul3A_389 : vector<16xf32>
          %sub3A_395 = arith.constant 1.500000e+00 : f32
          %sub3A_396 = vector.broadcast %sub3A_395 : f32 to vector<16xf32>
          %sub3A_397 = arith.subf %sub3A_396, %mul3A_394 : vector<16xf32>
          %mul3A_398 = arith.mulf %mul3A_389, %sub3A_397 : vector<16xf32>
          %mul3A_399 = arith.mulf %add3A_363, %mul3A_398 : vector<16xf32>
          %add3A_400 = vector.broadcast %mul3A_267 : i32 to vector<16xi32>
          %add3A_401 = arith.addi %add3A_400, %iota3A : vector<16xi32>
          %lt3A = arith.constant 150 : i32
          %lt3A_402 = vector.broadcast %lt3A : i32 to vector<16xi32>
          %lt3A_403 = arith.cmpi slt, %add3A_401, %lt3A_402 : vector<16xi32>
          %jit3A_404 = arith.constant 0.000000e+00 : f32
          %broadcast_in_dim3A_405 = vector.broadcast %jit3A_404 : f32 to vector<16xf32>
          %select_n3A_406 = arith.select %lt3A_403, %mul3A_399, %broadcast_in_dim3A_405 : vector<16xi1>, vector<16xf32>
          %add3A_407 = arith.addf %scan3A_261, %select_n3A_406 : vector<16xf32>
          %mul3A_408 = arith.constant 2 : i32
          %mul3A_409 = arith.muli %scan3A_260, %mul3A_408 : i32
          %add3A_410 = arith.constant 1 : i32
          %add3A_411 = arith.addi %mul3A_409, %add3A_410 : i32
          %mul3A_412 = arith.constant 16 : i32
          %mul3A_413 = arith.muli %add3A_411, %mul3A_412 : i32
          %get3A_414 = arith.index_cast %mul3A_413 : i32 to index
          %get3A_415 = tpu.vector_load %arg9[%get3A_414] {strides = array<i32>} : memref<480xf32, #tpu.memory_space<vmem>>, vector<16xf32>,
          %mul3A_416 = arith.mulf %get3A_415, %gather3A_208 : vector<16xf32>
          %add3A_417 = arith.constant 160 : i32
          %add3A_418 = arith.addi %add3A_417, %mul3A_413 : i32
          %get3A_419 = arith.index_cast %add3A_418 : i32 to index
          %get3A_420 = tpu.vector_load %arg9[%get3A_419] {strides = array<i32>} : memref<480xf32, #tpu.memory_space<vmem>>, vector<16xf32>,
          %mul3A_421 = arith.mulf %get3A_420, %gather3A_212 : vector<16xf32>
          %add3A_422 = arith.constant 320 : i32
          %add3A_423 = arith.addi %add3A_422, %mul3A_413 : i32
          %get3A_424 = arith.index_cast %add3A_423 : i32 to index
          %get3A_425 = tpu.vector_load %arg9[%get3A_424] {strides = array<i32>} : memref<480xf32, #tpu.memory_space<vmem>>, vector<16xf32>,
          %mul3A_426 = arith.mulf %get3A_425, %gather3A_216 : vector<16xf32>
          %mul3A_427 = arith.mulf %sub3A_232, %mul3A_416 : vector<16xf32>
          %mul3A_428 = arith.mulf %sub3A_233, %mul3A_421 : vector<16xf32>
          %add3A_429 = arith.addf %mul3A_427, %mul3A_428 : vector<16xf32>
          %mul3A_430 = arith.mulf %add3A_234, %mul3A_426 : vector<16xf32>
          %add3A_431 = arith.addf %add3A_429, %mul3A_430 : vector<16xf32>
          %add3A_432 = arith.addf %add3A_431, %gather3A_196 : vector<16xf32>
          %mul3A_433 = arith.mulf %add3A_235, %mul3A_416 : vector<16xf32>
          %mul3A_434 = arith.mulf %sub3A_239, %mul3A_421 : vector<16xf32>
          %add3A_435 = arith.addf %mul3A_433, %mul3A_434 : vector<16xf32>
          %mul3A_436 = arith.mulf %sub3A_240, %mul3A_426 : vector<16xf32>
          %add3A_437 = arith.addf %add3A_435, %mul3A_436 : vector<16xf32>
          %add3A_438 = arith.addf %add3A_437, %gather3A_200 : vector<16xf32>
          %mul3A_439 = arith.mulf %sub3A_241, %mul3A_416 : vector<16xf32>
          %mul3A_440 = arith.mulf %add3A_242, %mul3A_421 : vector<16xf32>
          %add3A_441 = arith.addf %mul3A_439, %mul3A_440 : vector<16xf32>
          %mul3A_442 = arith.mulf %sub3A_246, %mul3A_426 : vector<16xf32>
          %add3A_443 = arith.addf %add3A_441, %mul3A_442 : vector<16xf32>
          %add3A_444 = arith.addf %add3A_443, %gather3A_204 : vector<16xf32>
          %add3A_445 = arith.constant 5.000000e-01 : f32
          %add3A_446 = vector.broadcast %add3A_445 : f32 to vector<16xf32>
          %add3A_447 = arith.addf %add3A_432, %add3A_446 : vector<16xf32>
          %mul3A_448 = arith.constant 3.200000e+01 : f32
          %mul3A_449 = vector.broadcast %mul3A_448 : f32 to vector<16xf32>
          %mul3A_450 = arith.mulf %add3A_447, %mul3A_449 : vector<16xf32>
          %convert_element_type3A_451 = arith.fptosi %mul3A_450 : vector<16xf32> to vector<16xi32>
          %jit3A_452 = arith.constant 0 : i32
          %jit3A_453 = arith.constant 31 : i32
          %max3A_454 = vector.broadcast %jit3A_452 : i32 to vector<16xi32>
          %max3A_455 = arith.maxsi %max3A_454, %convert_element_type3A_451 : vector<16xi32>
          %min3A_456 = vector.broadcast %jit3A_453 : i32 to vector<16xi32>
          %min3A_457 = arith.minsi %min3A_456, %max3A_455 : vector<16xi32>
          %add3A_458 = arith.constant 5.000000e-01 : f32
          %add3A_459 = vector.broadcast %add3A_458 : f32 to vector<16xf32>
          %add3A_460 = arith.addf %add3A_438, %add3A_459 : vector<16xf32>
          %mul3A_461 = arith.constant 3.200000e+01 : f32
          %mul3A_462 = vector.broadcast %mul3A_461 : f32 to vector<16xf32>
          %mul3A_463 = arith.mulf %add3A_460, %mul3A_462 : vector<16xf32>
          %convert_element_type3A_464 = arith.fptosi %mul3A_463 : vector<16xf32> to vector<16xi32>
          %jit3A_465 = arith.constant 0 : i32
          %jit3A_466 = arith.constant 31 : i32
          %max3A_467 = vector.broadcast %jit3A_465 : i32 to vector<16xi32>
          %max3A_468 = arith.maxsi %max3A_467, %convert_element_type3A_464 : vector<16xi32>
          %min3A_469 = vector.broadcast %jit3A_466 : i32 to vector<16xi32>
          %min3A_470 = arith.minsi %min3A_469, %max3A_468 : vector<16xi32>
          %add3A_471 = arith.constant 5.000000e-01 : f32
          %add3A_472 = vector.broadcast %add3A_471 : f32 to vector<16xf32>
          %add3A_473 = arith.addf %add3A_444, %add3A_472 : vector<16xf32>
          %mul3A_474 = arith.constant 3.200000e+01 : f32
          %mul3A_475 = vector.broadcast %mul3A_474 : f32 to vector<16xf32>
          %mul3A_476 = arith.mulf %add3A_473, %mul3A_475 : vector<16xf32>
          %convert_element_type3A_477 = arith.fptosi %mul3A_476 : vector<16xf32> to vector<16xi32>
          %jit3A_478 = arith.constant 0 : i32
          %jit3A_479 = arith.constant 31 : i32
          %max3A_480 = vector.broadcast %jit3A_478 : i32 to vector<16xi32>
          %max3A_481 = arith.maxsi %max3A_480, %convert_element_type3A_477 : vector<16xi32>
          %min3A_482 = vector.broadcast %jit3A_479 : i32 to vector<16xi32>
          %min3A_483 = arith.minsi %min3A_482, %max3A_481 : vector<16xi32>
          %mul3A_484 = arith.constant 3072 : i32
          %mul3A_485 = vector.broadcast %mul3A_484 : i32 to vector<16xi32>
          %mul3A_486 = arith.muli %min3A_457, %mul3A_485 : vector<16xi32>
          %mul3A_487 = arith.constant 32 : i32
          %mul3A_488 = vector.broadcast %mul3A_487 : i32 to vector<16xi32>
          %mul3A_489 = arith.muli %min3A_470, %mul3A_488 : vector<16xi32>
          %add3A_490 = arith.addi %mul3A_486, %mul3A_489 : vector<16xi32>
          %add3A_491 = arith.addi %add3A_490, %min3A_483 : vector<16xi32>
          %gather3A_492 = tpu.vector_load_idx %arg6[%add3A_491] : memref<98304xf32, #tpu.memory_space<vmem>>[vector<16xi32>], vector<16xf32>,
          %add3A_493 = arith.constant 1024 : i32
          %add3A_494 = vector.broadcast %add3A_493 : i32 to vector<16xi32>
          %add3A_495 = arith.addi %add3A_491, %add3A_494 : vector<16xi32>
          %gather3A_496 = tpu.vector_load_idx %arg6[%add3A_495] : memref<98304xf32, #tpu.memory_space<vmem>>[vector<16xi32>], vector<16xf32>,
          %add3A_497 = arith.constant 2048 : i32
          %add3A_498 = vector.broadcast %add3A_497 : i32 to vector<16xi32>
          %add3A_499 = arith.addi %add3A_491, %add3A_498 : vector<16xi32>
          %gather3A_500 = tpu.vector_load_idx %arg6[%add3A_499] : memref<98304xf32, #tpu.memory_space<vmem>>[vector<16xi32>], vector<16xf32>,
          %sub3A_501 = arith.subf %add3A_432, %gather3A_492 : vector<16xf32>
          %sub3A_502 = arith.subf %add3A_438, %gather3A_496 : vector<16xf32>
          %sub3A_503 = arith.subf %add3A_444, %gather3A_500 : vector<16xf32>
          %mul3A_504 = arith.mulf %sub3A_501, %sub3A_501 : vector<16xf32>
          %mul3A_505 = arith.mulf %sub3A_502, %sub3A_502 : vector<16xf32>
          %add3A_506 = arith.addf %mul3A_504, %mul3A_505 : vector<16xf32>
          %mul3A_507 = arith.mulf %sub3A_503, %sub3A_503 : vector<16xf32>
          %add3A_508 = arith.addf %add3A_506, %mul3A_507 : vector<16xf32>
          %add3A_509 = arith.constant 9.99999996E-13 : f32
          %add3A_510 = vector.broadcast %add3A_509 : f32 to vector<16xf32>
          %add3A_511 = arith.addf %add3A_508, %add3A_510 : vector<16xf32>
          %bitcast3A_512 = vector.bitcast %add3A_511 : vector<16xf32> to vector<16xi32>
          %shift_right_logical3A_513 = arith.constant 1 : i32
          %shift_right_logical3A_514 = vector.broadcast %shift_right_logical3A_513 : i32 to vector<16xi32>
          %shift_right_logical3A_515 = arith.shrui %bitcast3A_512, %shift_right_logical3A_514 : vector<16xi32>
          %sub3A_516 = arith.constant 1597463007 : i32
          %sub3A_517 = vector.broadcast %sub3A_516 : i32 to vector<16xi32>
          %sub3A_518 = arith.subi %sub3A_517, %shift_right_logical3A_515 : vector<16xi32>
          %bitcast3A_519 = vector.bitcast %sub3A_518 : vector<16xi32> to vector<16xf32>
          %mul3A_520 = arith.constant 5.000000e-01 : f32
          %mul3A_521 = vector.broadcast %mul3A_520 : f32 to vector<16xf32>
          %mul3A_522 = arith.mulf %mul3A_521, %add3A_511 : vector<16xf32>
          %mul3A_523 = arith.mulf %mul3A_522, %bitcast3A_519 : vector<16xf32>
          %mul3A_524 = arith.mulf %mul3A_523, %bitcast3A_519 : vector<16xf32>
          %sub3A_525 = arith.constant 1.500000e+00 : f32
          %sub3A_526 = vector.broadcast %sub3A_525 : f32 to vector<16xf32>
          %sub3A_527 = arith.subf %sub3A_526, %mul3A_524 : vector<16xf32>
          %mul3A_528 = arith.mulf %bitcast3A_519, %sub3A_527 : vector<16xf32>
          %mul3A_529 = arith.constant 5.000000e-01 : f32
          %mul3A_530 = vector.broadcast %mul3A_529 : f32 to vector<16xf32>
          %mul3A_531 = arith.mulf %mul3A_530, %add3A_511 : vector<16xf32>
          %mul3A_532 = arith.mulf %mul3A_531, %mul3A_528 : vector<16xf32>
          %mul3A_533 = arith.mulf %mul3A_532, %mul3A_528 : vector<16xf32>
          %sub3A_534 = arith.constant 1.500000e+00 : f32
          %sub3A_535 = vector.broadcast %sub3A_534 : f32 to vector<16xf32>
          %sub3A_536 = arith.subf %sub3A_535, %mul3A_533 : vector<16xf32>
          %mul3A_537 = arith.mulf %mul3A_528, %sub3A_536 : vector<16xf32>
          %mul3A_538 = arith.constant 5.000000e-01 : f32
          %mul3A_539 = vector.broadcast %mul3A_538 : f32 to vector<16xf32>
          %mul3A_540 = arith.mulf %mul3A_539, %add3A_511 : vector<16xf32>
          %mul3A_541 = arith.mulf %mul3A_540, %mul3A_537 : vector<16xf32>
          %mul3A_542 = arith.mulf %mul3A_541, %mul3A_537 : vector<16xf32>
          %sub3A_543 = arith.constant 1.500000e+00 : f32
          %sub3A_544 = vector.broadcast %sub3A_543 : f32 to vector<16xf32>
          %sub3A_545 = arith.subf %sub3A_544, %mul3A_542 : vector<16xf32>
          %mul3A_546 = arith.mulf %mul3A_537, %sub3A_545 : vector<16xf32>
          %mul3A_547 = arith.mulf %add3A_511, %mul3A_546 : vector<16xf32>
          %add3A_548 = vector.broadcast %mul3A_413 : i32 to vector<16xi32>
          %add3A_549 = arith.addi %add3A_548, %iota3A : vector<16xi32>
          %lt3A_550 = arith.constant 150 : i32
          %lt3A_551 = vector.broadcast %lt3A_550 : i32 to vector<16xi32>
          %lt3A_552 = arith.cmpi slt, %add3A_549, %lt3A_551 : vector<16xi32>
          %jit3A_553 = arith.constant 0.000000e+00 : f32
          %broadcast_in_dim3A_554 = vector.broadcast %jit3A_553 : f32 to vector<16xf32>
          %select_n3A_555 = arith.select %lt3A_552, %mul3A_547, %broadcast_in_dim3A_554 : vector<16xi1>, vector<16xf32>
          %add3A_556 = arith.addf %add3A_407, %select_n3A_555 : vector<16xf32>
          scf.yield %add3A_556 : vector<16xf32>
        }
        %scan3A_254 = arith.constant 5 : i32
        %get3A_255 = arith.constant 0 : index
        %get3A_256 = tpu.vector_load %arg11[%get3A_255] {strides = array<i32>} : memref<16xf32, #tpu.memory_space<vmem>>, vector<16xf32>,
        %add3A_257 = arith.addf %get3A_256, %scan3A_253 : vector<16xf32>
        %swap3A_258 = arith.constant 0 : index
        %swap3A_259 = tpu.vector_load %arg11[%swap3A_258] {strides = array<i32>} : memref<16xf32, #tpu.memory_space<vmem>>, vector<16xf32>,
        tpu.vector_store %arg11[%swap3A_258], %add3A_257 {strides = array<i32>} : memref<16xf32, #tpu.memory_space<vmem>>, vector<16xf32>,
      } else {
      }
      %le3A = arith.constant 0.000000e+00 : f32
      %le3A_176 = arith.cmpf ole, %reduce_max3A_173, %le3A : f32
      %convert_element_type3A_177 = arith.extui %le3A_176 : i1 to i32
      %cond3A_178 = arith.constant 0 : i32
      %cond3A_179 = arith.cmpi ne, %convert_element_type3A_177, %cond3A_178 : i32
      scf.if %cond3A_179 {
        %get3A_180 = arith.constant 0 : index
        %get3A_181 = tpu.vector_load %arg11[%get3A_180] {strides = array<i32>} : memref<16xf32, #tpu.memory_space<vmem>>, vector<16xf32>,
        %mul3A_182 = arith.constant 1.500000e+02 : f32
        %mul3A_183 = vector.broadcast %mul3A_182 : f32 to vector<16xf32>
        %mul3A_184 = arith.mulf %mul3A_183, %mul3A_135 : vector<16xf32>
        %mul3A_185 = arith.mulf %select_n3A, %mul3A_184 : vector<16xf32>
        %add3A_186 = arith.addf %get3A_181, %mul3A_185 : vector<16xf32>
        %swap3A_187 = arith.constant 0 : index
        %swap3A_188 = tpu.vector_load %arg11[%swap3A_187] {strides = array<i32>} : memref<16xf32, #tpu.memory_space<vmem>>, vector<16xf32>,
        tpu.vector_store %arg11[%swap3A_187], %add3A_186 {strides = array<i32>} : memref<16xf32, #tpu.memory_space<vmem>>, vector<16xf32>,
      } else {
      }
    }
    %scan3A_146 = arith.constant 16 : i32
    %mul3A_147 = arith.constant 3.125000e-05 : f32
    %mul3A_148 = vector.broadcast %mul3A_147 : f32 to vector<16xf32>
    %mul3A_149 = arith.mulf %scan3A_87, %mul3A_148 : vector<16xf32>
    %swap3A_150 = arith.constant 0 : index
    %swap3A_151 = tpu.vector_load %arg12[%swap3A_150] {strides = array<i32>} : memref<32xf32, #tpu.memory_space<vmem>>, vector<16xf32>,
    tpu.vector_store %arg12[%swap3A_150], %mul3A_149 {strides = array<i32>} : memref<32xf32, #tpu.memory_space<vmem>>, vector<16xf32>,
    %get3A_152 = arith.constant 0 : index
    %get3A_153 = tpu.vector_load %arg11[%get3A_152] {strides = array<i32>} : memref<16xf32, #tpu.memory_space<vmem>>, vector<16xf32>,
    %mul3A_154 = arith.constant 1.30208336E-5 : f32
    %mul3A_155 = vector.broadcast %mul3A_154 : f32 to vector<16xf32>
    %mul3A_156 = arith.mulf %get3A_153, %mul3A_155 : vector<16xf32>
    %swap3A_157 = arith.constant 16 : index
    %swap3A_158 = tpu.vector_load %arg12[%swap3A_157] {strides = array<i32>} : memref<32xf32, #tpu.memory_space<vmem>>, vector<16xf32>,
    tpu.vector_store %arg12[%swap3A_157], %mul3A_156 {strides = array<i32>} : memref<32xf32, #tpu.memory_space<vmem>>, vector<16xf32>,
    %mul3A_159 = arith.constant 2 : i32
    %mul3A_160 = arith.muli %add3A, %mul3A_159 : i32
    %mul3A_161 = arith.constant 16 : i32
    %mul3A_162 = arith.muli %mul3A_160, %mul3A_161 : i32
    "tpu.region"() ({
      %run_scoped3A = tpu.sem_alloc : memref<!tpu.dma_semaphore, #tpu.memory_space<semaphore_mem>>
      %dma_start3A_163 = tpu.memref_slice %arg5[%mul3A_162] : memref<1024xf32, #tpu.memory_space<hbm>> -> memref<32xf32, #tpu.memory_space<hbm>>
      %dma_start3A_164 = tpu.memref_slice %arg5[%mul3A_162] : memref<1024xf32, #tpu.memory_space<hbm>> -> memref<32xf32, #tpu.memory_space<hbm>>
      tpu.enqueue_dma source(%arg12 : memref<32xf32, #tpu.memory_space<vmem>>) target(%dma_start3A_164 : memref<32xf32, #tpu.memory_space<hbm>>) target_semaphore(%run_scoped3A : memref<!tpu.dma_semaphore, #tpu.memory_space<semaphore_mem>>)
      %dma_wait3A_165 = tpu.memref_slice %arg5[%mul3A_162] : memref<1024xf32, #tpu.memory_space<hbm>> -> memref<32xf32, #tpu.memory_space<hbm>>
      %dma_wait3A_166 = tpu.memref_slice %arg5[%mul3A_162] : memref<1024xf32, #tpu.memory_space<hbm>> -> memref<32xf32, #tpu.memory_space<hbm>>
      tpu.wait_dma2 semaphore(%run_scoped3A : memref<!tpu.dma_semaphore, #tpu.memory_space<semaphore_mem>>) src(%arg12 : memref<32xf32, #tpu.memory_space<vmem>>) dst(%dma_wait3A_166 : memref<32xf32, #tpu.memory_space<hbm>>)
      tpu.yield
    }) : () -> ()
    return
  }
}

</mosaic_0001>

<sc_bundles>
// kernel: kernel.3.cloned.1.call-start
scs
__scs_entry_jumppad:
0x0: {  	(pc) =	sbr.rel $0x88, $3  }
0x1: {  	(tag) =	ssettag $0x0;
	lr =	simm.s32 $0x1  }
0x2: {  	[smem:$0x3F9B] =	sst lr;
	_ =	strace $0xD0000000  }
0x3: {  	_ = 	snop  }
0x4: {  	_ = 	snop  }
0x5: {  	_ = 	snop  }
0x6: {  	_ = 	snop  }
0x7: {  	_ = 	snop  }
__scs_overlays_trampoline_lowered:
0x8: {  	[smem:$0x3FAA] =	sst s0  }
0x9: {  	[smem:$0x3FAB] =	sst s1  }
0xa: {  	[smem:$0x3FAC] =	sst s2  }
0xb: {  	[smem:$0x3FAD] =	sst s3  }
0xc: {  	[smem:$0x3FAE] =	sst s4  }
0xd: {  	[smem:$0x3FAF] =	sst s5  }
0xe: {  	[smem:$0x3FB0] =	sst s6  }
0xf: {  	[smem:$0x3FB1] =	sst s7  }
0x10: {  	[smem:$0x3FB2] =	sst s8  }
0x11: {  	[smem:$0x3FB3] =	sst s9;
	s0 =	simm.s32 @!p0 $0x0  }
0x12: {  	s1 =	sld [smem:$0x3F99];
	s0 =	simm.s32 @p0 $0x1  }
0x13: {  	[smem:$0x3FB4] =	sst s0;
	s0 =	simm.s32 @!p1 $0x0  }
0x14: {  	s2 =	sld [smem:$0x3F98];
	s0 =	simm.s32 @p1 $0x1  }
0x15: {  	[smem:$0x3FB5] =	sst s0;
	s0 =	simm.s32 @!p2 $0x0  }
0x16: {  	s3 =	sld [smem:$0x3FDB];
	s0 =	simm.s32 @p2 $0x1  }
0x17: {  	s4 =	simm.s32 $0x1BF5;
	[smem:$0x3FB7] =	sst s0  }
0x18: {  	s0 =	sld [smem:$0x3F9A];
	_ =	swait.ge [sflag:s4], $0x0  }
0x19: {  	s7 =	sld [smem:$0x3F9B]  }
0x1a: {  	s8 =	sadd.s32 $0xFFFFE003, lr  }
0x1b: {  	s9 =	sadd.s32 $0xFFFFFEF7, lr;
	s5 =	simm.s32 $0xFFFFFFFF;
	p2 =	slt.u32 s8, $0xFFFFF086  }
0x1c: {  	p1 =	slt.u32 s9, $0xF7A;
	s5 =	simm.s32 @!p2 $0x0  }
0x1d: {  	s5 =	simm.s32 @p1 $0x1;
	p0 =	seq.s32 s7, s2  }
0x1e: {  	s7 =	smul.u32 @!p0 $0xF7A, s2;
	p2 =	seq.s32 @!p0 s5, $0x0  }
0x1f: {  	s9 =	smul.u32 $0xF7A, s1;
	s8 =	simm.s32 @!p0 $0x1BF5;
	p2 =	por !p2, p0  }
0x20: {  	[sflag:s8] =	ssyncset.s32 @!p0 $0xFFFFF086;
	s6 =	sadd.s32 @!p0 s3, s7;
	s7 =	simm.s32 @!p0 $0x108  }
0x21: {  	s3 =	sadd.s32 s3, s9;
	s6 =	sadd.s32 @!p0 $0x88, s6;
	s7 =	simm.s32 @p2 $0x1082  }
0x22: {  	[simem:s7], [sflag:s8] =	dma.local @!p0 [hbm:s6], $0xF7A  }
0x23: {  	s9 =	sor.u32 $0xD0000000, s2;
	s6 =	simm.s32 $0x108;
	_ =	swait.ge @!p0 [sflag:s8], $0x0  }
0x24: {  	s3 =	sadd.s32 $0x88, s3;
	s6 =	simm.s32 @!p1 $0x1082;
	[sflag:s4] =	ssyncset.s32 $0xFFFFF086  }
0x25: {  	[simem:s6], [sflag:s4] =	dma.local [hbm:s3], $0xF7A  }
0x26: {  	[smem:$0x3F9B] =	sst s1;
	(tag) =	ssettag s2;
	_ =	strace s9  }
0x27: {  	s1 =	sld [smem:$0x3FAB]  }
0x28: {  	s2 =	sld [smem:$0x3FAC]  }
0x29: {  	s4 =	sld [smem:$0x3FAE]  }
0x2a: {  	p0 =	seq.s32 s5, $0x0;
	s5 =	sld [smem:$0x3FAF]  }
0x2b: {  	s6 =	sld [smem:$0x3FB0]  }
0x2c: {  	s7 =	sld [smem:$0x3FB1]  }
0x2d: {  	s3 =	simm.s32 $0x108;
	s8 =	sld [smem:$0x3FB2]  }
0x2e: {  	s3 =	simm.s32 @!p0 $0x1082;
	s9 =	sld [smem:$0x3FB3]  }
0x2f: {  	lr =	sadd.s32 s0, s3;
	s0 =	sld [smem:$0x3FAA]  }
0x30: {  	s3 =	sld [smem:$0x3FAD]  }
0x31: {  	[smem:$0x3FB6] =	sst s10  }
0x32: {  	s10 =	sld [smem:$0x3FB4];
	_ =	sdelay $0x3  }
0x33: {  	p0 =	seq.s32 s10, $0x1;
	s10 =	sld [smem:$0x3FB6];
	_ =	sdelay $0x3  }
0x34: {  	[smem:$0x3FB6] =	sst s10  }
0x35: {  	s10 =	sld [smem:$0x3FB5];
	_ =	sdelay $0x3  }
0x36: {  	p1 =	seq.s32 s10, $0x1;
	s10 =	sld [smem:$0x3FB6];
	_ =	sdelay $0x3  }
0x37: {  	[smem:$0x3FB6] =	sst s10  }
0x38: {  	s10 =	sld [smem:$0x3FB7]  }
0x39: {  	_ = 	snop;
	(pc) =	sbr.ind lr, $3  }
0x3a: {  	_ = 	snop  }
0x3b: {  	_ = 	snop  }
0x3c: {  	p2 =	seq.s32 s10, $0x1;
	s10 =	sld [smem:$0x3FB6]  }
0x3d: {  	_ =	shalt  }
0x3e: {  	_ =	shalt  }
0x3f: {  	_ =	shalt  }
0x40: {  	_ =	shalt  }
0x41: {  	_ =	shalt  }
0x42: {  	_ =	shalt  }
0x43: {  	_ =	shalt  }
0x44: {  	_ =	shalt  }
0x45: {  	_ =	shalt  }
0x46: {  	_ =	shalt  }
0x47: {  	_ =	shalt  }
0x48: {  	_ =	shalt  }
0x49: {  	_ =	shalt  }
0x4a: {  	_ =	shalt  }
0x4b: {  	_ =	shalt  }
0x4c: {  	_ =	shalt  }
0x4d: {  	_ =	shalt  }
0x4e: {  	_ =	shalt  }
0x4f: {  	_ =	shalt  }
0x50: {  	_ =	shalt  }
0x51: {  	_ =	shalt  }
0x52: {  	_ =	shalt  }
0x53: {  	_ =	shalt  }
0x54: {  	_ =	shalt  }
0x55: {  	_ =	shalt  }
0x56: {  	_ =	shalt  }
0x57: {  	_ =	shalt  }
0x58: {  	_ =	shalt  }
0x59: {  	_ =	shalt  }
0x5a: {  	_ =	shalt  }
0x5b: {  	_ =	shalt  }
0x5c: {  	_ =	shalt  }
0x5d: {  	_ =	shalt  }
0x5e: {  	_ =	shalt  }
0x5f: {  	_ =	shalt  }
0x60: {  	_ =	shalt  }
0x61: {  	_ =	shalt  }
0x62: {  	_ =	shalt  }
0x63: {  	_ =	shalt  }
0x64: {  	_ =	shalt  }
0x65: {  	_ =	shalt  }
0x66: {  	_ =	shalt  }
0x67: {  	_ =	shalt  }
0x68: {  	_ =	shalt  }
0x69: {  	_ =	shalt  }
0x6a: {  	_ =	shalt  }
0x6b: {  	_ =	shalt  }
0x6c: {  	_ =	shalt  }
0x6d: {  	_ =	shalt  }
0x6e: {  	_ =	shalt  }
0x6f: {  	_ =	shalt  }
0x70: {  	_ =	shalt  }
0x71: {  	_ =	shalt  }
0x72: {  	_ =	shalt  }
0x73: {  	_ =	shalt  }
0x74: {  	_ =	shalt  }
0x75: {  	_ =	shalt  }
0x76: {  	_ =	shalt  }
0x77: {  	_ =	shalt  }
0x78: {  	_ =	shalt  }
0x79: {  	_ =	shalt  }
0x7a: {  	_ =	shalt  }
0x7b: {  	_ =	shalt  }
0x7c: {  	_ =	shalt  }
0x7d: {  	_ =	shalt  }
0x7e: {  	_ =	shalt  }
0x7f: {  	_ =	shalt  }
0x80: {  	_ =	shalt  }
0x81: {  	_ =	shalt  }
0x82: {  	_ =	shalt  }
0x83: {  	_ =	shalt  }
0x84: {  	_ =	shalt  }
0x85: {  	_ =	shalt  }
0x86: {  	_ =	shalt  }
0x87: {  	_ =	shalt  }
.Lfunc_end0:
.L_simem_size_0:
called_computation_lowered:
.L_overlay_start_0:
0x88: {  	s2 =	sld [smem:$0x3FD9]  }
0x89: {  	s3 =	sld [smem:$0x3FFE];
	_ =	sdelay $0x1  }
0x8a: {  	s1 =	srdreg.scid  }
0x8b: {  	s0 =	sand.u32 $0x1, s1  }
0x8c: {  	s16 =	sshll.u32 s0, $0xA;
	s2 =	sadd.s32 s3, s2  }
0x8d: {  	s2 =	sadd.s32 s2, s16  }
0x8e: {  	[smem:$0x3FC2] =	sst s2  }
0x8f: {  	_ = 	snop  }
0x90: {  	(tm) =	ssettm $0x1  }
0x91: {  	s17 =	sld [smem:$0x3FFB];
	_ =	sdelay $0x3  }
0x92: {  	_ =	strace s17  }
0x93: {  	s2 =	sld [smem:$0x3FFC];
	_ =	sdelay $0x3  }
0x94: {  	_ =	strace s2  }
0x95: {  	s2 =	sld [smem:$0x3FFD];
	_ =	sdelay $0x3  }
0x96: {  	_ =	strace s2  }
0x97: {  	_ =	strace $0x8FFFFFFF  }
0x98: {  	s18 =	sld [smem:$0x3FDB];
	_ =	sdelay $0x1  }
0x99: {  	s19 =	simm.s32 $_scs_section_size  }
0x9a: {  	s4 =	simm.s32 $_size__tile_overlayer_lowered;
	s5 =	simm.s32 $_tile_overlayer_lowered  }
0x9b: {  	s22 =	simm.s32 $0x1BFF;
	s21 =	sshll.u32 s5, $0x1;
	s2 =	sadd.s32 s19, s18  }
0x9c: {  	s6 =	simm.s32 $0x0;
	s20 =	sshll.u32 s4, $0x1;
	s4 =	sadd.s32 s21, s2  }
0x9d: {  	[timem:s6], [sflag:s22] =	dma.local [hbm:s4], s20  }
0x9e: {  	_ =	swait.ge [sflag:s22], s20  }
0x9f: {  	s3 =	ssub.s32 $0x0, s20;
	[sflag:s22] =	ssyncset.done $0x0  }
0xa0: {  	[sflag:s22] =	ssyncadd.s32 s3;
	_ =	sdelay $0x1  }
0xa1: {  	s23 =	simm.s32 $0x1B8B  }
0xa2: {  	_ =	swait.ge [sflag:s23], $0x1  }
0xa3: {  	[sflag:s23] =	ssyncset.done $0x0  }
0xa4: {  	s25 =	simm.s32 $0x1B8E;
	s24 =	sld [smem:$0x3FFE];
	[sflag:s23] =	ssyncadd.s32 $0xFFFFFFFF  }
0xa5: {  	s26 =	simm.s32 $execute0_lowered;
	[smem:$0x3FD2] =	sst s25  }
0xa6: {  	s4 =	sshll.u32 s26, $0x1;
	_ =	strace $0x80000046;
	[dreg:$0x1] =	wrdreg $0xFFFFFFFF  }
0xa7: {  	s28 =	simm.s32 $_size_execute0_lowered;
	s2 =	sadd.s32 s2, s4;
	[dreg:$0x0] =	wrdreg $0x0  }
0xa8: {  	s4 =	sshll.u32 s28, $0x1;
	[dreg:$0x2] =	wrdreg s2  }
0xa9: {  	[dreg:$0x3] =	wrdreg s4  }
0xaa: {  	[dreg:$0x4] =	wrdreg $0xC0  }
0xab: {  	_ =	task [dreg:s6], $0x5FFFF  }
0xac: {  	[dreg:$0x1] =	wrdreg $0xFFFFFFFF  }
0xad: {  	[dreg:$0x0] =	wrdreg $0x60  }
0xae: {  	[dreg:$0x2] =	wrdreg s24  }
0xaf: {  	[dreg:$0x3] =	wrdreg $0x9  }
0xb0: {  	_ =	task.clear_ibuf [dreg:s6], $0x4FFFF;
	_ =	strace $0x90000046  }
0xb1: {  	s29 =	simm.s32 $0x9;
	_ =	strace $0x80000048  }
0xb2: {  	_ =	swait.ge [sflag:s29], $0x1  }
0xb3: {  	[sflag:s29] =	ssyncadd.s32 $0xFFFFFFFF  }
0xb4: {  	_ =	strace $0x90000048  }
0xb5: {  	_ =	sfence  }
0xb6: {  	s30 =	sld [smem:$0x0];
	_ =	sdelay $0x2  }
0xb7: {  	s31 =	sshll.u32 s1, $0xD;
	s1 =	sshrl.u32 s1, $0x2  }
0xb8: {  	s3 =	sand.u32 $0x4000, s31;
	s1 =	sadd.s32 s1, s30  }
0xb9: {  	s0 =	sor.u32 s3, s0;
	s1 =	sshll.u32 s1, $0x11  }
0xba: {  	s0 =	sor.u32 s1, s0  }
0xbb: {  	s0 =	sadd.s32 $0x8F2B, s0  }
0xbc: {  	[sflag:s0] =	ssyncadd.remote.s32 $0x1  }
0xbd: {  	_ =	sfence.sel $0xFFFF  }
0xbe: {  	[dreg:$0x0] =	wrdreg $0xFFFFFFFF;
	(pc) =	sbr.abs _section_cstart, $3  }
0xbf: {  	[dreg:$0x1] =	wrdreg $0xFFFFFFFF  }
0xc0: {  	_ =	task.clear_ibuf [dreg:s6], $0x2FFFF;
	_ =	strace $0x9FFFFFFF  }
0xc1: {  	(tm) =	ssettm $0x7FFFFFFF  }
tec
execute0_lowered:
.L_overlay_start_1:
0x0: {  	(tag) =	ssettag $0x1  }
0x1: {  	s1 =	srdreg.scid;
	s0 =	stileid.u32  }
0x2: {  	s6 =	rddreg [dreg:$0x0];
	s10 =	simm.s32 $0x18000;
	s11 =	simm.s32 $0x2  }
0x3: {  	s12 =	simm.s32 $0x19080;
	s13 =	simm.s32 $0x19280;
	s14 =	simm.s32 $0x1  }
0x4: {  	s15 =	simm.s32 $0x19380;
	s16 =	simm.s32 $0x0;
	s2 =	sshrl.u32 s0, $0x2  }
0x5: {  	s3 =	sand.u32 $0x1, s1;
	s30 =	sshll.u32 s0, $0x1;
	s5 =	smul.u32 $0x6400, s2  }
0x6: {  	s1 =	rddreg [dreg:$0x1];
	s4 =	sor.u32 s3, s30;
	s8 =	smul.u32 $0xC0000, s2  }
0x7: {  	s2 =	simm.s32 $0x0;
	s31 =	ssub.s32 $0x2, s3;
	s3 =	sadd.s32 $0x63400, s6  }
0x8: {  	s7 =	sshll.u32 s4, $0x7;
	[smem:$0x7FF] =	sst s2;
	s4 =	sshll.u32 s4, $0x2  }
0x9: {  	s9 =	sshrl.u32 s31, $0x1;
	s7 =	sand.u32 $0x380, s7;
	_ =	strace $0x80000047  }
.Ltmp0:
0xa: {  	s5 =	sor.u32 s5, s7;
	s7 =	sor.u32 s8, s7;
	(pc) =	sbr.rel .LBB2_1-.Ltmp0, $4  }
0xb: {  	v0 =	vlaneseq.u32;
	s8 =	ssub.s32 s31, s9;
	s5 =	sshrl.u32 s5, $0x3;
	s7 =	sshrl.u32 s7, $0x3  }
0xc: {  	v0 =	vmul.u32 $0xFFFFFFFF, v0;
	s9 =	simm.s32 $0x400;
	s5 =	sadd.s32 s5, s6;
	s7 =	sadd.s32 s7, s6  }
0xd: {  	s6 =	sadd.s32 s4, s6;
	s4 =	sadd.s32 $0x200, s7;
	s5 =	sadd.s32 $0x60200, s5  }
0xe: {  	v1 =	vimm.f32 $1.000000000e+04;
	v2 =	vadd.s32 $0x3E8, v0;
	s6 =	sadd.s32 $0x63600, s6;
	s7 =	smax.u32 s8, $0x1;
	s8 =	simm.s32 $0x80  }
.LBB2_15:
0xf: {  	v4 =	vld [tilespmem:$0x19300];
	_ =	sdelay $0x3  }
0x10: {  	v3 =	vmul.f32 $3.125000150e-05, v3  }
0x11: {  	s16 =	sadd.s32 $0x1, s16;
	v4 =	vmul.f32 $1.302083360e-05, v4  }
0x12: {  	p0 =	sne.s32 s16, s7;
	[tilespmem:$0x19380] =	vst v3  }
.Ltmp1:
0x13: {  	[tilespmem:$0x19390] =	vst v4;
	(pc) =	sbr.rel @!p0 .LBB2_16-.Ltmp1, $4  }
0x14: {  	[hbm4b:s6+s2] =	stream.linear.scatter [tilespmem:s15], [sflag:$0x2], $0x20, $0x38;
	[tilespmem:$0x19400] =	vst v63  }
0x15: {  	_ =	swait.ge [sflag:s11], $0x20  }
0x16: {  	[sflag:s11] =	ssyncset.done $0x0  }
0x17: {  	[sflag:s11] =	ssyncadd.s32 $0xFFFFFFE0  }
.LBB2_1:
0x18: {  	[tilespmem:s2], [sflag:$0x1] =	stream.strided.gather [hbm4b:s4+s8], $0x18000, s9, s8, $0x38;
	[tilespmem:$0x19400] =	vst v63  }
0x19: {  	_ = 	snop  }
0x1a: {  	[tilespmem:s10], [sflag:$0x2] =	stream.strided.gather [hbm4b:s5+s8], $0xC80, s9, s8, $0x38;
	[tilespmem:$0x19400] =	vst v63  }
0x1b: {  	_ =	swait.ge [sflag:s11], $0xC80  }
0x1c: {  	[sflag:s11] =	ssyncset.done $0x0  }
0x1d: {  	[sflag:s11] =	ssyncadd.s32 $0xFFFFF380  }
0x1e: {  	[tilespmem:s12], [sflag:$0x2] =	stream.linear.gather [hbm4b:s3+s2], $0x200, $0x38;
	[tilespmem:$0x19400] =	vst v63  }
0x1f: {  	_ =	swait.ge [sflag:s11], $0x200  }
0x20: {  	[sflag:s11] =	ssyncset.done $0x0  }
0x21: {  	[sflag:s11] =	ssyncadd.s32 $0xFFFFFE00  }
0x22: {  	[tilespmem:$0x18C80] =	vst v1  }
0x23: {  	[tilespmem:$0x18C90] =	vst v1  }
0x24: {  	[tilespmem:$0x18CA0] =	vst v1  }
0x25: {  	[tilespmem:$0x18CB0] =	vst v1  }
0x26: {  	[tilespmem:$0x18CC0] =	vst v1  }
0x27: {  	[tilespmem:$0x18CD0] =	vst v1  }
0x28: {  	[tilespmem:$0x18CE0] =	vst v1  }
0x29: {  	v3 =	vld [tilespmem:$0x18060];
	[tilespmem:$0x18CF0] =	vst v1  }
0x2a: {  	v4 =	vld [tilespmem:$0x18070];
	[tilespmem:$0x18D00] =	vst v1  }
0x2b: {  	[tilespmem:$0x18D10] =	vst v1  }
0x2c: {  	v5 =	vld [tilespmem:$0x18080];
	[tilespmem:$0x18D20] =	vst v1  }
0x2d: {  	[tilespmem:$0x18D30] =	vst v1  }
0x2e: {  	v6 =	vld [tilespmem:$0x18090];
	[tilespmem:$0x18D40] =	vst v1  }
0x2f: {  	[tilespmem:$0x18D50] =	vst v1;
	v7 =	vmul.f32 v3, v3;
	v8 =	vmul.f32 v4, v4  }
0x30: {  	[tilespmem:$0x18D60] =	vst v1  }
0x31: {  	[tilespmem:$0x18D70] =	vst v1;
	v61 =	vmul.f32 v5, v5;
	v7 =	vadd.f32 v8, v7  }
0x32: {  	[tilespmem:$0x18D80] =	vst v1  }
0x33: {  	[tilespmem:$0x18D90] =	vst v1;
	v62 =	vmul.f32 v6, v6;
	v7 =	vadd.f32 v61, v7  }
0x34: {  	[tilespmem:$0x18DA0] =	vst v1  }
0x35: {  	[tilespmem:$0x18DB0] =	vst v1;
	v7 =	vadd.f32 v62, v7  }
0x36: {  	[tilespmem:$0x18DC0] =	vst v1  }
0x37: {  	[tilespmem:$0x18DD0] =	vst v1;
	v8 =	vshrl.u32 v7, $0x1;
	v9 =	vmul.f32 $5.000000000e-01, v7  }
0x38: {  	[tilespmem:$0x18DE0] =	vst v1;
	v8 =	vsub.s32 $0x5F3759DF, v8  }
0x39: {  	[tilespmem:$0x18DF0] =	vst v1;
	v10 =	vmul.f32 v8, v9  }
0x3a: {  	[tilespmem:$0x18E00] =	vst v1  }
0x3b: {  	[tilespmem:$0x18E10] =	vst v1;
	v10 =	vmul.f32 v8, v10  }
0x3c: {  	[tilespmem:$0x18E20] =	vst v1  }
0x3d: {  	[tilespmem:$0x18E30] =	vst v1;
	v10 =	vsub.f32 $1.500000000e+00, v10  }
0x3e: {  	[tilespmem:$0x18E40] =	vst v1  }
0x3f: {  	[tilespmem:$0x18E50] =	vst v1;
	v8 =	vmul.f32 v8, v10  }
0x40: {  	[tilespmem:$0x18E60] =	vst v1  }
0x41: {  	[tilespmem:$0x18E70] =	vst v1;
	v10 =	vmul.f32 v8, v9  }
0x42: {  	[tilespmem:$0x18E80] =	vst v1  }
0x43: {  	[tilespmem:$0x18E90] =	vst v1;
	v10 =	vmul.f32 v10, v8  }
0x44: {  	[tilespmem:$0x18EA0] =	vst v1  }
0x45: {  	[tilespmem:$0x18EB0] =	vst v1;
	v10 =	vsub.f32 $1.500000000e+00, v10  }
0x46: {  	[tilespmem:$0x18EC0] =	vst v1  }
0x47: {  	[tilespmem:$0x18ED0] =	vst v1;
	v8 =	vmul.f32 v10, v8  }
0x48: {  	[tilespmem:$0x18EE0] =	vst v1  }
0x49: {  	[tilespmem:$0x18EF0] =	vst v1;
	v9 =	vmul.f32 v8, v9  }
0x4a: {  	[tilespmem:$0x18F00] =	vst v1  }
0x4b: {  	[tilespmem:$0x18F10] =	vst v1;
	v9 =	vmul.f32 v9, v8  }
0x4c: {  	[tilespmem:$0x18F20] =	vst v1  }
0x4d: {  	[tilespmem:$0x18F30] =	vst v1;
	v9 =	vsub.f32 $1.500000000e+00, v9  }
0x4e: {  	[tilespmem:$0x18F40] =	vst v1  }
0x4f: {  	[tilespmem:$0x18F50] =	vst v1;
	v8 =	vmul.f32 v9, v8  }
0x50: {  	[tilespmem:$0x18F60] =	vst v1  }
0x51: {  	[tilespmem:$0x18F70] =	vst v1;
	v7 =	vmul.f32 v8, v7  }
0x52: {  	[tilespmem:$0x18F80] =	vst v1  }
0x53: {  	[tilespmem:$0x18F90] =	vst v1;
	v7 =	vadd.f32 $9.999999930e-09, v7  }
0x54: {  	[tilespmem:$0x18FA0] =	vst v1  }
0x55: {  	[tilespmem:$0x18FB0] =	vst v1;
	(erf) = vrcp.f32 v7  }
0x56: {  	[tilespmem:$0x18FC0] =	vst v1  }
0x57: {  	[tilespmem:$0x18FD0] =	vst v1  }
0x58: {  	[tilespmem:$0x18FE0] =	vst v1  }
0x59: {  	[tilespmem:$0x18FF0] =	vst v1  }
0x5a: {  	[tilespmem:$0x19000] =	vst v1  }
0x5b: {  	[tilespmem:$0x19010] =	vst v1  }
0x5c: {  	[tilespmem:$0x19020] =	vst v1  }
0x5d: {  	[tilespmem:$0x19030] =	vst v1  }
0x5e: {  	[tilespmem:$0x19040] =	vst v1;
	v7 =	vpop (erf)  }
0x5f: {  	[tilespmem:$0x19050] =	vst v1;
	v3 =	vmul.f32 v7, v3  }
.Ltmp2:
0x60: {  	[tilespmem:$0x19060] =	vst v1;
	v4 =	vmul.f32 v7, v4;
	(pc) =	sbr.rel .LBB2_2-.Ltmp2, $4  }
0x61: {  	v63 =	vmul.f32 v7, v6;
	[tilespmem:$0x19280] =	vst v3  }
0x62: {  	v3 =	vmul.f32 v7, v5;
	[tilespmem:$0x19290] =	vst v4  }
0x63: {  	[tilespmem:$0x192B0] =	vst v63  }
0x64: {  	s17 =	simm.s32 $0x0;
	[tilespmem:$0x192A0] =	vst v3  }
.LBB2_6:
0x65: {  	s17 =	sadd.s32 $0x1, s17  }
0x66: {  	p0 =	sne.s32 s17, $0x10  }
.Ltmp3:
0x67: {  	_ = 	snop;
	(pc) =	sbr.rel @!p0 .LBB2_7-.Ltmp3, $1  }
0x68: {  	_ =	sdelay $0x3  }
.LBB2_2:
0x69: {  	v13 =	vmov s17  }
0x6a: {  	v3 =	vor.u32 $0xA0, v13;
	_ =	sdelay $0x4  }
0x6b: {  	v3 =	vld.idx.msk [tilespmem:v3+s10+$0x0], $0xffff;
	_ =	sdelay $0x4  }
0x6c: {  	(xrf0) =	vmax.scan.msk.f32 $0xffff, v3;
	_ =	sdelay $0x5  }
0x6d: {  	v3, _, _ =	vpop (xrf0)  }
0x6e: {  	(v2sf) =	vpush v3, $0xF;
	_ =	sdelay $0xe  }
0x6f: {  	s18 =	spop (v2sf)  }
0x70: {  	p0 =	sgt.f32 s18, $0.0e+00  }
.Ltmp4:
0x71: {  	_ = 	snop;
	(pc) =	sbr.rel @!p0 .LBB2_6-.Ltmp4, $1  }
0x72: {  	_ =	sdelay $0x3  }
0x73: {  	v17 =	vor.u32 $0x20, v13  }
0x74: {  	v3 =	vor.u32 $0x30, v13  }
0x75: {  	v16 =	vor.u32 $0x10, v13;
	_ =	sdelay $0x2  }
0x76: {  	v6 =	vld.idx.msk [tilespmem:v17+s13+$0x0], $0xffff  }
0x77: {  	v4 =	vld.idx.msk [tilespmem:v3+s13+$0x0], $0xffff  }
0x78: {  	v5 =	vld.idx.msk [tilespmem:v16+s13+$0x0], $0xffff;
	_ =	sdelay $0x3  }
0x79: {  	v8 =	vld.idx.msk [tilespmem:v13+s13+$0x0], $0xffff;
	v9 =	vadd.f32 v6, v6  }
0x7a: {  	v7 =	vor.u32 $0x40, v13;
	s18 =	simm.s32 $0x18498;
	v10 =	vadd.f32 v4, v4;
	v12 =	vadd.f32 v5, v5  }
0x7b: {  	v11 =	vor.u32 $0x50, v13;
	v23 =	vld [tilespmem:s18+$0xFFFFFC18];
	v15 =	vmul.f32 v9, v6  }
0x7c: {  	s19 =	simm.s32 $0x0;
	v3 =	vld.idx.msk [tilespmem:v3+s10+$0x0], $0xffff;
	v14 =	vmul.f32 v10, v4;
	v18 =	vmul.f32 v12, v5  }
0x7d: {  	v21 =	vld [tilespmem:s18+$0x0];
	s20 =	sand.u32 $0x7F0, s19;
	v19 =	vmul.f32 v9, v5;
	v20 =	vmul.f32 v10, v5  }
0x7e: {  	v25 =	vld [tilespmem:s20+$0x18880];
	v22 =	vmul.f32 v9, v8;
	v9 =	vmul.f32 v10, v8  }
0x7f: {  	v4 =	vld.idx.msk [tilespmem:v7+s10+$0x0], $0xffff;
	v24 =	vmul.f32 v10, v6;
	v7 =	vadd.f32 v14, v15;
	v10 =	vadd.f32 v14, v18  }
0x80: {  	v5 =	vld.idx.msk [tilespmem:v11+s10+$0x0], $0xffff;
	v14 =	vmul.f32 v12, v8;
	v8 =	vadd.f32 v20, v22;
	v12 =	vsub.f32 v20, v22  }
0x81: {  	v20 =	vsub.f32 v23, v3;
	v15 =	vadd.f32 v15, v18  }
0x82: {  	v6 =	vsub.f32 $1.000000000e+00, v7;
	v7 =	vsub.f32 v19, v9  }
0x83: {  	v9 =	vadd.f32 v9, v19;
	v10 =	vsub.f32 $1.000000000e+00, v10  }
0x84: {  	v11 =	vsub.f32 v24, v14;
	v19 =	vsub.f32 v21, v4;
	v22 =	vmul.f32 v20, v6  }
0x85: {  	v18 =	vsub.f32 v25, v5;
	v50 =	vmul.f32 v20, v7;
	v20 =	vmul.f32 v20, v8  }
0x86: {  	v14 =	vadd.f32 v24, v14;
	v21 =	vmul.f32 v19, v9;
	v23 =	vmul.f32 v19, v10  }
0x87: {  	v13 =	vld.idx.msk [tilespmem:v13+s10+$0x0], $0xffff;
	v15 =	vsub.f32 $1.000000000e+00, v15;
	v19 =	vmul.f32 v19, v11;
	v25 =	vmul.f32 v18, v12  }
0x88: {  	v16 =	vld.idx.msk [tilespmem:v16+s10+$0x0], $0xffff;
	v21 =	vadd.f32 v21, v22;
	v22 =	vmul.f32 v18, v14;
	v23 =	vadd.f32 v23, v50  }
0x89: {  	v19 =	vadd.f32 v19, v20  }
0x8a: {  	v17 =	vld.idx.msk [tilespmem:v17+s10+$0x0], $0xffff;
	v18 =	vmul.f32 v18, v15;
	v21 =	vadd.f32 v25, v21;
	v22 =	vadd.f32 v22, v23;
	_ =	sdelay $0x1  }
0x8b: {  	v18 =	vadd.f32 v18, v19;
	v20 =	vand.u32 $0x7FFFFFFF, v21;
	v19 =	vand.u32 $0x7FFFFFFF, v22  }
0x8c: {  	v20 =	vsub.f32 v20, v13;
	v19 =	vsub.f32 v19, v16  }
0x8d: {  	v18 =	vand.u32 $0x7FFFFFFF, v18  }
0x8e: {  	v18 =	vsub.f32 v18, v17;
	v20 =	vmax.f32 v20, $0.0e+00;
	v19 =	vmax.f32 v19, $0.0e+00  }
0x8f: {  	s19 =	simm.s32 $0x18CB0;
	v20 =	vmul.f32 v20, v20;
	v19 =	vmul.f32 v19, v19  }
0x90: {  	v21 =	vld [tilespmem:s19+$0xFFFFFFD0];
	v18 =	vmax.f32 v18, $0.0e+00  }
0x91: {  	v18 =	vmul.f32 v18, v18;
	v19 =	vadd.f32 v19, v20;
	_ =	sdelay $0x1  }
0x92: {  	v18 =	vadd.f32 v19, v18;
	_ =	sdelay $0x1  }
0x93: {  	v18 =	vmin.f32 v21, v18  }
0x94: {  	[tilespmem:s19+$0xFFFFFFD0] =	vst v18  }
0x95: {  	v18 =	vld [tilespmem:s18+$0xFFFFFC28]  }
0x96: {  	v19 =	vld [tilespmem:s18+$0x10];
	_ =	sdelay $0x1  }
0x97: {  	v20 =	vld [tilespmem:s18+$0x3F8];
	_ =	sdelay $0x1  }
0x98: {  	v18 =	vsub.f32 v18, v3  }
0x99: {  	v19 =	vsub.f32 v19, v4  }
0x9a: {  	v21 =	vmul.f32 v18, v6  }
0x9b: {  	v20 =	vsub.f32 v20, v5;
	v22 =	vmul.f32 v19, v9;
	v23 =	vmul.f32 v18, v7  }
0x9c: {  	v51 =	vmul.f32 v19, v10;
	v18 =	vmul.f32 v18, v8  }
0x9d: {  	v19 =	vmul.f32 v19, v11;
	v52 =	vmul.f32 v20, v14  }
0x9e: {  	v21 =	vadd.f32 v22, v21;
	v22 =	vmul.f32 v20, v12;
	v23 =	vadd.f32 v51, v23  }
0x9f: {  	v18 =	vadd.f32 v19, v18  }
0xa0: {  	v19 =	vmul.f32 v20, v15;
	v20 =	vadd.f32 v22, v21;
	v21 =	vadd.f32 v52, v23;
	_ =	sdelay $0x1  }
0xa1: {  	v18 =	vadd.f32 v19, v18;
	v19 =	vand.u32 $0x7FFFFFFF, v20;
	v20 =	vand.u32 $0x7FFFFFFF, v21  }
0xa2: {  	v19 =	vsub.f32 v19, v13;
	v20 =	vsub.f32 v20, v16  }
0xa3: {  	v18 =	vand.u32 $0x7FFFFFFF, v18  }
0xa4: {  	v18 =	vsub.f32 v18, v17;
	v19 =	vmax.f32 v19, $0.0e+00;
	v20 =	vmax.f32 v20, $0.0e+00  }
0xa5: {  	v19 =	vmul.f32 v19, v19;
	v20 =	vmul.f32 v20, v20  }
0xa6: {  	v21 =	vld [tilespmem:s19+$0xFFFFFFE0];
	v18 =	vmax.f32 v18, $0.0e+00  }
0xa7: {  	v18 =	vmul.f32 v18, v18;
	v19 =	vadd.f32 v20, v19;
	_ =	sdelay $0x1  }
0xa8: {  	v18 =	vadd.f32 v19, v18;
	_ =	sdelay $0x1  }
0xa9: {  	v18 =	vmin.f32 v21, v18  }
0xaa: {  	[tilespmem:s19+$0xFFFFFFE0] =	vst v18  }
0xab: {  	v18 =	vld [tilespmem:s18+$0xFFFFFC38]  }
0xac: {  	v19 =	vld [tilespmem:s18+$0x20];
	_ =	sdelay $0x1  }
0xad: {  	v20 =	vld [tilespmem:s18+$0x408];
	_ =	sdelay $0x1  }
0xae: {  	v18 =	vsub.f32 v18, v3  }
0xaf: {  	v19 =	vsub.f32 v19, v4  }
0xb0: {  	v21 =	vmul.f32 v18, v6  }
0xb1: {  	v20 =	vsub.f32 v20, v5;
	v22 =	vmul.f32 v19, v9;
	v23 =	vmul.f32 v18, v7  }
0xb2: {  	v53 =	vmul.f32 v19, v10;
	v18 =	vmul.f32 v18, v8  }
0xb3: {  	v19 =	vmul.f32 v19, v11;
	v54 =	vmul.f32 v20, v14  }
0xb4: {  	v21 =	vadd.f32 v22, v21;
	v22 =	vmul.f32 v20, v12;
	v23 =	vadd.f32 v53, v23  }
0xb5: {  	v18 =	vadd.f32 v19, v18  }
0xb6: {  	v19 =	vmul.f32 v20, v15;
	v20 =	vadd.f32 v22, v21;
	v21 =	vadd.f32 v54, v23;
	_ =	sdelay $0x1  }
0xb7: {  	v18 =	vadd.f32 v19, v18;
	v19 =	vand.u32 $0x7FFFFFFF, v20;
	v20 =	vand.u32 $0x7FFFFFFF, v21  }
0xb8: {  	v19 =	vsub.f32 v19, v13;
	v20 =	vsub.f32 v20, v16  }
0xb9: {  	v18 =	vand.u32 $0x7FFFFFFF, v18  }
0xba: {  	v18 =	vsub.f32 v18, v17;
	v19 =	vmax.f32 v19, $0.0e+00;
	v20 =	vmax.f32 v20, $0.0e+00  }
0xbb: {  	v19 =	vmul.f32 v19, v19;
	v20 =	vmul.f32 v20, v20  }
0xbc: {  	v21 =	vld [tilespmem:s19+$0xFFFFFFF0];
	v18 =	vmax.f32 v18, $0.0e+00  }
0xbd: {  	v18 =	vmul.f32 v18, v18;
	v19 =	vadd.f32 v20, v19;
	_ =	sdelay $0x1  }
0xbe: {  	v18 =	vadd.f32 v19, v18;
	_ =	sdelay $0x1  }
0xbf: {  	v18 =	vmin.f32 v21, v18  }
0xc0: {  	[tilespmem:s19+$0xFFFFFFF0] =	vst v18  }
0xc1: {  	v18 =	vld [tilespmem:s18+$0xFFFFFC48]  }
0xc2: {  	v19 =	vld [tilespmem:s18+$0x30];
	_ =	sdelay $0x1  }
0xc3: {  	v20 =	vld [tilespmem:s18+$0x418];
	_ =	sdelay $0x1  }
0xc4: {  	v18 =	vsub.f32 v18, v3  }
0xc5: {  	v19 =	vsub.f32 v19, v4  }
0xc6: {  	v21 =	vmul.f32 v18, v6  }
0xc7: {  	v20 =	vsub.f32 v20, v5;
	v22 =	vmul.f32 v19, v9;
	v23 =	vmul.f32 v18, v7  }
0xc8: {  	v55 =	vmul.f32 v19, v10;
	v19 =	vmul.f32 v19, v11  }
0xc9: {  	v18 =	vmul.f32 v18, v8;
	v56 =	vmul.f32 v20, v14  }
0xca: {  	v21 =	vadd.f32 v22, v21;
	v22 =	vmul.f32 v20, v12;
	v23 =	vadd.f32 v55, v23  }
0xcb: {  	v18 =	vadd.f32 v19, v18  }
0xcc: {  	v19 =	vmul.f32 v20, v15;
	v20 =	vadd.f32 v22, v21;
	v21 =	vadd.f32 v56, v23;
	_ =	sdelay $0x1  }
0xcd: {  	v18 =	vadd.f32 v19, v18;
	v19 =	vand.u32 $0x7FFFFFFF, v20;
	v20 =	vand.u32 $0x7FFFFFFF, v21  }
0xce: {  	v19 =	vsub.f32 v19, v13;
	v20 =	vsub.f32 v20, v16  }
0xcf: {  	v18 =	vand.u32 $0x7FFFFFFF, v18  }
0xd0: {  	v18 =	vsub.f32 v18, v17;
	v19 =	vmax.f32 v19, $0.0e+00;
	v20 =	vmax.f32 v20, $0.0e+00  }
0xd1: {  	v19 =	vmul.f32 v19, v19;
	v20 =	vmul.f32 v20, v20  }
0xd2: {  	v21 =	vld [tilespmem:s19+$0x0];
	v18 =	vmax.f32 v18, $0.0e+00  }
0xd3: {  	v18 =	vmul.f32 v18, v18;
	v19 =	vadd.f32 v20, v19;
	_ =	sdelay $0x1  }
0xd4: {  	v18 =	vadd.f32 v19, v18;
	_ =	sdelay $0x1  }
0xd5: {  	v18 =	vmin.f32 v21, v18  }
0xd6: {  	[tilespmem:s19+$0x0] =	vst v18  }
0xd7: {  	v18 =	vld [tilespmem:s18+$0xFFFFFC58]  }
0xd8: {  	v19 =	vld [tilespmem:s18+$0x40]  }
0xd9: {  	v20 =	vld [tilespmem:s18+$0x428];
	_ =	sdelay $0x2  }
0xda: {  	v18 =	vsub.f32 v18, v3  }
0xdb: {  	v19 =	vsub.f32 v19, v4  }
0xdc: {  	v20 =	vsub.f32 v20, v5;
	v21 =	vmul.f32 v18, v6  }
0xdd: {  	v22 =	vmul.f32 v19, v9;
	v23 =	vmul.f32 v18, v7  }
0xde: {  	v57 =	vmul.f32 v19, v10;
	v58 =	vmul.f32 v20, v12  }
0xdf: {  	v19 =	vmul.f32 v19, v11;
	v18 =	vmul.f32 v18, v8  }
0xe0: {  	v21 =	vadd.f32 v22, v21;
	v22 =	vadd.f32 v57, v23;
	v23 =	vmul.f32 v20, v14  }
0xe1: {  	v18 =	vadd.f32 v19, v18  }
0xe2: {  	v20 =	vmul.f32 v20, v15;
	v21 =	vadd.f32 v58, v21;
	v19 =	vadd.f32 v23, v22;
	_ =	sdelay $0x1  }
0xe3: {  	v18 =	vadd.f32 v20, v18;
	v20 =	vand.u32 $0x7FFFFFFF, v21;
	v19 =	vand.u32 $0x7FFFFFFF, v19  }
0xe4: {  	v20 =	vsub.f32 v20, v13;
	v19 =	vsub.f32 v19, v16  }
0xe5: {  	v18 =	vand.u32 $0x7FFFFFFF, v18  }
0xe6: {  	v18 =	vsub.f32 v18, v17;
	v20 =	vmax.f32 v20, $0.0e+00;
	v19 =	vmax.f32 v19, $0.0e+00  }
0xe7: {  	v20 =	vmul.f32 v20, v20;
	v19 =	vmul.f32 v19, v19  }
0xe8: {  	v21 =	vld [tilespmem:s19+$0x10];
	v18 =	vmax.f32 v18, $0.0e+00  }
0xe9: {  	v18 =	vmul.f32 v18, v18;
	v19 =	vadd.f32 v19, v20;
	_ =	sdelay $0x1  }
0xea: {  	v18 =	vadd.f32 v19, v18;
	_ =	sdelay $0x1  }
0xeb: {  	v18 =	vmin.f32 v21, v18  }
0xec: {  	[tilespmem:s19+$0x10] =	vst v18  }
0xed: {  	v18 =	vld [tilespmem:s20+$0x18100]  }
0xee: {  	v19 =	vld [tilespmem:s18+$0x50]  }
0xef: {  	v20 =	vld [tilespmem:s18+$0x438];
	_ =	sdelay $0x2  }
0xf0: {  	v18 =	vsub.f32 v18, v3  }
0xf1: {  	v19 =	vsub.f32 v19, v4  }
0xf2: {  	v20 =	vsub.f32 v20, v5;
	v21 =	vmul.f32 v18, v6  }
0xf3: {  	v22 =	vmul.f32 v19, v9;
	v23 =	vmul.f32 v18, v7  }
0xf4: {  	v59 =	vmul.f32 v19, v10;
	v60 =	vmul.f32 v20, v12  }
0xf5: {  	v19 =	vmul.f32 v19, v11;
	v18 =	vmul.f32 v18, v8  }
0xf6: {  	v26 =	vmul.f32 v20, v14;
	v21 =	vadd.f32 v22, v21;
	v22 =	vadd.f32 v59, v23  }
0xf7: {  	v18 =	vadd.f32 v19, v18  }
0xf8: {  	v19 =	vmul.f32 v20, v15;
	v21 =	vadd.f32 v60, v21;
	v22 =	vadd.f32 v26, v22;
	_ =	sdelay $0x1  }
0xf9: {  	v18 =	vadd.f32 v19, v18;
	v20 =	vand.u32 $0x7FFFFFFF, v21;
	v21 =	vand.u32 $0x7FFFFFFF, v22  }
0xfa: {  	v19 =	vsub.f32 v20, v13;
	v20 =	vsub.f32 v21, v16  }
0xfb: {  	v18 =	vand.u32 $0x7FFFFFFF, v18  }
0xfc: {  	v18 =	vsub.f32 v18, v17;
	v19 =	vmax.f32 v19, $0.0e+00;
	v20 =	vmax.f32 v20, $0.0e+00  }
0xfd: {  	v19 =	vmul.f32 v19, v19;
	v20 =	vmul.f32 v20, v20  }
0xfe: {  	v21 =	vld [tilespmem:s19+$0x20];
	v18 =	vmax.f32 v18, $0.0e+00  }
0xff: {  	v18 =	vmul.f32 v18, v18;
	v19 =	vadd.f32 v20, v19;
	_ =	sdelay $0x1  }
0x100: {  	v18 =	vadd.f32 v19, v18;
	_ =	sdelay $0x1  }
0x101: {  	v18 =	vmin.f32 v21, v18  }
0x102: {  	[tilespmem:s19+$0x20] =	vst v18  }
0x103: {  	v18 =	vld [tilespmem:s18+$0xFFFFFC78]  }
0x104: {  	v19 =	vld [tilespmem:s18+$0x60]  }
0x105: {  	v20 =	vld [tilespmem:s18+$0x448];
	_ =	sdelay $0x2  }
0x106: {  	v23 =	vsub.f32 v18, v3  }
0x107: {  	v19 =	vsub.f32 v19, v4  }
0x108: {  	v18 =	vsub.f32 v20, v5;
	v22 =	vmul.f32 v23, v6;
	v61 =	vmul.f32 v23, v7  }
0x109: {  	v62 =	vmul.f32 v19, v9;
	v63 =	vmul.f32 v19, v10  }
0x10a: {  	v20 =	vmul.f32 v18, v12;
	v21 =	vmul.f32 v19, v11  }
0x10b: {  	s21 =	simm.s32 $0x70;
	s20 =	simm.s32 $0x18CB0;
	v23 =	vmul.f32 v23, v8;
	v22 =	vadd.f32 v62, v22;
	v19 =	vadd.f32 v63, v61  }
.LBB2_4:
0x10c: {  	p0 =	sne.s32 s21, $0x380;
	v24 =	vmul.f32 v18, v14;
	s18 =	sadd.s32 $0x70, s18;
	s19 =	sadd.s32 $0x70, s19  }
0x10d: {  	v18 =	vmul.f32 v18, v15;
	s22 =	smov.u32 s21;
	s21 =	sadd.s32 $0x70, s21;
	v20 =	vadd.f32 v20, v22;
	v21 =	vadd.f32 v21, v23  }
0x10e: {  	v19 =	vadd.f32 v24, v19  }
0x10f: {  	v18 =	vadd.f32 v18, v21;
	v20 =	vand.u32 $0x7FFFFFFF, v20  }
0x110: {  	v20 =	vsub.f32 v20, v13;
	v19 =	vand.u32 $0x7FFFFFFF, v19  }
0x111: {  	v19 =	vsub.f32 v19, v16;
	v18 =	vand.u32 $0x7FFFFFFF, v18  }
0x112: {  	v20 =	vmax.f32 v20, $0.0e+00;
	v18 =	vsub.f32 v18, v17  }
0x113: {  	v19 =	vmax.f32 v19, $0.0e+00;
	v20 =	vmul.f32 v20, v20  }
0x114: {  	v18 =	vmax.f32 v18, $0.0e+00;
	v19 =	vmul.f32 v19, v19  }
0x115: {  	v21 =	vld [tilespmem:s20+$0x30]  }
0x116: {  	v18 =	vmul.f32 v18, v18;
	v19 =	vadd.f32 v19, v20;
	_ =	sdelay $0x1  }
0x117: {  	v18 =	vadd.f32 v19, v18;
	_ =	sdelay $0x1  }
0x118: {  	v18 =	vmin.f32 v21, v18  }
0x119: {  	[tilespmem:s20+$0x30] =	vst v18;
	s20 =	smov.u32 s19  }
0x11a: {  	v18 =	vld [tilespmem:s18+$0x0]  }
0x11b: {  	s22 =	sand.u32 $0x7F0, s22;
	v19 =	vld [tilespmem:s18+$0xFFFFFC18]  }
0x11c: {  	v20 =	vld [tilespmem:s22+$0x18880];
	_ =	sdelay $0x2  }
0x11d: {  	v18 =	vsub.f32 v18, v4  }
0x11e: {  	v19 =	vsub.f32 v19, v3  }
0x11f: {  	v20 =	vsub.f32 v20, v5;
	v21 =	vmul.f32 v18, v9;
	v22 =	vmul.f32 v18, v10  }
0x120: {  	v18 =	vmul.f32 v18, v11;
	v23 =	vmul.f32 v19, v6  }
0x121: {  	v25 =	vmul.f32 v19, v7;
	v24 =	vmul.f32 v20, v12  }
0x122: {  	v21 =	vadd.f32 v21, v23;
	v23 =	vmul.f32 v20, v14;
	v20 =	vmul.f32 v20, v15  }
0x123: {  	v19 =	vmul.f32 v19, v8;
	v22 =	vadd.f32 v22, v25  }
0x124: {  	v21 =	vadd.f32 v24, v21  }
0x125: {  	v18 =	vadd.f32 v18, v19;
	v22 =	vadd.f32 v23, v22  }
0x126: {  	v19 =	vand.u32 $0x7FFFFFFF, v21  }
0x127: {  	v18 =	vadd.f32 v20, v18;
	v20 =	vand.u32 $0x7FFFFFFF, v22;
	v19 =	vsub.f32 v19, v13  }
0x128: {  	v20 =	vsub.f32 v20, v16  }
0x129: {  	v18 =	vand.u32 $0x7FFFFFFF, v18  }
0x12a: {  	v18 =	vsub.f32 v18, v17;
	v19 =	vmax.f32 v19, $0.0e+00;
	v20 =	vmax.f32 v20, $0.0e+00  }
0x12b: {  	v19 =	vmul.f32 v19, v19;
	v20 =	vmul.f32 v20, v20  }
0x12c: {  	v18 =	vmax.f32 v18, $0.0e+00;
	v21 =	vld [tilespmem:s19+$0xFFFFFFD0]  }
0x12d: {  	v18 =	vmul.f32 v18, v18;
	v19 =	vadd.f32 v20, v19;
	_ =	sdelay $0x1  }
0x12e: {  	v18 =	vadd.f32 v19, v18;
	_ =	sdelay $0x1  }
0x12f: {  	v18 =	vmin.f32 v21, v18  }
0x130: {  	[tilespmem:s19+$0xFFFFFFD0] =	vst v18  }
0x131: {  	v18 =	vld [tilespmem:s18+$0xFFFFFC28]  }
0x132: {  	v19 =	vld [tilespmem:s18+$0x10]  }
0x133: {  	v20 =	vld [tilespmem:s18+$0x3F8];
	_ =	sdelay $0x2  }
0x134: {  	v18 =	vsub.f32 v18, v3  }
0x135: {  	v19 =	vsub.f32 v19, v4  }
0x136: {  	v20 =	vsub.f32 v20, v5;
	v21 =	vmul.f32 v18, v6;
	v22 =	vmul.f32 v18, v8  }
0x137: {  	v18 =	vmul.f32 v18, v7;
	v23 =	vmul.f32 v19, v9  }
0x138: {  	v24 =	vmul.f32 v19, v10;
	v19 =	vmul.f32 v19, v11  }
0x139: {  	v25 =	vmul.f32 v20, v15;
	v21 =	vadd.f32 v23, v21;
	v23 =	vmul.f32 v20, v12  }
0x13a: {  	v18 =	vadd.f32 v24, v18;
	v20 =	vmul.f32 v20, v14;
	v19 =	vadd.f32 v19, v22  }
0x13b: {  	v21 =	vadd.f32 v23, v21  }
0x13c: {  	v18 =	vadd.f32 v20, v18;
	v19 =	vadd.f32 v25, v19  }
0x13d: {  	v20 =	vand.u32 $0x7FFFFFFF, v21  }
0x13e: {  	v18 =	vand.u32 $0x7FFFFFFF, v18;
	v19 =	vand.u32 $0x7FFFFFFF, v19;
	v20 =	vsub.f32 v20, v13  }
0x13f: {  	v18 =	vsub.f32 v18, v16;
	v19 =	vsub.f32 v19, v17  }
0x140: {  	v20 =	vmax.f32 v20, $0.0e+00  }
0x141: {  	v18 =	vmax.f32 v18, $0.0e+00;
	v19 =	vmax.f32 v19, $0.0e+00  }
0x142: {  	v20 =	vmul.f32 v20, v20;
	v18 =	vmul.f32 v18, v18  }
0x143: {  	v21 =	vld [tilespmem:s19+$0xFFFFFFE0]  }
0x144: {  	v19 =	vmul.f32 v19, v19;
	v18 =	vadd.f32 v18, v20;
	_ =	sdelay $0x1  }
0x145: {  	v18 =	vadd.f32 v18, v19;
	_ =	sdelay $0x1  }
0x146: {  	v18 =	vmin.f32 v21, v18  }
0x147: {  	[tilespmem:s19+$0xFFFFFFE0] =	vst v18  }
0x148: {  	v18 =	vld [tilespmem:s18+$0xFFFFFC38]  }
0x149: {  	v19 =	vld [tilespmem:s18+$0x20]  }
0x14a: {  	v20 =	vld [tilespmem:s18+$0x408];
	_ =	sdelay $0x2  }
0x14b: {  	v18 =	vsub.f32 v18, v3  }
0x14c: {  	v19 =	vsub.f32 v19, v4  }
0x14d: {  	v20 =	vsub.f32 v20, v5;
	v21 =	vmul.f32 v18, v6;
	v22 =	vmul.f32 v18, v8  }
0x14e: {  	v18 =	vmul.f32 v18, v7;
	v23 =	vmul.f32 v19, v9  }
0x14f: {  	v24 =	vmul.f32 v19, v10;
	v19 =	vmul.f32 v19, v11  }
0x150: {  	v25 =	vmul.f32 v20, v15;
	v21 =	vadd.f32 v23, v21;
	v23 =	vmul.f32 v20, v12  }
0x151: {  	v18 =	vadd.f32 v24, v18;
	v20 =	vmul.f32 v20, v14;
	v19 =	vadd.f32 v19, v22  }
0x152: {  	v21 =	vadd.f32 v23, v21  }
0x153: {  	v18 =	vadd.f32 v20, v18;
	v19 =	vadd.f32 v25, v19  }
0x154: {  	v20 =	vand.u32 $0x7FFFFFFF, v21  }
0x155: {  	v18 =	vand.u32 $0x7FFFFFFF, v18;
	v19 =	vand.u32 $0x7FFFFFFF, v19;
	v20 =	vsub.f32 v20, v13  }
0x156: {  	v18 =	vsub.f32 v18, v16;
	v19 =	vsub.f32 v19, v17;
	_ =	sdelay $0x1  }
0x157: {  	v20 =	vmax.f32 v20, $0.0e+00;
	v18 =	vmax.f32 v18, $0.0e+00;
	v19 =	vmax.f32 v19, $0.0e+00  }
0x158: {  	v20 =	vmul.f32 v20, v20;
	v18 =	vmul.f32 v18, v18  }
0x159: {  	v21 =	vld [tilespmem:s19+$0xFFFFFFF0]  }
0x15a: {  	v19 =	vmul.f32 v19, v19;
	v18 =	vadd.f32 v18, v20;
	_ =	sdelay $0x1  }
0x15b: {  	v18 =	vadd.f32 v18, v19;
	_ =	sdelay $0x1  }
0x15c: {  	v18 =	vmin.f32 v21, v18  }
0x15d: {  	[tilespmem:s19+$0xFFFFFFF0] =	vst v18  }
0x15e: {  	v18 =	vld [tilespmem:s18+$0xFFFFFC48]  }
0x15f: {  	v19 =	vld [tilespmem:s18+$0x30]  }
0x160: {  	v20 =	vld [tilespmem:s18+$0x418];
	_ =	sdelay $0x2  }
0x161: {  	v18 =	vsub.f32 v18, v3  }
0x162: {  	v19 =	vsub.f32 v19, v4  }
0x163: {  	v20 =	vsub.f32 v20, v5;
	v21 =	vmul.f32 v18, v6;
	v22 =	vmul.f32 v18, v7  }
0x164: {  	v23 =	vmul.f32 v19, v9;
	v24 =	vmul.f32 v19, v11  }
0x165: {  	v18 =	vmul.f32 v18, v8;
	v19 =	vmul.f32 v19, v10  }
0x166: {  	v25 =	vmul.f32 v20, v15;
	v21 =	vadd.f32 v23, v21;
	v23 =	vmul.f32 v20, v12  }
0x167: {  	v19 =	vadd.f32 v19, v22;
	v20 =	vmul.f32 v20, v14;
	v18 =	vadd.f32 v24, v18  }
0x168: {  	v21 =	vadd.f32 v23, v21  }
0x169: {  	v19 =	vadd.f32 v20, v19;
	v18 =	vadd.f32 v25, v18  }
0x16a: {  	v20 =	vand.u32 $0x7FFFFFFF, v21  }
0x16b: {  	v19 =	vand.u32 $0x7FFFFFFF, v19;
	v18 =	vand.u32 $0x7FFFFFFF, v18;
	v20 =	vsub.f32 v20, v13  }
0x16c: {  	v19 =	vsub.f32 v19, v16;
	v18 =	vsub.f32 v18, v17;
	_ =	sdelay $0x1  }
0x16d: {  	v20 =	vmax.f32 v20, $0.0e+00;
	v19 =	vmax.f32 v19, $0.0e+00;
	v18 =	vmax.f32 v18, $0.0e+00  }
0x16e: {  	v20 =	vmul.f32 v20, v20;
	v19 =	vmul.f32 v19, v19  }
0x16f: {  	v21 =	vld [tilespmem:s19+$0x0]  }
0x170: {  	v18 =	vmul.f32 v18, v18;
	v19 =	vadd.f32 v19, v20;
	_ =	sdelay $0x1  }
0x171: {  	v18 =	vadd.f32 v19, v18;
	_ =	sdelay $0x1  }
0x172: {  	v18 =	vmin.f32 v21, v18  }
0x173: {  	[tilespmem:s19+$0x0] =	vst v18  }
0x174: {  	v18 =	vld [tilespmem:s18+$0xFFFFFC58]  }
0x175: {  	v19 =	vld [tilespmem:s18+$0x40]  }
0x176: {  	v20 =	vld [tilespmem:s18+$0x428];
	_ =	sdelay $0x2  }
0x177: {  	v18 =	vsub.f32 v18, v3  }
0x178: {  	v19 =	vsub.f32 v19, v4  }
0x179: {  	v20 =	vsub.f32 v20, v5;
	v21 =	vmul.f32 v18, v6;
	v22 =	vmul.f32 v18, v7  }
0x17a: {  	v23 =	vmul.f32 v19, v9;
	v24 =	vmul.f32 v19, v10  }
0x17b: {  	v19 =	vmul.f32 v19, v11;
	v25 =	vmul.f32 v20, v12  }
0x17c: {  	v18 =	vmul.f32 v18, v8;
	v21 =	vadd.f32 v23, v21;
	v22 =	vadd.f32 v24, v22  }
0x17d: {  	v23 =	vmul.f32 v20, v14;
	v20 =	vmul.f32 v20, v15  }
0x17e: {  	v18 =	vadd.f32 v19, v18;
	v21 =	vadd.f32 v25, v21  }
0x17f: {  	v19 =	vadd.f32 v23, v22  }
0x180: {  	v18 =	vadd.f32 v20, v18;
	v20 =	vand.u32 $0x7FFFFFFF, v21  }
0x181: {  	v19 =	vand.u32 $0x7FFFFFFF, v19;
	v20 =	vsub.f32 v20, v13  }
0x182: {  	v18 =	vand.u32 $0x7FFFFFFF, v18;
	v19 =	vsub.f32 v19, v16  }
0x183: {  	v18 =	vsub.f32 v18, v17;
	v20 =	vmax.f32 v20, $0.0e+00  }
0x184: {  	v19 =	vmax.f32 v19, $0.0e+00;
	v20 =	vmul.f32 v20, v20  }
0x185: {  	v19 =	vmul.f32 v19, v19  }
0x186: {  	v18 =	vmax.f32 v18, $0.0e+00;
	v21 =	vld [tilespmem:s19+$0x10]  }
0x187: {  	v18 =	vmul.f32 v18, v18;
	v19 =	vadd.f32 v19, v20;
	_ =	sdelay $0x1  }
0x188: {  	v18 =	vadd.f32 v19, v18;
	_ =	sdelay $0x1  }
0x189: {  	v18 =	vmin.f32 v21, v18  }
0x18a: {  	[tilespmem:s19+$0x10] =	vst v18  }
0x18b: {  	v18 =	vld [tilespmem:s22+$0x18100]  }
0x18c: {  	v19 =	vld [tilespmem:s18+$0x50]  }
0x18d: {  	v20 =	vld [tilespmem:s18+$0x438];
	_ =	sdelay $0x2  }
0x18e: {  	v18 =	vsub.f32 v18, v3  }
0x18f: {  	v19 =	vsub.f32 v19, v4  }
0x190: {  	v20 =	vsub.f32 v20, v5;
	v21 =	vmul.f32 v18, v6;
	v22 =	vmul.f32 v18, v7  }
0x191: {  	v23 =	vmul.f32 v19, v9;
	v24 =	vmul.f32 v19, v10  }
0x192: {  	v25 =	vmul.f32 v20, v12;
	v26 =	vmul.f32 v20, v14  }
0x193: {  	v19 =	vmul.f32 v19, v11;
	v21 =	vadd.f32 v23, v21;
	v22 =	vadd.f32 v24, v22  }
0x194: {  	v18 =	vmul.f32 v18, v8  }
0x195: {  	v21 =	vadd.f32 v25, v21;
	v22 =	vadd.f32 v26, v22  }
0x196: {  	v18 =	vadd.f32 v19, v18  }
0x197: {  	v19 =	vmul.f32 v20, v15;
	v20 =	vand.u32 $0x7FFFFFFF, v21;
	v21 =	vand.u32 $0x7FFFFFFF, v22  }
0x198: {  	v20 =	vsub.f32 v20, v13;
	v21 =	vsub.f32 v21, v16  }
0x199: {  	v18 =	vadd.f32 v19, v18  }
0x19a: {  	v19 =	vmax.f32 v20, $0.0e+00;
	v20 =	vmax.f32 v21, $0.0e+00  }
0x19b: {  	v18 =	vand.u32 $0x7FFFFFFF, v18;
	v19 =	vmul.f32 v19, v19;
	v20 =	vmul.f32 v20, v20  }
0x19c: {  	v18 =	vsub.f32 v18, v17  }
0x19d: {  	v19 =	vadd.f32 v20, v19  }
0x19e: {  	v18 =	vmax.f32 v18, $0.0e+00;
	v20 =	vld [tilespmem:s19+$0x20]  }
0x19f: {  	v18 =	vmul.f32 v18, v18;
	_ =	sdelay $0x1  }
0x1a0: {  	v18 =	vadd.f32 v19, v18;
	_ =	sdelay $0x1  }
0x1a1: {  	v18 =	vmin.f32 v20, v18  }
0x1a2: {  	[tilespmem:s19+$0x20] =	vst v18  }
0x1a3: {  	v18 =	vld [tilespmem:s18+$0xFFFFFC78]  }
0x1a4: {  	v19 =	vld [tilespmem:s18+$0x60]  }
0x1a5: {  	v20 =	vld [tilespmem:s18+$0x448];
	_ =	sdelay $0x2  }
0x1a6: {  	v23 =	vsub.f32 v18, v3  }
.Ltmp5:
0x1a7: {  	v19 =	vsub.f32 v19, v4;
	(pc) =	sbr.rel @p0 .LBB2_4-.Ltmp5, $4  }
0x1a8: {  	v18 =	vsub.f32 v20, v5;
	v22 =	vmul.f32 v23, v6;
	v24 =	vmul.f32 v23, v7  }
0x1a9: {  	v25 =	vmul.f32 v19, v9;
	v26 =	vmul.f32 v19, v10  }
0x1aa: {  	v21 =	vmul.f32 v19, v11;
	v20 =	vmul.f32 v18, v12  }
0x1ab: {  	v23 =	vmul.f32 v23, v8;
	v22 =	vadd.f32 v25, v22;
	v19 =	vadd.f32 v26, v24  }
0x1ac: {  	v3 =	vmul.f32 v18, v14  }
0x1ad: {  	v4 =	vadd.f32 v20, v22  }
0x1ae: {  	v6 =	vmul.f32 v18, v15;
	v5 =	vadd.f32 v21, v23;
	v3 =	vadd.f32 v3, v19;
	_ =	sdelay $0x1  }
0x1af: {  	v5 =	vadd.f32 v6, v5;
	v4 =	vand.u32 $0x7FFFFFFF, v4;
	v3 =	vand.u32 $0x7FFFFFFF, v3  }
0x1b0: {  	v4 =	vsub.f32 v4, v13;
	v3 =	vsub.f32 v3, v16  }
0x1b1: {  	v5 =	vand.u32 $0x7FFFFFFF, v5  }
0x1b2: {  	v4 =	vmax.f32 v4, $0.0e+00;
	v5 =	vsub.f32 v5, v17;
	v3 =	vmax.f32 v3, $0.0e+00  }
0x1b3: {  	v4 =	vmul.f32 v4, v4;
	v3 =	vmul.f32 v3, v3  }
0x1b4: {  	v62 =	vld [tilespmem:s20+$0x30];
	v5 =	vmax.f32 v5, $0.0e+00  }
0x1b5: {  	v63 =	vmul.f32 v5, v5;
	v3 =	vadd.f32 v3, v4  }
.Ltmp6:
0x1b6: {  	_ = 	snop;
	(pc) =	sbr.rel .LBB2_6-.Ltmp6, $3  }
0x1b7: {  	v3 =	vadd.f32 v3, v63;
	_ =	sdelay $0x1  }
0x1b8: {  	v3 =	vmin.f32 v62, v3  }
0x1b9: {  	[tilespmem:s20+$0x30] =	vst v3  }
.LBB2_7:
0x1ba: {  	s18 =	simm.s32 $0x18CB0  }
0x1bb: {  	v3 =	vld [tilespmem:s18+$0x30]  }
0x1bc: {  	v4 =	vld [tilespmem:s18+$0x20]  }
0x1bd: {  	v5 =	vld [tilespmem:s18+$0x10]  }
0x1be: {  	v6 =	vld [tilespmem:s18+$0x0]  }
0x1bf: {  	v7 =	vld [tilespmem:s18+$0xFFFFFFF0]  }
0x1c0: {  	v8 =	vld [tilespmem:s18+$0xFFFFFFE0]  }
0x1c1: {  	v10 =	vld [tilespmem:s18+$0xFFFFFFD0];
	_ =	sdelay $0x1  }
0x1c2: {  	v3 =	vadd.f32 $9.999999960e-13, v3  }
0x1c3: {  	v4 =	vadd.f32 $9.999999960e-13, v4;
	v5 =	vadd.f32 $9.999999960e-13, v5  }
0x1c4: {  	v6 =	vadd.f32 $9.999999960e-13, v6;
	v7 =	vadd.f32 $9.999999960e-13, v7  }
0x1c5: {  	v9 =	vimm.f32 $0.0e+00;
	v8 =	vadd.f32 $9.999999960e-13, v8;
	v10 =	vadd.f32 $9.999999960e-13, v10  }
0x1c6: {  	v15 =	vshrl.u32 v3, $0x1;
	v14 =	vshrl.u32 v4, $0x1;
	v13 =	vmul.f32 $5.000000000e-01, v3  }
0x1c7: {  	s17 =	simm.s32 $0x60;
	s19 =	simm.s32 $0xD0;
	v16 =	vshrl.u32 v5, $0x1;
	v12 =	vmul.f32 $5.000000000e-01, v5;
	v11 =	vmul.f32 $5.000000000e-01, v4  }
.LBB2_8:
0x1c8: {  	p0 =	sne.s32 s19, $0x3E0;
	v17 =	vshrl.u32 v7, $0x1;
	v18 =	vshrl.u32 v6, $0x1;
	v19 =	vmul.f32 $5.000000000e-01, v6  }
0x1c9: {  	v20 =	vshrl.u32 v8, $0x1;
	v21 =	vmul.f32 $5.000000000e-01, v8;
	v22 =	vmul.f32 $5.000000000e-01, v7  }
0x1ca: {  	v23 =	vshrl.u32 v10, $0x1;
	v24 =	vmul.f32 $5.000000000e-01, v10;
	v25 =	vsub.s32 $0x5F3759DF, v15  }
0x1cb: {  	v16 =	vsub.s32 $0x5F3759DF, v16;
	v26 =	vsub.s32 $0x5F3759DF, v14;
	v18 =	vsub.s32 $0x5F3759DF, v18  }
0x1cc: {  	v17 =	vsub.s32 $0x5F3759DF, v17;
	v15 =	vmul.f32 v26, v11;
	v14 =	vmul.f32 v25, v13  }
0x1cd: {  	v20 =	vsub.s32 $0x5F3759DF, v20;
	v28 =	vmul.f32 v16, v12;
	v27 =	vmul.f32 v18, v19  }
0x1ce: {  	v23 =	vsub.s32 $0x5F3759DF, v23;
	v29 =	vmul.f32 v20, v21;
	v30 =	vmul.f32 v17, v22  }
0x1cf: {  	s20 =	sadd.s32 $0xFFFFFFF0, s17;
	v31 =	vmul.f32 v23, v24;
	v32 =	vmul.f32 v25, v14;
	v14 =	vmov s17  }
0x1d0: {  	v28 =	vmul.f32 v16, v28;
	v33 =	vmul.f32 v26, v15;
	v15 =	vmov s20  }
0x1d1: {  	v30 =	vmul.f32 v17, v30;
	v27 =	vmul.f32 v18, v27;
	v32 =	vsub.f32 $1.500000000e+00, v32  }
0x1d2: {  	v31 =	vmul.f32 v23, v31;
	v28 =	vsub.f32 $1.500000000e+00, v28;
	v33 =	vsub.f32 $1.500000000e+00, v33  }
0x1d3: {  	v29 =	vmul.f32 v20, v29;
	v30 =	vsub.f32 $1.500000000e+00, v30;
	v27 =	vsub.f32 $1.500000000e+00, v27  }
0x1d4: {  	v31 =	vsub.f32 $1.500000000e+00, v31;
	v26 =	vmul.f32 v26, v33;
	v25 =	vmul.f32 v25, v32  }
0x1d5: {  	s20 =	sadd.s32 $0xFFFFFFE0, s17;
	v29 =	vsub.f32 $1.500000000e+00, v29;
	v16 =	vmul.f32 v16, v28;
	v18 =	vmul.f32 v18, v27  }
0x1d6: {  	s21 =	sadd.s32 $0xFFFFFFD0, s17;
	v23 =	vmul.f32 v23, v31;
	v17 =	vmul.f32 v17, v30;
	v27 =	vmov s20  }
0x1d7: {  	v28 =	vmov s21;
	v20 =	vmul.f32 v20, v29;
	s20 =	sadd.s32 $0xFFFFFFC0, s17;
	v29 =	vmul.f32 v25, v13  }
0x1d8: {  	s21 =	sadd.s32 $0xFFFFFFB0, s17;
	v31 =	vmov s20;
	v32 =	vmul.f32 v26, v11;
	v30 =	vmul.f32 v23, v24  }
0x1d9: {  	v33 =	vmov s21;
	s20 =	sadd.s32 $0xFFFFFFA0, s17;
	v35 =	vmul.f32 v16, v12;
	s17 =	smov.u32 s19;
	v34 =	vmul.f32 v18, v19  }
0x1da: {  	v36 =	vmov s20;
	v37 =	vmul.f32 v20, v21;
	v30 =	vmul.f32 v30, v23  }
0x1db: {  	v38 =	vmul.f32 v17, v22;
	vm0 =	vlt.u32 v31, v2;
	v29 =	vmul.f32 v29, v25  }
0x1dc: {  	v32 =	vmul.f32 v32, v26;
	v31 =	vmul.f32 v37, v20;
	v30 =	vsub.f32 $1.500000000e+00, v30  }
0x1dd: {  	v35 =	vmul.f32 v35, v16;
	v37 =	vmul.f32 v38, v17;
	v29 =	vsub.f32 $1.500000000e+00, v29  }
0x1de: {  	v23 =	vmul.f32 v30, v23;
	v30 =	vsub.f32 $1.500000000e+00, v31;
	v31 =	vmul.f32 v34, v18  }
0x1df: {  	s18 =	sadd.s32 $0x70, s18;
	v32 =	vsub.f32 $1.500000000e+00, v32;
	v25 =	vmul.f32 v29, v25;
	v34 =	vsub.f32 $1.500000000e+00, v37  }
0x1e0: {  	v24 =	vmul.f32 v23, v24;
	v20 =	vmul.f32 v30, v20;
	v30 =	vsub.f32 $1.500000000e+00, v35;
	v29 =	vld [tilespmem:s18+$0x30]  }
0x1e1: {  	v26 =	vmul.f32 v32, v26;
	v17 =	vmul.f32 v34, v17;
	v31 =	vsub.f32 $1.500000000e+00, v31  }
0x1e2: {  	vm1 =	vlt.u32 v33, v2;
	v24 =	vmul.f32 v24, v23;
	v21 =	vmul.f32 v20, v21;
	v32 =	vld [tilespmem:s18+$0x20]  }
0x1e3: {  	vm2 =	vlt.u32 v36, v2;
	v18 =	vmul.f32 v31, v18;
	v16 =	vmul.f32 v30, v16  }
0x1e4: {  	v22 =	vmul.f32 v17, v22;
	v24 =	vsub.f32 $1.500000000e+00, v24;
	v21 =	vmul.f32 v21, v20  }
0x1e5: {  	v13 =	vmul.f32 v25, v13;
	v19 =	vmul.f32 v18, v19;
	v29 =	vadd.f32 $9.999999960e-13, v29  }
0x1e6: {  	v22 =	vmul.f32 v22, v17;
	v23 =	vmul.f32 v24, v23;
	v21 =	vsub.f32 $1.500000000e+00, v21  }
0x1e7: {  	v12 =	vmul.f32 v16, v12;
	v19 =	vmul.f32 v19, v18;
	v24 =	vadd.f32 $9.999999960e-13, v32  }
0x1e8: {  	v10 =	vmul.f32 v23, v10;
	v20 =	vmul.f32 v21, v20;
	v21 =	vsub.f32 $1.500000000e+00, v22  }
0x1e9: {  	v11 =	vmul.f32 v26, v11;
	v12 =	vmul.f32 v12, v16;
	v19 =	vsub.f32 $1.500000000e+00, v19  }
0x1ea: {  	v10 =	vnsel vm2, $0x0, v10;
	v8 =	vmul.f32 v20, v8;
	v17 =	vmul.f32 v21, v17  }
0x1eb: {  	v11 =	vmul.f32 v11, v26;
	v9 =	vadd.f32 v10, v9;
	v10 =	vsub.f32 $1.500000000e+00, v12  }
0x1ec: {  	v8 =	vnsel vm1, $0x0, v8;
	v7 =	vmul.f32 v17, v7;
	v17 =	vmul.f32 v19, v18;
	v12 =	vld [tilespmem:s18+$0x10]  }
0x1ed: {  	v8 =	vadd.f32 v8, v9;
	v9 =	vsub.f32 $1.500000000e+00, v11;
	v11 =	vmul.f32 v13, v25  }
0x1ee: {  	v10 =	vmul.f32 v10, v16;
	v7 =	vnsel vm0, $0x0, v7;
	v6 =	vmul.f32 v17, v6;
	v13 =	vld [tilespmem:s18+$0x0]  }
0x1ef: {  	vm0 =	vlt.u32 v28, v2;
	v7 =	vadd.f32 v7, v8;
	v8 =	vsub.f32 $1.500000000e+00, v11;
	v16 =	vld [tilespmem:s18+$0xFFFFFFF0]  }
0x1f0: {  	v10 =	vmul.f32 v10, v5;
	v9 =	vmul.f32 v9, v26;
	v6 =	vnsel vm0, $0x0, v6;
	v11 =	vld [tilespmem:s18+$0xFFFFFFE0]  }
0x1f1: {  	vm0 =	vlt.u32 v27, v2;
	v7 =	vadd.f32 v6, v7;
	v17 =	vld [tilespmem:s18+$0xFFFFFFD0];
	v5 =	vadd.f32 $9.999999960e-13, v12  }
0x1f2: {  	v10 =	vnsel vm0, $0x0, v10;
	v9 =	vmul.f32 v9, v4;
	v8 =	vmul.f32 v8, v25;
	v4 =	vmovc v24  }
0x1f3: {  	vm0 =	vlt.u32 v15, v2;
	v10 =	vadd.f32 v10, v7;
	v6 =	vadd.f32 $9.999999960e-13, v13  }
.Ltmp7:
0x1f4: {  	v9 =	vnsel vm0, $0x0, v9;
	v12 =	vmul.f32 v8, v3;
	v3 =	vmovc v29;
	v7 =	vadd.f32 $9.999999960e-13, v16;
	(pc) =	sbr.rel @p0 .LBB2_8-.Ltmp7, $4  }
0x1f5: {  	vm0 =	vlt.u32 v14, v2;
	v9 =	vadd.f32 v9, v10;
	v8 =	vadd.f32 $9.999999960e-13, v11  }
0x1f6: {  	v15 =	vshrl.u32 v3, $0x1;
	v11 =	vnsel vm0, $0x0, v12;
	v10 =	vadd.f32 $9.999999960e-13, v17  }
0x1f7: {  	v14 =	vshrl.u32 v4, $0x1;
	v13 =	vmul.f32 $5.000000000e-01, v3;
	v9 =	vadd.f32 v11, v9  }
0x1f8: {  	s19 =	sadd.s32 $0x70, s19;
	v16 =	vshrl.u32 v5, $0x1;
	v12 =	vmul.f32 $5.000000000e-01, v5;
	v11 =	vmul.f32 $5.000000000e-01, v4  }
0x1f9: {  	v17 =	vshrl.u32 v7, $0x1;
	v18 =	vshrl.u32 v6, $0x1;
	v19 =	vmul.f32 $5.000000000e-01, v6  }
0x1fa: {  	v20 =	vshrl.u32 v8, $0x1;
	v21 =	vmul.f32 $5.000000000e-01, v8;
	v22 =	vmul.f32 $5.000000000e-01, v7  }
0x1fb: {  	v23 =	vshrl.u32 v10, $0x1;
	v24 =	vmul.f32 $5.000000000e-01, v10;
	v15 =	vsub.s32 $0x5F3759DF, v15  }
0x1fc: {  	v16 =	vsub.s32 $0x5F3759DF, v16;
	v14 =	vsub.s32 $0x5F3759DF, v14;
	v18 =	vsub.s32 $0x5F3759DF, v18  }
0x1fd: {  	v17 =	vsub.s32 $0x5F3759DF, v17;
	v25 =	vmul.f32 v14, v11;
	v26 =	vmul.f32 v15, v13  }
0x1fe: {  	v20 =	vsub.s32 $0x5F3759DF, v20;
	v28 =	vmul.f32 v16, v12;
	v27 =	vmul.f32 v18, v19  }
0x1ff: {  	v23 =	vsub.s32 $0x5F3759DF, v23;
	v29 =	vmul.f32 v20, v21;
	v30 =	vmul.f32 v17, v22  }
0x200: {  	v31 =	vmul.f32 v23, v24;
	v26 =	vmul.f32 v15, v26  }
0x201: {  	v28 =	vmul.f32 v16, v28;
	v25 =	vmul.f32 v14, v25  }
0x202: {  	v30 =	vmul.f32 v17, v30;
	v27 =	vmul.f32 v18, v27;
	v26 =	vsub.f32 $1.500000000e+00, v26  }
0x203: {  	v31 =	vmul.f32 v23, v31;
	v28 =	vsub.f32 $1.500000000e+00, v28;
	v25 =	vsub.f32 $1.500000000e+00, v25  }
0x204: {  	v29 =	vmul.f32 v20, v29;
	v30 =	vsub.f32 $1.500000000e+00, v30;
	v27 =	vsub.f32 $1.500000000e+00, v27  }
0x205: {  	v31 =	vsub.f32 $1.500000000e+00, v31;
	v14 =	vmul.f32 v14, v25;
	v15 =	vmul.f32 v15, v26  }
0x206: {  	v39 =	vsub.f32 $1.500000000e+00, v29;
	v16 =	vmul.f32 v16, v28;
	v18 =	vmul.f32 v18, v27  }
0x207: {  	v23 =	vmul.f32 v23, v31;
	v17 =	vmul.f32 v17, v30  }
0x208: {  	s18 =	sadd.s32 $0xFFFFFFE0, s17;
	v20 =	vmul.f32 v20, v39;
	v40 =	vmul.f32 v15, v13  }
0x209: {  	s19 =	sadd.s32 $0xFFFFFFD0, s17;
	v41 =	vmov s18;
	v43 =	vmul.f32 v14, v11;
	v42 =	vmul.f32 v23, v24  }
0x20a: {  	s28 =	sadd.s32 $0xFFFFFFC0, s17;
	v44 =	vmov s19;
	v46 =	vmul.f32 v16, v12;
	v45 =	vmul.f32 v18, v19  }
0x20b: {  	s29 =	sadd.s32 $0xFFFFFFB0, s17;
	v32 =	vmov s28;
	v33 =	vmul.f32 v20, v21;
	v27 =	vmul.f32 v42, v23  }
0x20c: {  	v34 =	vmov s29;
	v35 =	vmul.f32 v17, v22;
	v25 =	vmul.f32 v40, v15  }
0x20d: {  	v28 =	vmul.f32 v43, v14;
	v33 =	vmul.f32 v33, v20;
	v27 =	vsub.f32 $1.500000000e+00, v27  }
0x20e: {  	v31 =	vmul.f32 v46, v16;
	v35 =	vmul.f32 v35, v17;
	v25 =	vsub.f32 $1.500000000e+00, v25  }
0x20f: {  	v30 =	vmul.f32 v45, v18;
	v47 =	vsub.f32 $1.500000000e+00, v33;
	v23 =	vmul.f32 v27, v23  }
0x210: {  	v28 =	vsub.f32 $1.500000000e+00, v28;
	v48 =	vsub.f32 $1.500000000e+00, v35;
	v15 =	vmul.f32 v25, v15  }
0x211: {  	v49 =	vsub.f32 $1.500000000e+00, v31;
	v20 =	vmul.f32 v47, v20;
	v24 =	vmul.f32 v23, v24  }
0x212: {  	s30 =	sadd.s32 $0xFFFFFFA0, s17;
	v50 =	vsub.f32 $1.500000000e+00, v30;
	v14 =	vmul.f32 v28, v14;
	v17 =	vmul.f32 v48, v17  }
0x213: {  	v51 =	vmov s30;
	v21 =	vmul.f32 v20, v21;
	v24 =	vmul.f32 v24, v23  }
0x214: {  	vm0 =	vlt.u32 v32, v2;
	v16 =	vmul.f32 v49, v16;
	v18 =	vmul.f32 v50, v18  }
0x215: {  	v22 =	vmul.f32 v17, v22;
	v21 =	vmul.f32 v21, v20;
	v24 =	vsub.f32 $1.500000000e+00, v24  }
0x216: {  	vm1 =	vlt.u32 v34, v2;
	v52 =	vmul.f32 v15, v13;
	v19 =	vmul.f32 v18, v19  }
0x217: {  	v22 =	vmul.f32 v22, v17;
	v21 =	vsub.f32 $1.500000000e+00, v21;
	v23 =	vmul.f32 v24, v23  }
0x218: {  	vm2 =	vlt.u32 v51, v2;
	v53 =	vmul.f32 v16, v12;
	v19 =	vmul.f32 v19, v18  }
0x219: {  	v55 =	vsub.f32 $1.500000000e+00, v22;
	v20 =	vmul.f32 v21, v20;
	v54 =	vmul.f32 v23, v10  }
0x21a: {  	v56 =	vmul.f32 v14, v11;
	v12 =	vmul.f32 v53, v16;
	v19 =	vsub.f32 $1.500000000e+00, v19  }
0x21b: {  	v17 =	vmul.f32 v55, v17;
	v57 =	vmul.f32 v20, v8;
	v10 =	vnsel vm2, $0x0, v54  }
0x21c: {  	v11 =	vmul.f32 v56, v14;
	v58 =	vsub.f32 $1.500000000e+00, v12;
	v9 =	vadd.f32 v10, v9  }
0x21d: {  	v59 =	vmul.f32 v19, v18;
	v7 =	vmul.f32 v17, v7;
	v8 =	vnsel vm1, $0x0, v57  }
0x21e: {  	v61 =	vmul.f32 v52, v15;
	v60 =	vsub.f32 $1.500000000e+00, v11;
	v8 =	vadd.f32 v8, v9  }
0x21f: {  	v6 =	vmul.f32 v59, v6;
	v7 =	vnsel vm0, $0x0, v7;
	v10 =	vmul.f32 v58, v16  }
0x220: {  	vm12 =	vlt.u32 v44, v2;
	v62 =	vsub.f32 $1.500000000e+00, v61;
	v7 =	vadd.f32 v7, v8  }
0x221: {  	s31 =	sadd.s32 $0xFFFFFFF0, s17;
	v6 =	vnsel vm12, $0x0, v6;
	v5 =	vmul.f32 v10, v5;
	v9 =	vmul.f32 v60, v14  }
0x222: {  	v63 =	vmov s31;
	vm13 =	vlt.u32 v41, v2;
	v6 =	vadd.f32 v6, v7  }
0x223: {  	v5 =	vnsel vm13, $0x0, v5;
	v4 =	vmul.f32 v9, v4;
	v7 =	vmul.f32 v62, v15  }
.Ltmp8:
0x224: {  	vm14 =	vlt.u32 v63, v2;
	v5 =	vadd.f32 v5, v6;
	(pc) =	sbr.rel .LBB2_10-.Ltmp8, $4  }
0x225: {  	_ =	swait.ge [sflag:s14], $0x18000;
	v4 =	vnsel vm14, $0x0, v4;
	v6 =	vmov s17;
	v3 =	vmul.f32 v7, v3  }
0x226: {  	[sflag:s14] =	ssyncset.done $0x0;
	vm15 =	vlt.u32 v6, v2;
	v5 =	vadd.f32 v4, v5  }
0x227: {  	[sflag:s14] =	ssyncadd.s32 $0xFFFE8000;
	v3 =	vnsel vm15, $0x0, v3;
	v4 =	vimm.f32 $0.0e+00  }
0x228: {  	s17 =	simm.s32 $0x0;
	[tilespmem:$0x19300] =	vst v4;
	v3 =	vadd.f32 v3, v5  }
.LBB2_14:
0x229: {  	p0 =	sle.f32 s18, $0.0e+00;
	s17 =	sadd.s32 $0x1, s17  }
0x22a: {  	p1 =	sne.s32 s17, $0x10  }
.Ltmp9:
0x22b: {  	v5 =	vimm.f32 @p0 $0.0e+00;
	vm0 =	vcmask @p0 $0x300;
	(pc) =	sbr.rel @!p1 .LBB2_15-.Ltmp9, $3  }
0x22c: {  	v5 =	vsel @p0 vm0, $0x391D4951, v5  }
0x22d: {  	v5 =	vadd.f32 @p0 v5, v4;
	_ =	sdelay $0x1  }
0x22e: {  	[tilespmem:$0x19300] =	vst @p0 v5;
	v4 =	vpsel p0, v5, v4  }
.LBB2_10:
0x22f: {  	v7 =	vmov s17  }
0x230: {  	v5 =	vor.u32 $0xA0, v7;
	_ =	sdelay $0x4  }
0x231: {  	v5 =	vld.idx.msk [tilespmem:v5+s10+$0x0], $0xffff;
	_ =	sdelay $0x4  }
0x232: {  	(xrf0) =	vmax.scan.msk.f32 $0xffff, v5;
	_ =	sdelay $0x5  }
0x233: {  	v5, _, _ =	vpop (xrf0)  }
0x234: {  	(v2sf) =	vpush v5, $0xF;
	_ =	sdelay $0xe  }
0x235: {  	s18 =	spop (v2sf)  }
0x236: {  	p0 =	sgt.f32 s18, $0.0e+00  }
.Ltmp10:
0x237: {  	_ = 	snop;
	(pc) =	sbr.rel @!p0 .LBB2_14-.Ltmp10, $1  }
0x238: {  	_ =	sdelay $0x3  }
0x239: {  	v6 =	vor.u32 $0x20, v7  }
0x23a: {  	v15 =	vor.u32 $0x30, v7  }
0x23b: {  	v5 =	vor.u32 $0x10, v7;
	_ =	sdelay $0x2  }
0x23c: {  	v8 =	vld.idx.msk [tilespmem:v6+s13+$0x0], $0xffff  }
0x23d: {  	v9 =	vld.idx.msk [tilespmem:v15+s13+$0x0], $0xffff  }
0x23e: {  	v10 =	vld.idx.msk [tilespmem:v5+s13+$0x0], $0xffff;
	_ =	sdelay $0x2  }
0x23f: {  	v11 =	vld.idx.msk [tilespmem:v7+s13+$0x0], $0xffff  }
0x240: {  	v12 =	vadd.f32 v8, v8  }
0x241: {  	v4 =	vld.idx.msk [tilespmem:v7+s10+$0x0], $0xffff;
	s19 =	simm.s32 $0x19130;
	v13 =	vadd.f32 v9, v9;
	v14 =	vadd.f32 v10, v10  }
0x242: {  	v17 =	vld [tilespmem:s19+$0x0];
	v18 =	vmul.f32 v12, v8  }
0x243: {  	v21 =	vld [tilespmem:s19+$0xFFFFFF60];
	v16 =	vmul.f32 v13, v9;
	v20 =	vmul.f32 v14, v10  }
0x244: {  	v24 =	vld [tilespmem:s19+$0xA0];
	v22 =	vmul.f32 v12, v10;
	v23 =	vmul.f32 v13, v11  }
0x245: {  	v5 =	vld.idx.msk [tilespmem:v5+s10+$0x0], $0xffff;
	v25 =	vmul.f32 v13, v10;
	v26 =	vmul.f32 v12, v11  }
0x246: {  	v6 =	vld.idx.msk [tilespmem:v6+s10+$0x0], $0xffff;
	v27 =	vmul.f32 v13, v8;
	v28 =	vmul.f32 v14, v11;
	v9 =	vadd.f32 v16, v18  }
0x247: {  	v19 =	vor.u32 $0x40, v7;
	v10 =	vadd.f32 v25, v26;
	v12 =	vadd.f32 v16, v20  }
0x248: {  	v7 =	vor.u32 $0x50, v7;
	v11 =	vadd.f32 v23, v22;
	v13 =	vsub.f32 v27, v28  }
0x249: {  	s26 =	simm.s32 $0x19150;
	v21 =	vmul.f32 v21, v4;
	v14 =	vsub.f32 v25, v26;
	v16 =	vld.idx.msk [tilespmem:v15+s10+$0x0], $0xffff;
	v15 =	vadd.f32 v18, v20  }
0x24a: {  	v29 =	vld [tilespmem:s26+$0x0];
	v8 =	vsub.f32 $1.000000000e+00, v9;
	v9 =	vsub.f32 v22, v23;
	v22 =	vmul.f32 v17, v5  }
0x24b: {  	v32 =	vld [tilespmem:s26+$0xFFFFFF50];
	v12 =	vsub.f32 $1.000000000e+00, v12;
	v23 =	vmul.f32 v24, v6;
	v26 =	vmul.f32 v21, v11  }
0x24c: {  	v34 =	vld [tilespmem:s26+$0xFFFFFF60];
	v17 =	vadd.f32 v27, v28;
	v24 =	vmul.f32 v22, v9;
	v25 =	vmul.f32 v21, v8  }
0x24d: {  	v18 =	vld.idx.msk [tilespmem:v19+s10+$0x0], $0xffff;
	v19 =	vsub.f32 $1.000000000e+00, v15;
	v15 =	vmul.f32 v21, v14;
	v20 =	vmul.f32 v22, v12  }
0x24e: {  	v38 =	vld [tilespmem:s26+$0xA0];
	v21 =	vmul.f32 v22, v17;
	v24 =	vadd.f32 v24, v25;
	v25 =	vmul.f32 v23, v10  }
0x24f: {  	v22 =	vadd.f32 v20, v26;
	v26 =	vmul.f32 v23, v13;
	v20 =	vld.idx.msk [tilespmem:v7+s10+$0x0], $0xffff  }
0x250: {  	v27 =	vld [tilespmem:s19+$0xFFFFFFF0];
	v7 =	vmul.f32 v23, v19;
	v15 =	vadd.f32 v21, v15;
	v24 =	vadd.f32 v25, v24  }
0x251: {  	v32 =	vmul.f32 v32, v4;
	v34 =	vmul.f32 v34, v4;
	v21 =	vadd.f32 v26, v22  }
0x252: {  	v29 =	vmul.f32 v29, v5;
	v7 =	vadd.f32 v7, v15;
	v23 =	vadd.f32 v24, v16  }
0x253: {  	v54 =	vmul.f32 v38, v6;
	v38 =	vmul.f32 v32, v11;
	v21 =	vadd.f32 v21, v18  }
0x254: {  	v57 =	vmul.f32 v34, v11;
	v22 =	vadd.f32 v7, v20;
	v15 =	vadd.f32 $5.000000000e-01, v23  }
0x255: {  	v58 =	vmul.f32 v54, v13;
	v27 =	vmul.f32 v27, v5;
	v7 =	vadd.f32 $5.000000000e-01, v21  }
0x256: {  	v55 =	vmul.f32 v29, v12;
	v25 =	vld [tilespmem:s19+$0xFFFFFF50];
	v24 =	vadd.f32 $5.000000000e-01, v22;
	v15 =	vmul.f32 $3.200000000e+01, v15  }
0x257: {  	v33 =	vmul.f32 v27, v17;
	v7 =	vmul.f32 $3.200000000e+01, v7  }
0x258: {  	v24 =	vmul.f32 $3.200000000e+01, v24;
	v15 =	vtrunc.f32 v15  }
0x259: {  	v7 =	vtrunc.f32 v7;
	v15 =	vcvt.f32.s32 v15  }
0x25a: {  	v35 =	vmul.f32 v27, v12;
	v7 =	vcvt.f32.s32 v7  }
0x25b: {  	v25 =	vmul.f32 v25, v4;
	v24 =	vtrunc.f32 v24;
	vm0 =	vgt.s32 v15, $0x0  }
0x25c: {  	v26 =	vld [tilespmem:s19+$0x90];
	v24 =	vcvt.f32.s32 v24;
	vm4 =	vgt.s32 v7, $0x0;
	v15 =	vnsel vm0, $0x0, v15  }
0x25d: {  	v30 =	vmul.f32 v25, v11;
	v7 =	vnsel vm4, $0x0, v7;
	v15 =	vmin.u32 v15, $0x1F  }
0x25e: {  	vm5 =	vgt.s32 v24, $0x0;
	v7 =	vmin.u32 v7, $0x1F;
	v15 =	vmul.u32 $0xC00, v15  }
0x25f: {  	v36 =	vld [tilespmem:s26+$0x90];
	v31 =	vmul.f32 v25, v8;
	v24 =	vnsel vm5, $0x0, v24;
	v7 =	vshll.u32 v7, $0x5  }
0x260: {  	v53 =	vld [tilespmem:s26+$0xFFFFFFF0];
	v25 =	vmul.f32 v25, v14;
	v24 =	vmin.u32 v24, $0x1F;
	v15 =	vor.u32 v7, v15  }
0x261: {  	v7 =	vmul.f32 v26, v6;
	v24 =	vor.u32 v24, v15;
	v26 =	vadd.s32 $0x800, v15  }
0x262: {  	v27 =	vmul.f32 v27, v9;
	v28 =	vand.u32 $0x7F, v24;
	v26 =	vand.u32 $0x3FF80, v26  }
0x263: {  	v56 =	vmul.f32 v34, v8;
	v25 =	vadd.f32 v33, v25;
	v26 =	vor.u32 v28, v26  }
0x264: {  	v27 =	vadd.f32 v27, v31;
	v37 =	vmul.f32 v7, v10;
	v52 =	vmul.f32 v7, v19  }
0x265: {  	v30 =	vadd.f32 v35, v30;
	v35 =	vmul.f32 v36, v6;
	v33 =	vmul.f32 v53, v5  }
0x266: {  	v15 =	vadd.s32 $0x400, v15;
	v25 =	vadd.f32 v52, v25;
	v27 =	vadd.f32 v37, v27  }
0x267: {  	v36 =	vmul.f32 v54, v19;
	v49 =	vmul.f32 v33, v17;
	v15 =	vand.u32 $0x3FF80, v15  }
0x268: {  	v28 =	vor.u32 v28, v15;
	v27 =	vadd.f32 v27, v16;
	v25 =	vadd.f32 v25, v20;
	v26 =	vld.idx.msk [tilespmem:v26+s2+$0x0], $0xffff  }
0x269: {  	v51 =	vmul.f32 v35, v13;
	v39 =	vmul.f32 v7, v13;
	v31 =	vld.idx.msk [tilespmem:v24+s2+$0x0], $0xffff  }
0x26a: {  	v7 =	vimm.f32 $0.0e+00;
	v42 =	vadd.f32 $5.000000000e-01, v25;
	v43 =	vadd.f32 $5.000000000e-01, v27  }
0x26b: {  	v30 =	vadd.f32 v39, v30;
	v52 =	vmul.f32 v33, v12;
	v33 =	vmul.f32 v33, v9  }
0x26c: {  	v37 =	vadd.f32 v55, v57;
	v42 =	vmul.f32 $3.200000000e+01, v42;
	v43 =	vmul.f32 $3.200000000e+01, v43  }
0x26d: {  	v30 =	vadd.f32 v30, v18;
	v28 =	vld.idx.msk [tilespmem:v28+s2+$0x0], $0xffff;
	v15 =	vsub.f32 v22, v26;
	v26 =	vmul.f32 v29, v9  }
0x26e: {  	v23 =	vsub.f32 v23, v31;
	v60 =	vtrunc.f32 v42;
	v61 =	vtrunc.f32 v43  }
0x26f: {  	s20 =	simm.s32 $0x0;
	v31 =	vmul.f32 v15, v15;
	v15 =	vadd.f32 v26, v56;
	v26 =	vmul.f32 v54, v10  }
0x270: {  	v24 =	vmov s20;
	v40 =	vmul.f32 v23, v23;
	v23 =	vmul.f32 v34, v14  }
0x271: {  	v15 =	vadd.f32 v26, v15;
	v26 =	vmul.f32 v29, v17;
	v29 =	vadd.f32 $5.000000000e-01, v30  }
0x272: {  	v22 =	vmul.f32 v35, v10;
	v39 =	vcvt.f32.s32 v60;
	v21 =	vsub.f32 v21, v28  }
0x273: {  	v41 =	vadd.f32 v15, v16;
	v23 =	vadd.f32 v26, v23;
	v26 =	vmul.f32 $3.200000000e+01, v29  }
0x274: {  	v34 =	vadd.f32 v58, v37;
	vm7 =	vgt.s32 v39, $0x0;
	v21 =	vmul.f32 v21, v21  }
0x275: {  	v39 =	vnsel vm7, $0x0, v39;
	v44 =	vadd.f32 $5.000000000e-01, v41;
	v26 =	vtrunc.f32 v26  }
0x276: {  	v23 =	vadd.f32 v36, v23;
	v36 =	vcvt.f32.s32 v61;
	v26 =	vcvt.f32.s32 v26  }
0x277: {  	v39 =	vmin.u32 v39, $0x1F;
	v21 =	vadd.f32 v21, v40;
	v59 =	vmul.f32 $3.200000000e+01, v44  }
0x278: {  	v42 =	vadd.f32 v23, v20;
	vm2 =	vgt.s32 v36, $0x0;
	vm6 =	vgt.s32 v26, $0x0  }
0x279: {  	v36 =	vnsel vm2, $0x0, v36;
	v23 =	vtrunc.f32 v59;
	v26 =	vnsel vm6, $0x0, v26  }
0x27a: {  	v36 =	vmin.u32 v36, $0x1F;
	v62 =	vcvt.f32.s32 v23;
	v23 =	vadd.f32 v34, v18  }
0x27b: {  	v29 =	vmul.f32 v32, v14;
	v26 =	vmin.u32 v26, $0x1F;
	v36 =	vmul.u32 $0xC00, v36  }
0x27c: {  	v21 =	vadd.f32 v21, v31;
	v26 =	vshll.u32 v26, $0x5;
	v46 =	vadd.f32 $5.000000000e-01, v23  }
0x27d: {  	v32 =	vmul.f32 v32, v8;
	v63 =	vadd.f32 $5.000000000e-01, v42;
	v26 =	vor.u32 v26, v36  }
0x27e: {  	v29 =	vadd.f32 v49, v29;
	v36 =	vor.u32 v39, v26;
	v37 =	vmul.f32 $3.200000000e+01, v46  }
0x27f: {  	v28 =	vmul.f32 $3.200000000e+01, v63;
	v47 =	vadd.s32 $0x400, v26;
	v26 =	vadd.s32 $0x800, v26  }
0x280: {  	s29 =	simm.s32 $0x19170;
	v48 =	vand.u32 $0x7F, v36;
	v26 =	vand.u32 $0x3FF80, v26;
	v37 =	vtrunc.f32 v37  }
0x281: {  	v56 =	vld [tilespmem:s29+$0x0];
	vm1 =	vgt.s32 v62, $0x0;
	v26 =	vor.u32 v48, v26;
	v37 =	vcvt.f32.s32 v37  }
0x282: {  	v57 =	vld [tilespmem:s29+$0xFFFFFF50];
	v45 =	vnsel vm1, $0x0, v62;
	v28 =	vtrunc.f32 v28;
	v39 =	vand.u32 $0x3FF80, v47  }
0x283: {  	v28 =	vcvt.f32.s32 v28;
	v39 =	vor.u32 v48, v39;
	v36 =	vld.idx.msk [tilespmem:v36+s2+$0x0], $0xffff;
	vm8 =	vgt.s32 v37, $0x0  }
0x284: {  	v32 =	vadd.f32 v33, v32;
	v34 =	vmin.u32 v45, $0x1F;
	v37 =	vnsel vm8, $0x0, v37  }
0x285: {  	v59 =	vld [tilespmem:s29+$0xA0];
	v34 =	vmul.u32 $0xC00, v34;
	vm9 =	vgt.s32 v28, $0x0;
	v31 =	vmin.u32 v37, $0x1F  }
0x286: {  	v61 =	vmul.f32 v56, v5;
	v28 =	vnsel vm9, $0x0, v28;
	v26 =	vld.idx.msk [tilespmem:v26+s2+$0x0], $0xffff;
	v37 =	vshll.u32 v31, $0x5  }
0x287: {  	v28 =	vmin.u32 v28, $0x1F;
	v31 =	vadd.f32 $9.999999960e-13, v21;
	v34 =	vor.u32 v37, v34  }
0x288: {  	v63 =	vmul.f32 v57, v4;
	v21 =	vld.idx.msk [tilespmem:v39+s2+$0x0], $0xffff;
	v27 =	vsub.f32 v27, v36;
	v28 =	vor.u32 v28, v34  }
0x289: {  	v50 =	vshrl.u32 v31, $0x1;
	v40 =	vmul.f32 $5.000000000e-01, v31;
	v45 =	vadd.s32 $0x800, v34  }
0x28a: {  	v58 =	vadd.s32 $0x400, v34;
	v34 =	vmul.f32 v59, v6;
	v37 =	vsub.s32 $0x5F3759DF, v50  }
0x28b: {  	v25 =	vsub.f32 v25, v26;
	v26 =	vmul.f32 v27, v27;
	v27 =	vmul.f32 v35, v19  }
0x28c: {  	v60 =	vld [tilespmem:s29+$0xFFFFFF60];
	v54 =	vand.u32 $0x3FF80, v45;
	v45 =	vmul.f32 v63, v11;
	v53 =	vmul.f32 v37, v40  }
0x28d: {  	v35 =	vmul.f32 v61, v17;
	v44 =	vmul.f32 v34, v13;
	v21 =	vsub.f32 v30, v21  }
0x28e: {  	v30 =	vand.u32 $0x7F, v28;
	v27 =	vadd.f32 v27, v29;
	v29 =	vld [tilespmem:s29+$0x90];
	v39 =	vmul.f32 v37, v53  }
0x28f: {  	v59 =	vmul.f32 v34, v19;
	v55 =	vor.u32 v30, v54;
	v21 =	vmul.f32 v21, v21  }
0x290: {  	v34 =	vmul.f32 v34, v10;
	v25 =	vmul.f32 v25, v25;
	v39 =	vsub.f32 $1.500000000e+00, v39  }
0x291: {  	v28 =	vld.idx.msk [tilespmem:v28+s2+$0x0], $0xffff;
	v21 =	vadd.f32 v21, v26;
	v26 =	vadd.f32 v52, v38;
	v38 =	vmul.f32 v60, v4  }
0x292: {  	v32 =	vadd.f32 v22, v32;
	v60 =	vmul.f32 v63, v14;
	v37 =	vmul.f32 v37, v39  }
0x293: {  	v29 =	vmul.f32 v29, v6;
	v21 =	vadd.f32 v21, v25;
	v26 =	vadd.f32 v51, v26  }
0x294: {  	v25 =	vand.u32 $0x3FF80, v58;
	v22 =	vld.idx.msk [tilespmem:v55+s2+$0x0], $0xffff;
	v55 =	vmul.f32 v61, v12;
	v58 =	vmul.f32 v61, v9  }
0x295: {  	v39 =	vmul.f32 v37, v40;
	v30 =	vor.u32 v30, v25;
	v46 =	vmul.f32 v29, v10  }
0x296: {  	v25 =	vld [tilespmem:s29+$0xFFFFFFF0];
	v28 =	vsub.f32 v41, v28;
	v47 =	vmul.f32 v29, v13;
	v29 =	vmul.f32 v29, v19  }
0x297: {  	s28 =	simm.s32 $0x20;
	v33 =	vadd.f32 $9.999999960e-13, v21;
	v50 =	vadd.f32 v26, v18;
	v62 =	vmul.f32 v39, v37  }
0x298: {  	v15 =	vmov s28;
	v49 =	vmul.f32 v28, v28;
	v28 =	vmul.f32 v38, v14  }
0x299: {  	v41 =	vmul.f32 $5.000000000e-01, v33;
	v54 =	vshrl.u32 v33, $0x1;
	v52 =	vadd.f32 $5.000000000e-01, v50  }
0x29a: {  	v36 =	vsub.f32 $1.500000000e+00, v62;
	v42 =	vsub.f32 v42, v22;
	v22 =	vadd.s32 $0x96, v0  }
0x29b: {  	v56 =	vsub.s32 $0x5F3759DF, v54;
	v57 =	vmul.f32 v25, v5;
	vm10 =	vlt.u32 v24, v22  }
0x29c: {  	v24 =	vmul.f32 v38, v11;
	v25 =	vadd.f32 v27, v20;
	v27 =	vmul.f32 v38, v8  }
0x29d: {  	v48 =	vadd.f32 v32, v16;
	v26 =	vmul.f32 v56, v41;
	v38 =	vmul.f32 v63, v8  }
0x29e: {  	v28 =	vadd.f32 v35, v28;
	v62 =	vmul.f32 $3.200000000e+01, v52;
	v36 =	vmul.f32 v36, v37  }
0x29f: {  	v42 =	vmul.f32 v42, v42;
	v24 =	vadd.f32 v55, v24;
	v27 =	vadd.f32 v58, v27  }
0x2a0: {  	v30 =	vld.idx.msk [tilespmem:v30+s2+$0x0], $0xffff;
	v51 =	vadd.f32 $5.000000000e-01, v25;
	v26 =	vmul.f32 v56, v26;
	v61 =	vmul.f32 v57, v17  }
0x2a1: {  	v63 =	vmul.f32 v57, v12;
	v32 =	vmul.f32 v36, v40;
	v40 =	vadd.f32 v59, v28  }
0x2a2: {  	v43 =	vmul.f32 v57, v9;
	v26 =	vsub.f32 $1.500000000e+00, v26;
	v27 =	vadd.f32 v34, v27  }
0x2a3: {  	v51 =	vmul.f32 $3.200000000e+01, v51;
	v35 =	vadd.f32 v61, v60;
	v34 =	vtrunc.f32 v62  }
0x2a4: {  	v24 =	vadd.f32 v44, v24;
	v38 =	vadd.f32 v43, v38;
	v32 =	vmul.f32 v32, v36  }
0x2a5: {  	v34 =	vcvt.f32.s32 v34;
	v23 =	vsub.f32 v23, v30;
	v27 =	vadd.f32 v27, v16  }
0x2a6: {  	v37 =	vmul.f32 v56, v26;
	v26 =	vadd.f32 $5.000000000e-01, v48;
	v56 =	vadd.f32 v63, v45  }
0x2a7: {  	v28 =	vadd.f32 v29, v35;
	v29 =	vtrunc.f32 v51;
	v24 =	vadd.f32 v24, v18  }
0x2a8: {  	v30 =	vadd.f32 v46, v38;
	v61 =	vcvt.f32.s32 v29;
	vm11 =	vgt.s32 v34, $0x0  }
0x2a9: {  	v32 =	vsub.f32 $1.500000000e+00, v32;
	v23 =	vmul.f32 v23, v23;
	v57 =	vadd.f32 $5.000000000e-01, v27  }
0x2aa: {  	v58 =	vmul.f32 v37, v41;
	v60 =	vmul.f32 $3.200000000e+01, v26;
	v26 =	vadd.f32 v40, v20  }
0x2ab: {  	v29 =	vadd.f32 v47, v56;
	v52 =	vadd.f32 $5.000000000e-01, v24;
	v34 =	vnsel vm11, $0x0, v34  }
0x2ac: {  	vm3 =	vgt.s32 v61, $0x0;
	v34 =	vmin.u32 v34, $0x1F;
	v32 =	vmul.f32 v32, v36  }
0x2ad: {  	v23 =	vadd.f32 v23, v49;
	v59 =	vmul.f32 $3.200000000e+01, v57;
	v62 =	vtrunc.f32 v60  }
0x2ae: {  	v63 =	vmul.f32 v58, v37;
	v51 =	vadd.f32 $5.000000000e-01, v26;
	v40 =	vnsel vm3, $0x0, v61  }
0x2af: {  	v34 =	vshll.u32 v34, $0x5;
	v55 =	vmul.f32 $3.200000000e+01, v52;
	v39 =	vcvt.f32.s32 v62  }
0x2b0: {  	v40 =	vmin.u32 v40, $0x1F;
	v23 =	vadd.f32 v23, v42;
	v32 =	vmul.f32 v32, v31  }
0x2b1: {  	v35 =	vtrunc.f32 v59;
	v43 =	vsub.f32 $1.500000000e+00, v63;
	vm13 =	vgt.s32 v39, $0x0  }
0x2b2: {  	v44 =	vmul.f32 $3.200000000e+01, v51;
	v35 =	vcvt.f32.s32 v35;
	v39 =	vnsel vm13, $0x0, v39  }
0x2b3: {  	v23 =	vadd.f32 $9.999999960e-13, v23;
	v37 =	vmul.f32 v43, v37;
	v39 =	vmin.u32 v39, $0x1F  }
0x2b4: {  	v43 =	vtrunc.f32 v55;
	vm12 =	vgt.s32 v35, $0x0;
	v53 =	vmul.u32 $0xC00, v39  }
0x2b5: {  	v54 =	vtrunc.f32 v44;
	v43 =	vcvt.f32.s32 v43;
	v35 =	vnsel vm12, $0x0, v35  }
0x2b6: {  	v39 =	vcvt.f32.s32 v54;
	v41 =	vmul.f32 v37, v41;
	v34 =	vor.u32 v34, v53  }
0x2b7: {  	v38 =	vor.u32 v40, v34;
	v56 =	vadd.s32 $0x800, v34;
	v34 =	vadd.s32 $0x400, v34  }
0x2b8: {  	v35 =	vmin.u32 v35, $0x1F;
	v57 =	vand.u32 $0x7F, v38;
	v34 =	vand.u32 $0x3FF80, v34  }
0x2b9: {  	vm15 =	vgt.s32 v43, $0x0;
	vm14 =	vgt.s32 v39, $0x0;
	v34 =	vor.u32 v57, v34  }
0x2ba: {  	v43 =	vnsel vm15, $0x0, v43;
	v35 =	vmul.u32 $0xC00, v35;
	v40 =	vand.u32 $0x3FF80, v56  }
0x2bb: {  	v41 =	vmul.f32 v41, v37;
	v58 =	vmin.u32 v43, $0x1F;
	v40 =	vor.u32 v57, v40  }
0x2bc: {  	v60 =	vshrl.u32 v23, $0x1;
	v39 =	vnsel vm14, $0x0, v39;
	v36 =	vshll.u32 v58, $0x5  }
0x2bd: {  	s30 =	simm.s32 $0x40;
	v31 =	vmin.u32 v39, $0x1F;
	v59 =	vsub.f32 $1.500000000e+00, v41;
	v35 =	vor.u32 v36, v35;
	v38 =	vld.idx.msk [tilespmem:v38+s2+$0x0], $0xffff  }
0x2be: {  	v21 =	vmov s30;
	v36 =	vsub.s32 $0x5F3759DF, v60;
	v39 =	vor.u32 v31, v35;
	v34 =	vld.idx.msk [tilespmem:v34+s2+$0x0], $0xffff  }
0x2bf: {  	v31 =	vadd.s32 $0x400, v35;
	v35 =	vadd.s32 $0x800, v35;
	v62 =	vmul.f32 v59, v37  }
0x2c0: {  	v61 =	vand.u32 $0x3FF80, v31;
	v63 =	vand.u32 $0x7F, v39;
	v31 =	vmul.f32 $5.000000000e-01, v23;
	v41 =	vld.idx.msk [tilespmem:v40+s2+$0x0], $0xffff  }
0x2c1: {  	s31 =	simm.s32 $0x10;
	v35 =	vand.u32 $0x3FF80, v35;
	v37 =	vor.u32 v63, v61;
	v43 =	vmul.f32 v62, v33  }
0x2c2: {  	s21 =	simm.s32 $0x70;
	v33 =	vmov s31;
	v42 =	vsub.f32 v48, v38;
	v38 =	vmul.f32 v36, v31  }
0x2c3: {  	s22 =	simm.s32 $0x19190;
	s19 =	simm.s32 $0x50;
	s20 =	simm.s32 $0x30;
	v40 =	vor.u32 v63, v35;
	v39 =	vld.idx.msk [tilespmem:v39+s2+$0x0], $0xffff;
	v35 =	vsub.f32 v50, v34;
	v34 =	vnsel vm10, $0x0, v43  }
.LBB2_12:
0x2c4: {  	v43 =	vld [tilespmem:s22+$0x0];
	p0 =	sne.s32 s21, $0x90;
	v38 =	vmul.f32 v36, v38;
	v7 =	vadd.f32 v34, v7;
	vm0 =	vlt.u32 v33, v22;
	s23 =	smov.u32 s21;
	s21 =	sadd.s32 $0x20, s21  }
0x2c5: {  	v25 =	vsub.f32 v25, v41;
	v33 =	vmul.f32 v42, v42;
	s24 =	sadd.s32 $0xFFFFFFF0, s23;
	v34 =	vld [tilespmem:s22+$0xFFFFFF50];
	v35 =	vmul.f32 v35, v35  }
0x2c6: {  	v32 =	vnsel vm0, $0x0, v32;
	v41 =	vmov s24;
	v42 =	vld [tilespmem:s22+$0xFFFFFF60];
	v38 =	vsub.f32 $1.500000000e+00, v38  }
0x2c7: {  	v25 =	vmul.f32 v25, v25;
	v7 =	vadd.f32 v32, v7;
	v44 =	vld [tilespmem:s22+$0x90];
	v33 =	vadd.f32 v35, v33  }
0x2c8: {  	v35 =	vld [tilespmem:s22+$0xA0];
	v36 =	vmul.f32 v36, v38  }
0x2c9: {  	v27 =	vsub.f32 v27, v39;
	v25 =	vadd.f32 v33, v25  }
0x2ca: {  	v38 =	vld.idx.msk [tilespmem:v40+s2+$0x0], $0xffff;
	v32 =	vmul.f32 v36, v31  }
0x2cb: {  	v40 =	vmul.f32 v43, v5;
	v39 =	vld [tilespmem:s22+$0xFFFFFFF0];
	v33 =	vadd.f32 $9.999999960e-13, v25  }
0x2cc: {  	v25 =	vmul.f32 v32, v36  }
0x2cd: {  	v43 =	vmul.f32 v34, v4;
	v34 =	vshrl.u32 v33, $0x1;
	v32 =	vmul.f32 $5.000000000e-01, v33  }
0x2ce: {  	v44 =	vmul.f32 v44, v6;
	v45 =	vmul.f32 v35, v6;
	v25 =	vsub.f32 $1.500000000e+00, v25  }
0x2cf: {  	v35 =	vmul.f32 v42, v4;
	v42 =	vmul.f32 v40, v12;
	v46 =	vsub.s32 $0x5F3759DF, v34  }
0x2d0: {  	v47 =	vmul.f32 v43, v11;
	v26 =	vsub.f32 v26, v38;
	v48 =	vld.idx.msk [tilespmem:v37+s2+$0x0], $0xffff;
	v36 =	vmul.f32 v25, v36  }
0x2d1: {  	v38 =	vmul.f32 v39, v5;
	v39 =	vmul.f32 v44, v10  }
0x2d2: {  	vm0 =	vlt.u32 v15, v22;
	v15 =	vmovc v21;
	v49 =	vmul.f32 v44, v13;
	v37 =	vmul.f32 v26, v26  }
0x2d3: {  	v21 =	vmovc v41;
	v34 =	vadd.f32 v30, v16;
	v26 =	vmul.f32 v35, v11;
	v30 =	vmul.f32 v36, v31  }
0x2d4: {  	v41 =	vmul.f32 v27, v27;
	v25 =	vadd.f32 v28, v20;
	v31 =	vmul.f32 v40, v9  }
0x2d5: {  	v27 =	vmul.f32 v35, v8;
	v26 =	vadd.f32 v42, v26;
	v42 =	vmul.f32 v45, v13  }
0x2d6: {  	v28 =	vmul.f32 v35, v14;
	v35 =	vadd.f32 v29, v18;
	v29 =	vmul.f32 v46, v32  }
0x2d7: {  	v50 =	vmul.f32 v43, v8;
	v27 =	vadd.f32 v31, v27;
	v31 =	vmul.f32 v40, v17  }
0x2d8: {  	v51 =	vadd.f32 $5.000000000e-01, v25;
	v29 =	vmul.f32 v46, v29;
	v40 =	vmul.f32 v45, v19  }
0x2d9: {  	v45 =	vmul.f32 v45, v10;
	v28 =	vadd.f32 v31, v28;
	v31 =	vadd.f32 $5.000000000e-01, v35  }
0x2da: {  	v43 =	vmul.f32 v43, v14;
	v52 =	vmul.f32 v38, v17;
	v29 =	vsub.f32 $1.500000000e+00, v29  }
0x2db: {  	v27 =	vadd.f32 v45, v27;
	v45 =	vmul.f32 $3.200000000e+01, v51;
	v31 =	vmul.f32 $3.200000000e+01, v31  }
0x2dc: {  	v43 =	vadd.f32 v52, v43;
	v51 =	vmul.f32 v38, v12;
	v46 =	vmul.f32 v46, v29  }
0x2dd: {  	v29 =	vmul.f32 v44, v19;
	v44 =	vadd.f32 $5.000000000e-01, v34;
	v27 =	vadd.f32 v27, v16  }
0x2de: {  	v47 =	vadd.f32 v51, v47;
	v40 =	vadd.f32 v40, v28;
	v31 =	vtrunc.f32 v31  }
0x2df: {  	v38 =	vmul.f32 v38, v9;
	v52 =	vmul.f32 v46, v32;
	v51 =	vadd.f32 $5.000000000e-01, v27  }
0x2e0: {  	v28 =	vadd.f32 v29, v43;
	v29 =	vtrunc.f32 v45;
	v43 =	vmul.f32 v30, v36  }
0x2e1: {  	v30 =	vadd.f32 v42, v26;
	v44 =	vmul.f32 $3.200000000e+01, v44;
	v42 =	vmul.f32 $3.200000000e+01, v51  }
0x2e2: {  	v26 =	vadd.f32 v40, v20;
	v40 =	vcvt.f32.s32 v29;
	v31 =	vcvt.f32.s32 v31  }
0x2e3: {  	v29 =	vadd.f32 v49, v47;
	v44 =	vtrunc.f32 v44;
	v42 =	vtrunc.f32 v42  }
0x2e4: {  	v38 =	vadd.f32 v38, v50;
	v45 =	vmul.f32 v52, v46;
	v42 =	vcvt.f32.s32 v42  }
0x2e5: {  	v47 =	vadd.f32 $5.000000000e-01, v26;
	v44 =	vcvt.f32.s32 v44;
	vm1 =	vgt.s32 v31, $0x0  }
0x2e6: {  	v30 =	vadd.f32 v30, v18;
	v45 =	vsub.f32 $1.500000000e+00, v45;
	vm2 =	vgt.s32 v42, $0x0  }
0x2e7: {  	vm3 =	vgt.s32 v40, $0x0;
	v42 =	vnsel vm2, $0x0, v42;
	vm2 =	vgt.s32 v44, $0x0  }
0x2e8: {  	v49 =	vadd.f32 $5.000000000e-01, v30;
	v40 =	vnsel vm3, $0x0, v40;
	v31 =	vnsel vm1, $0x0, v31  }
0x2e9: {  	v48 =	vsub.f32 v24, v48;
	v24 =	vmovc v30;
	v31 =	vmin.u32 v31, $0x1F;
	v44 =	vnsel vm2, $0x0, v44  }
0x2ea: {  	v47 =	vmul.f32 $3.200000000e+01, v47;
	v45 =	vmul.f32 v45, v46;
	v44 =	vmin.u32 v44, $0x1F  }
0x2eb: {  	v30 =	vadd.f32 v39, v38;
	v39 =	vsub.f32 $1.500000000e+00, v43;
	v38 =	vmul.u32 $0xC00, v44  }
0x2ec: {  	v40 =	vmin.u32 v40, $0x1F;
	v43 =	vtrunc.f32 v47;
	v31 =	vshll.u32 v31, $0x5  }
0x2ed: {  	v43 =	vcvt.f32.s32 v43;
	v44 =	vmul.f32 $3.200000000e+01, v49;
	v31 =	vor.u32 v31, v38  }
0x2ee: {  	v46 =	vmul.f32 v48, v48;
	v38 =	vor.u32 v40, v31;
	v40 =	vadd.s32 $0x800, v31  }
0x2ef: {  	vm1 =	vgt.s32 v43, $0x0;
	v44 =	vtrunc.f32 v44;
	v31 =	vadd.s32 $0x400, v31  }
0x2f0: {  	v43 =	vnsel vm1, $0x0, v43;
	v44 =	vcvt.f32.s32 v44;
	v47 =	vand.u32 $0x7F, v38  }
0x2f1: {  	v42 =	vmin.u32 v42, $0x1F;
	v31 =	vand.u32 $0x3FF80, v31;
	v40 =	vand.u32 $0x3FF80, v40  }
0x2f2: {  	v41 =	vadd.f32 v46, v41;
	vm1 =	vgt.s32 v44, $0x0;
	v31 =	vor.u32 v47, v31  }
0x2f3: {  	v32 =	vmul.f32 v45, v32;
	v40 =	vor.u32 v47, v40;
	v44 =	vnsel vm1, $0x0, v44  }
0x2f4: {  	v36 =	vmul.f32 v39, v36;
	v37 =	vadd.f32 v41, v37;
	v44 =	vmin.u32 v44, $0x1F  }
0x2f5: {  	v39 =	vmul.u32 $0xC00, v42;
	v42 =	vmul.f32 v32, v45;
	v41 =	vshll.u32 v44, $0x5;
	v38 =	vld.idx.msk [tilespmem:v38+s2+$0x0], $0xffff  }
0x2f6: {  	v32 =	vmul.f32 v36, v23;
	v23 =	vadd.f32 $9.999999960e-13, v37  }
0x2f7: {  	v36 =	vmin.u32 v43, $0x1F;
	v37 =	vor.u32 v41, v39;
	v43 =	vld.idx.msk [tilespmem:v31+s2+$0x0], $0xffff;
	v31 =	vsub.f32 $1.500000000e+00, v42  }
0x2f8: {  	v39 =	vor.u32 v36, v37;
	v36 =	vadd.s32 $0x400, v37;
	v42 =	vshrl.u32 v23, $0x1  }
.Ltmp11:
0x2f9: {  	v46 =	vadd.s32 $0x800, v37;
	v44 =	vand.u32 $0x3FF80, v36;
	v41 =	vld.idx.msk [tilespmem:v40+s2+$0x0], $0xffff;
	v40 =	vmul.f32 v31, v45;
	(pc) =	sbr.rel @p0 .LBB2_12-.Ltmp11, $4  }
0x2fa: {  	v36 =	vsub.s32 $0x5F3759DF, v42;
	v45 =	vand.u32 $0x7F, v39;
	v31 =	vmul.f32 $5.000000000e-01, v23  }
0x2fb: {  	v37 =	vor.u32 v45, v44;
	v42 =	vsub.f32 v34, v38;
	v34 =	vmul.f32 v40, v33  }
0x2fc: {  	v40 =	vand.u32 $0x3FF80, v46;
	v38 =	vmul.f32 v36, v31;
	v33 =	vmov s20;
	s20 =	smov.u32 s19;
	s19 =	smov.u32 s23  }
0x2fd: {  	s22 =	sadd.s32 $0x20, s22;
	v40 =	vor.u32 v45, v40;
	v35 =	vsub.f32 v35, v43;
	v39 =	vld.idx.msk [tilespmem:v39+s2+$0x0], $0xffff;
	v34 =	vnsel vm0, $0x0, v34  }
0x2fe: {  	v4 =	vadd.f32 v30, v16  }
0x2ff: {  	v5 =	vadd.f32 v29, v18  }
0x300: {  	v6 =	vadd.f32 v28, v20;
	v8 =	vadd.f32 $5.000000000e-01, v4  }
0x301: {  	v9 =	vadd.f32 $5.000000000e-01, v5  }
0x302: {  	v10 =	vadd.f32 $5.000000000e-01, v6;
	v8 =	vmul.f32 $3.200000000e+01, v8  }
0x303: {  	v9 =	vmul.f32 $3.200000000e+01, v9  }
0x304: {  	v10 =	vmul.f32 $3.200000000e+01, v10;
	v8 =	vtrunc.f32 v8  }
0x305: {  	v9 =	vtrunc.f32 v9;
	v8 =	vcvt.f32.s32 v8  }
0x306: {  	v9 =	vcvt.f32.s32 v9  }
0x307: {  	v10 =	vtrunc.f32 v10;
	vm0 =	vgt.s32 v8, $0x0  }
0x308: {  	v10 =	vcvt.f32.s32 v10;
	vm9 =	vgt.s32 v9, $0x0;
	v8 =	vnsel vm0, $0x0, v8  }
0x309: {  	v9 =	vnsel vm9, $0x0, v9;
	v8 =	vmin.u32 v8, $0x1F  }
0x30a: {  	vm10 =	vgt.s32 v10, $0x0;
	v9 =	vmin.u32 v9, $0x1F;
	v8 =	vmul.u32 $0xC00, v8  }
0x30b: {  	v10 =	vnsel vm10, $0x0, v10;
	v9 =	vshll.u32 v9, $0x5  }
0x30c: {  	v10 =	vmin.u32 v10, $0x1F;
	v8 =	vor.u32 v9, v8  }
0x30d: {  	v9 =	vor.u32 v10, v8;
	v29 =	vadd.s32 $0x400, v8  }
0x30e: {  	v11 =	vand.u32 $0x7F, v9;
	v10 =	vand.u32 $0x3FF80, v29  }
0x30f: {  	v8 =	vadd.s32 $0x800, v8;
	v10 =	vor.u32 v11, v10  }
0x310: {  	v8 =	vand.u32 $0x3FF80, v8  }
0x311: {  	v8 =	vor.u32 v11, v8;
	_ =	sdelay $0x1  }
0x312: {  	v9 =	vld.idx.msk [tilespmem:v9+s2+$0x0], $0xffff  }
0x313: {  	v10 =	vld.idx.msk [tilespmem:v10+s2+$0x0], $0xffff  }
0x314: {  	v14 =	vld.idx.msk [tilespmem:v37+s2+$0x0], $0xffff  }
0x315: {  	v30 =	vsub.f32 v25, v41;
	v12 =	vmul.f32 v42, v42;
	v13 =	vmul.f32 v35, v35;
	v8 =	vld.idx.msk [tilespmem:v8+s2+$0x0], $0xffff  }
0x316: {  	v41 =	vld.idx.msk [tilespmem:v40+s2+$0x0], $0xffff  }
0x317: {  	v12 =	vadd.f32 v13, v12;
	v42 =	vsub.f32 v27, v39;
	v11 =	vmul.f32 v30, v30  }
0x318: {  	v4 =	vsub.f32 v4, v9;
	v5 =	vsub.f32 v5, v10  }
0x319: {  	v44 =	vsub.f32 v24, v14;
	v11 =	vadd.f32 v12, v11  }
0x31a: {  	v6 =	vsub.f32 v6, v8;
	v4 =	vmul.f32 v4, v4;
	v5 =	vmul.f32 v5, v5  }
0x31b: {  	v46 =	vsub.f32 v26, v41;
	v47 =	vmul.f32 v42, v42;
	v10 =	vmul.f32 v44, v44  }
0x31c: {  	v43 =	vadd.f32 $9.999999960e-13, v11;
	v4 =	vadd.f32 v5, v4;
	v5 =	vmul.f32 v6, v6  }
0x31d: {  	v11 =	vmul.f32 v46, v46;
	v10 =	vadd.f32 v10, v47  }
0x31e: {  	v45 =	vshrl.u32 v43, $0x1;
	v6 =	vmul.f32 $5.000000000e-01, v43;
	v4 =	vadd.f32 v4, v5  }
0x31f: {  	v8 =	vsub.s32 $0x5F3759DF, v45;
	v10 =	vadd.f32 v10, v11  }
0x320: {  	v5 =	vmul.f32 v8, v6;
	v4 =	vadd.f32 $9.999999960e-13, v4  }
0x321: {  	v50 =	vmul.f32 v36, v38;
	v10 =	vadd.f32 $9.999999960e-13, v10  }
0x322: {  	v5 =	vmul.f32 v8, v5;
	v48 =	vshrl.u32 v4, $0x1;
	v49 =	vmul.f32 $5.000000000e-01, v4  }
0x323: {  	v51 =	vshrl.u32 v10, $0x1;
	v52 =	vmul.f32 $5.000000000e-01, v10;
	v11 =	vsub.s32 $0x5F3759DF, v48  }
0x324: {  	v53 =	vsub.s32 $0x5F3759DF, v51;
	v5 =	vsub.f32 $1.500000000e+00, v5;
	v17 =	vmul.f32 v11, v49  }
0x325: {  	v13 =	vsub.f32 $1.500000000e+00, v50;
	v14 =	vmul.f32 v53, v52  }
0x326: {  	v5 =	vmul.f32 v8, v5;
	v17 =	vmul.f32 v11, v17  }
0x327: {  	v13 =	vmul.f32 v36, v13;
	v14 =	vmul.f32 v53, v14  }
0x328: {  	v54 =	vmul.f32 v5, v6;
	v17 =	vsub.f32 $1.500000000e+00, v17  }
0x329: {  	v19 =	vmul.f32 v13, v31;
	v14 =	vsub.f32 $1.500000000e+00, v14  }
0x32a: {  	v18 =	vmul.f32 v54, v5;
	v11 =	vmul.f32 v11, v17  }
0x32b: {  	v55 =	vmul.f32 v19, v13;
	v8 =	vmul.f32 v53, v14  }
0x32c: {  	v18 =	vsub.f32 $1.500000000e+00, v18;
	v56 =	vmul.f32 v11, v49  }
0x32d: {  	v17 =	vsub.f32 $1.500000000e+00, v55;
	v57 =	vmul.f32 v8, v52  }
0x32e: {  	v5 =	vmul.f32 v18, v5;
	v14 =	vmul.f32 v56, v11  }
0x32f: {  	v13 =	vmul.f32 v17, v13;
	v58 =	vmul.f32 v57, v8  }
0x330: {  	v6 =	vmul.f32 v5, v6;
	v14 =	vsub.f32 $1.500000000e+00, v14  }
0x331: {  	v59 =	vmul.f32 v13, v31;
	v17 =	vsub.f32 $1.500000000e+00, v58  }
0x332: {  	v6 =	vmul.f32 v6, v5;
	v11 =	vmul.f32 v14, v11  }
0x333: {  	v60 =	vmul.f32 v59, v13;
	v8 =	vmul.f32 v17, v8  }
0x334: {  	v7 =	vadd.f32 v34, v7;
	v6 =	vsub.f32 $1.500000000e+00, v6;
	v12 =	vmul.f32 v11, v49  }
0x335: {  	vm11 =	vlt.u32 v33, v22;
	v14 =	vsub.f32 $1.500000000e+00, v60;
	v16 =	vmul.f32 v8, v52  }
0x336: {  	v5 =	vmul.f32 v6, v5;
	v6 =	vnsel vm11, $0x0, v32;
	v12 =	vmul.f32 v12, v11  }
0x337: {  	v61 =	vmul.f32 v16, v8;
	v6 =	vadd.f32 v6, v7  }
0x338: {  	v7 =	vmul.f32 v14, v13;
	v5 =	vmul.f32 v5, v43;
	v12 =	vsub.f32 $1.500000000e+00, v12  }
0x339: {  	vm12 =	vlt.u32 v15, v22;
	v62 =	vmov s20;
	v9 =	vsub.f32 $1.500000000e+00, v61  }
0x33a: {  	v7 =	vmul.f32 v7, v23;
	v5 =	vnsel vm12, $0x0, v5;
	v11 =	vmul.f32 v12, v11  }
0x33b: {  	vm13 =	vlt.u32 v62, v22;
	v5 =	vadd.f32 v5, v6  }
0x33c: {  	v6 =	vnsel vm13, $0x0, v7;
	v7 =	vmul.f32 v9, v8;
	v4 =	vmul.f32 v11, v4  }
0x33d: {  	vm14 =	vlt.u32 v21, v22;
	v5 =	vadd.f32 v6, v5  }
0x33e: {  	v63 =	vld [tilespmem:$0x19300];
	v6 =	vmul.f32 v7, v10;
	v7 =	vmov s19;
	v4 =	vnsel vm14, $0x0, v4  }
0x33f: {  	vm15 =	vlt.u32 v7, v22;
	v4 =	vadd.f32 v4, v5  }
0x340: {  	v5 =	vnsel vm15, $0x0, v6  }
.Ltmp12:
0x341: {  	v4 =	vadd.f32 v5, v4;
	(pc) =	sbr.rel .LBB2_14-.Ltmp12, $3  }
0x342: {  	_ = 	snop  }
0x343: {  	v4 =	vadd.f32 v63, v4;
	_ =	sdelay $0x1  }
0x344: {  	[tilespmem:$0x19300] =	vst v4  }
.LBB2_16:
0x345: {  	_ =	sfence.sel $0x180000  }
0x346: {  	[bflag:$0x0] =	sbarrier.arrive $0xFFFF  }
0x347: {  	p0 =	sne.s32 s0, $0x0;
	_ =	strace $0x90000047  }
0x348: {  	s0 =	sadd.s32 @!p0 $0x100000, s1;
	[bflag:$0x2] =	sbarrier.arrive $0xFFFF  }
0x349: {  	[sflag:s0] =	ssyncadd.tile.s32 @!p0 $0x1;
	_ =	shalt  }
.Lfunc_end2:
_tile_overlayer_lowered:
.L_overlay_start_2:
0x34a: {  	(tag) =	ssettag $0x2  }
0x34b: {  	s0 =	rddreg [dreg:$0x0];
	s2 =	stileid.u32  }
0x34c: {  	s1 =	rddreg [dreg:$0x1];
	p0 =	sne.s32 s2, $0x0  }
0x34d: {  	s3 =	rddreg [dreg:$0x2];
	[bflag:$0x3] =	sbarrier.arrive $0xFFFF;
	s2 =	simm.s32 @!p0 $0x1C02  }
0x34e: {  	[timem:s3], [sflag:s2] =	dma.local @!p0 [hbm:s0], s1  }
0x34f: {  	s0 =	simm.s32 @!p0 $0x2  }
0x350: {  	_ =	swait.ge @!p0 [sflag:s0], s1  }
0x351: {  	s1 =	ssub.s32 @!p0 $0x0, s1;
	[sflag:s0] =	ssyncset.done @!p0 $0x0  }
0x352: {  	[sflag:s0] =	ssyncadd.s32 @!p0 s1  }
0x353: {  	[bflag:$0x3] =	sbarrier.arrive $0xFFFF  }
0x354: {  	_ =	shalt  }

</sc_bundles>
